<compile_context>
chip_gen: v7x
topology: tpu7x:2x2x1
jax: 0.10.2.dev20260603
libtpu: 0.0.44.dev20260713+nightly
codegen_flags: <defaults>
</compile_context>

<pallas_src>
import functools

import jax
import jax.numpy as jnp
from jax import lax
from jax.experimental import pallas as pl
from jax.experimental.pallas import tpu as pltpu
from jax.experimental.pallas import tpu_sc as plsc

N = 10000
NP = 10240
D = 128
E = 320000
NCORES = 2
NSUB = 16
NW = NCORES * NSUB
CH = 128
NCHUNK = 80
NSLAB = 2
SLAB = NCHUNK // NSLAB
EPAD = NW * NCHUNK * CH
ROWS_PER_TILE = NP // NSUB
NCOPY = ROWS_PER_TILE // CH

_mesh = plsc.VectorSubcoreMesh(
    core_axis_name="c", subcore_axis_name="s",
    num_cores=NCORES, num_subcores=NSUB)


@functools.partial(
    pl.kernel,
    out_type=jax.ShapeDtypeStruct((NCORES, NP, 16), jnp.float32),
    mesh=_mesh,
    scratch_types=[
        pltpu.VMEM((NCHUNK, CH), jnp.int32),
        pltpu.VMEM((CH, 16), jnp.float32),
        pltpu.VMEM((CH, 16), jnp.float32),
        pltpu.VMEM_SHARED((NP, 16), jnp.float32),
    ],
)
def _deg_kernel(dst_hbm, out_hbm, idx_v, ones_v, zeros_v, deg_sh):
    c = lax.axis_index("c")
    s = lax.axis_index("s")
    wid = c * NSUB + s

    def fill(i, _):
        ones_v[i, :] = jnp.full((16,), 1.0, jnp.float32)
        zeros_v[i, :] = jnp.zeros((16,), jnp.float32)
        return 0
    lax.fori_loop(0, CH, fill, 0)

    base = s * ROWS_PER_TILE
    for k in range(NCOPY):
        pltpu.sync_copy(zeros_v, deg_sh.at[pl.ds(base + k * CH, CH)])
    pltpu.sync_copy(dst_hbm.at[wid], idx_v)
    plsc.subcore_barrier()

    def body(j, _):
        pltpu.sync_copy(ones_v, deg_sh.at[idx_v.at[j]], add=True)
        return 0
    lax.fori_loop(0, NCHUNK, body, 0)

    plsc.subcore_barrier()
    for k in range(NCOPY):
        pltpu.sync_copy(deg_sh.at[pl.ds(base + k * CH, CH)],
                        out_hbm.at[c, pl.ds(base + k * CH, CH)])


@functools.partial(
    pl.kernel,
    out_type=jax.ShapeDtypeStruct((NCORES, NP, D), jnp.float32),
    mesh=_mesh,
    scratch_types=[
        pltpu.VMEM((SLAB, CH), jnp.int32),
        pltpu.VMEM((SLAB, CH), jnp.int32),
        pltpu.VMEM((CH, D), jnp.float32),
        pltpu.VMEM((CH, D), jnp.float32),
        pltpu.VMEM_SHARED((NP, D), jnp.float32),
        pltpu.SemaphoreType.DMA,
        pltpu.SemaphoreType.DMA,
    ],
)
def _agg_kernel(hs_hbm, src_hbm, dst_hbm, out_hbm,
                src_v, dst_v, buf0, buf1, agg_sh, sem0, sem1):
    c = lax.axis_index("c")
    s = lax.axis_index("s")
    wid = c * NSUB + s

    def fill(i, _):
        for q in range(D // 16):
            buf0[i, pl.ds(q * 16, 16)] = jnp.zeros((16,), jnp.float32)
        return 0
    lax.fori_loop(0, CH, fill, 0)

    base = s * ROWS_PER_TILE
    for k in range(NCOPY):
        pltpu.sync_copy(buf0, agg_sh.at[pl.ds(base + k * CH, CH)])
    plsc.subcore_barrier()

    bufs = (buf0, buf1)
    sems = (sem0, sem1)
    for p in range(NSLAB):
        pltpu.sync_copy(src_hbm.at[wid, pl.ds(p * SLAB, SLAB)], src_v)
        pltpu.sync_copy(dst_hbm.at[wid, pl.ds(p * SLAB, SLAB)], dst_v)
        pltpu.async_copy(hs_hbm.at[src_v.at[0]], buf0, sem0)
        pltpu.async_copy(hs_hbm.at[src_v.at[1]], buf1, sem1)

        def body(g, _):
            for b in range(2):
                j = 2 * g + b
                pltpu.make_async_copy(
                    hs_hbm.at[src_v.at[j]], bufs[b], sems[b]).wait()
                pltpu.sync_copy(bufs[b], agg_sh.at[dst_v.at[j]], add=True)

                @pl.when(j + 2 < SLAB)
                def _():
                    pltpu.async_copy(hs_hbm.at[src_v.at[j + 2]], bufs[b], sems[b])
            return 0
        lax.fori_loop(0, SLAB // 2, body, 0)

    plsc.subcore_barrier()
    for k in range(NCOPY):
        pltpu.sync_copy(agg_sh.at[pl.ds(base + k * CH, CH)],
                        out_hbm.at[c, pl.ds(base + k * CH, CH)])


BLK = 1024
GRID = NP // BLK


def _dinv(deg0_ref, deg1_ref):
    deg = deg0_ref[:, 0:1] + deg1_ref[:, 0:1] + 1.0
    return lax.rsqrt(deg)


def _tc1_body(deg0_ref, deg1_ref, x_ref, w_ref, out_ref):
    dinv = _dinv(deg0_ref, deg1_ref)
    h = jnp.dot(x_ref[...], w_ref[...], preferred_element_type=jnp.float32)
    out_ref[...] = h * dinv


def _tc2_body(deg0_ref, deg1_ref, a0_ref, a1_ref, hs_ref, w_ref, b_ref,
              out_ref):
    dinv = _dinv(deg0_ref, deg1_ref)
    o1 = (a0_ref[...] + a1_ref[...] + hs_ref[...]) * dinv + b_ref[...]
    r = jnp.maximum(o1, 0.0)
    h2 = jnp.dot(r, w_ref[...], preferred_element_type=jnp.float32)
    out_ref[...] = h2 * dinv


def _tc3_body(deg0_ref, deg1_ref, a0_ref, a1_ref, hs_ref, b_ref, out_ref):
    dinv = _dinv(deg0_ref, deg1_ref)
    out_ref[...] = (a0_ref[...] + a1_ref[...] + hs_ref[...]) * dinv + b_ref[...]


def _spec_rows(width):
    return pl.BlockSpec((BLK, width), lambda i: (i, 0))


_tc1 = pl.pallas_call(
    _tc1_body,
    grid=(GRID,),
    in_specs=[
        _spec_rows(16), _spec_rows(16), _spec_rows(D),
        pl.BlockSpec((D, D), lambda i: (0, 0)),
    ],
    out_specs=_spec_rows(D),
    out_shape=jax.ShapeDtypeStruct((NP, D), jnp.float32),
)

_tc2 = pl.pallas_call(
    _tc2_body,
    grid=(GRID,),
    in_specs=[
        _spec_rows(16), _spec_rows(16), _spec_rows(D), _spec_rows(D),
        _spec_rows(D),
        pl.BlockSpec((D, D), lambda i: (0, 0)),
        pl.BlockSpec((1, D), lambda i: (0, 0)),
    ],
    out_specs=_spec_rows(D),
    out_shape=jax.ShapeDtypeStruct((NP, D), jnp.float32),
)

_tc3 = pl.pallas_call(
    _tc3_body,
    grid=(GRID,),
    in_specs=[
        _spec_rows(16), _spec_rows(16), _spec_rows(D), _spec_rows(D),
        _spec_rows(D),
        pl.BlockSpec((1, D), lambda i: (0, 0)),
    ],
    out_specs=_spec_rows(D),
    out_shape=jax.ShapeDtypeStruct((NP, D), jnp.float32),
)


def kernel(x, edge_index, W1, b1, W2, b2):
    src = edge_index[0].astype(jnp.int32)
    dst = edge_index[1].astype(jnp.int32)
    pad = jnp.full((EPAD - E,), N, jnp.int32)
    srcs = jnp.concatenate([src, pad]).reshape(NW, NCHUNK, CH)
    dsts = jnp.concatenate([dst, pad]).reshape(NW, NCHUNK, CH)
    xp = jnp.pad(x, ((0, NP - N), (0, 0)))

    degs = _deg_kernel(dsts)
    deg0, deg1 = degs[0], degs[1]

    hs1 = _tc1(deg0, deg1, xp, W1)
    agg1 = _agg_kernel(hs1, srcs, dsts)
    hs2 = _tc2(deg0, deg1, agg1[0], agg1[1], hs1, W2, b1.reshape(1, D))
    agg2 = _agg_kernel(hs2, srcs, dsts)
    out = _tc3(deg0, deg1, agg2[0], agg2[1], hs2, b2.reshape(1, D))
    return out[:N]

# --- scband reference (transcript-rebuilt; emitter-appended) ---
"""Pipeline reference for scband-gnn-39058432589889 (READ-ONLY COPY).

The authoritative reference and input builder live on the scoring server;
editing this copy changes nothing except your own understanding.
"""

import jax, jax.numpy as jnp
import numpy as np

NUM_NODES = 10000
D_FEAT = 128
HIDDEN = 128
OUT = 128
N_EDGES = 320000


def gcn_conv(x, edge_index, W, b):
    n = x.shape[0]
    src = edge_index[0]
    dst = edge_index[1]
    loop = jnp.arange(n, dtype=src.dtype)
    src = jnp.concatenate([src, loop])
    dst = jnp.concatenate([dst, loop])
    deg = jnp.zeros((n,), dtype=x.dtype).at[dst].add(1.0)
    deg_inv_sqrt = 1.0 / jnp.sqrt(deg)
    norm = deg_inv_sqrt[src] * deg_inv_sqrt[dst]
    h = x @ W
    msgs = h[src] * norm[:, None]
    out = jnp.zeros((n, h.shape[1]), dtype=x.dtype).at[dst].add(msgs)
    return out + b


def setup_inputs(seed: int = 0) -> dict:
    key = jax.random.key(seed)
    k1, k2, k3, k4, k5, k6 = jax.random.split(key, 6)
    x = jax.random.normal(k1, (NUM_NODES, D_FEAT), dtype=jnp.float32)
    edge_index = jax.random.randint(k2, (2, N_EDGES), 0, NUM_NODES, dtype=jnp.int64)
    s1 = 1.0 / np.sqrt(D_FEAT)
    s2 = 1.0 / np.sqrt(HIDDEN)
    W1 = jax.random.uniform(k3, (D_FEAT, HIDDEN), dtype=jnp.float32, minval=-s1, maxval=s1)
    b1 = jnp.zeros((HIDDEN,), dtype=jnp.float32)
    W2 = jax.random.uniform(k4, (HIDDEN, OUT), dtype=jnp.float32, minval=-s2, maxval=s2)
    b2 = jnp.zeros((OUT,), dtype=jnp.float32)
    return {"x": x, "edge_index": edge_index, "W1": W1, "b1": b1, "W2": W2, "b2": b2}


def reference(x, edge_index, W1, b1, W2, b2):
    h = gcn_conv(x, edge_index, W1, b1)
    h = jax.nn.relu(h)
    # dropout is identity in eval mode (training=False)
    out = gcn_conv(h, edge_index, W2, b2)
    return out

if __name__ == "__main__":
    import jax
    _d = setup_inputs()
    print(jax.jit(kernel)(*tuple(_d.values())))

</pallas_src>

<mosaic_0001>
#map = affine_map<(d0, d1) -> (0, 0, 0)>
module attributes {stable_mosaic.version = 14 : i64} {
  func.func @_deg_kernel(%arg0: i32, %arg1: i32, %arg2: memref<32x80x128xi32, #tpu.memory_space<hbm>>, %arg3: memref<2x10240x16xf32, #tpu.memory_space<hbm>>, %arg4: memref<80x128xi32, #tpu.memory_space<vmem>>, %arg5: memref<128x16xf32, #tpu.memory_space<vmem>>, %arg6: memref<128x16xf32, #tpu.memory_space<vmem>>, %arg7: memref<10240x16xf32, #tpu.memory_space<vmem_shared>>) attributes {dimension_semantics = [#tpu.dimension_semantics<core_parallel>, #tpu.dimension_semantics<subcore_parallel>], iteration_bounds = array<i64: 2, 16>, scalar_prefetch = 0 : i64, scratch_operands = 4 : i64, tpu.core_type = #tpu.core_type<sc_vector_subcore>, window_params = [{transform_indices = #map}, {transform_indices = #map}]} {
    %mul3A = arith.constant 16 : i32
    %mul3A_0 = arith.muli %arg0, %mul3A : i32
    %add3A = arith.addi %mul3A_0, %arg1 : i32
    %scan3A = arith.constant 0 : i32
    %scan3A_1 = arith.constant 0 : i32
    %scan3A_2 = arith.constant 128 : i32
    %scan3A_3 = arith.addi %scan3A_1, %scan3A_2 : i32
    %scan3A_4 = arith.constant 1 : i32
    %scan3A_5 = scf.for %scan3A_47 = %scan3A_1 to %scan3A_3 step %scan3A_4 iter_args(%scan3A_48 = %scan3A) -> (i32)  : i32 {
      %broadcast_in_dim3A = arith.constant 1.000000e+00 : f32
      %broadcast_in_dim3A_49 = vector.broadcast %broadcast_in_dim3A : f32 to vector<16xf32>
      %swap3A = arith.index_cast %scan3A_47 : i32 to index
      %swap3A_50 = arith.constant 0 : index
      %swap3A_51 = tpu.vector_load %arg5[%swap3A, %swap3A_50] {strides = array<i32>} : memref<128x16xf32, #tpu.memory_space<vmem>>, vector<1x16xf32>,
      %swap3A_52 = vector.shape_cast %swap3A_51 : vector<1x16xf32> to vector<16xf32>
      %swap3A_53 = vector.shape_cast %broadcast_in_dim3A_49 : vector<16xf32> to vector<1x16xf32>
      tpu.vector_store %arg5[%swap3A, %swap3A_50], %swap3A_53 {strides = array<i32>} : memref<128x16xf32, #tpu.memory_space<vmem>>, vector<1x16xf32>,
      %broadcast_in_dim3A_54 = arith.constant 0.000000e+00 : f32
      %broadcast_in_dim3A_55 = vector.broadcast %broadcast_in_dim3A_54 : f32 to vector<16xf32>
      %swap3A_56 = arith.index_cast %scan3A_47 : i32 to index
      %swap3A_57 = arith.constant 0 : index
      %swap3A_58 = tpu.vector_load %arg6[%swap3A_56, %swap3A_57] {strides = array<i32>} : memref<128x16xf32, #tpu.memory_space<vmem>>, vector<1x16xf32>,
      %swap3A_59 = vector.shape_cast %swap3A_58 : vector<1x16xf32> to vector<16xf32>
      %swap3A_60 = vector.shape_cast %broadcast_in_dim3A_55 : vector<16xf32> to vector<1x16xf32>
      tpu.vector_store %arg6[%swap3A_56, %swap3A_57], %swap3A_60 {strides = array<i32>} : memref<128x16xf32, #tpu.memory_space<vmem>>, vector<1x16xf32>,
      %scan3A_61 = arith.constant 0 : i32
      scf.yield %scan3A_61 : i32
    }
    %scan3A_6 = arith.constant 128 : i32
    %mul3A_7 = arith.constant 640 : i32
    %mul3A_8 = arith.muli %arg1, %mul3A_7 : i32
    %add3A_9 = arith.constant 0 : i32
    %add3A_10 = arith.addi %mul3A_8, %add3A_9 : i32
    "tpu.region"() ({
      %run_scoped3A = tpu.sem_alloc : memref<!tpu.dma_semaphore, #tpu.memory_space<semaphore_mem>>
      %dma_start3A = arith.constant 0 : i32
      %dma_start3A_47 = tpu.memref_slice %arg7[%add3A_10, %dma_start3A] : memref<10240x16xf32, #tpu.memory_space<vmem_shared>> -> memref<128x16xf32, #tpu.memory_space<vmem_shared>>
      %dma_start3A_48 = arith.constant 0 : i32
      %dma_start3A_49 = tpu.memref_slice %arg7[%add3A_10, %dma_start3A_48] : memref<10240x16xf32, #tpu.memory_space<vmem_shared>> -> memref<128x16xf32, #tpu.memory_space<vmem_shared>>
      tpu.enqueue_dma source(%arg6 : memref<128x16xf32, #tpu.memory_space<vmem>>) target(%dma_start3A_49 : memref<128x16xf32, #tpu.memory_space<vmem_shared>>) target_semaphore(%run_scoped3A : memref<!tpu.dma_semaphore, #tpu.memory_space<semaphore_mem>>)
      %dma_wait3A = arith.constant 0 : i32
      %dma_wait3A_50 = tpu.memref_slice %arg7[%add3A_10, %dma_wait3A] : memref<10240x16xf32, #tpu.memory_space<vmem_shared>> -> memref<128x16xf32, #tpu.memory_space<vmem_shared>>
      %dma_wait3A_51 = arith.constant 0 : i32
      %dma_wait3A_52 = tpu.memref_slice %arg7[%add3A_10, %dma_wait3A_51] : memref<10240x16xf32, #tpu.memory_space<vmem_shared>> -> memref<128x16xf32, #tpu.memory_space<vmem_shared>>
      tpu.wait_dma2 semaphore(%run_scoped3A : memref<!tpu.dma_semaphore, #tpu.memory_space<semaphore_mem>>) src(%arg6 : memref<128x16xf32, #tpu.memory_space<vmem>>) dst(%dma_wait3A_52 : memref<128x16xf32, #tpu.memory_space<vmem_shared>>)
      tpu.yield
    }) : () -> ()
    %add3A_11 = arith.constant 128 : i32
    %add3A_12 = arith.addi %mul3A_8, %add3A_11 : i32
    "tpu.region"() ({
      %run_scoped3A = tpu.sem_alloc : memref<!tpu.dma_semaphore, #tpu.memory_space<semaphore_mem>>
      %dma_start3A = arith.constant 0 : i32
      %dma_start3A_47 = tpu.memref_slice %arg7[%add3A_12, %dma_start3A] : memref<10240x16xf32, #tpu.memory_space<vmem_shared>> -> memref<128x16xf32, #tpu.memory_space<vmem_shared>>
      %dma_start3A_48 = arith.constant 0 : i32
      %dma_start3A_49 = tpu.memref_slice %arg7[%add3A_12, %dma_start3A_48] : memref<10240x16xf32, #tpu.memory_space<vmem_shared>> -> memref<128x16xf32, #tpu.memory_space<vmem_shared>>
      tpu.enqueue_dma source(%arg6 : memref<128x16xf32, #tpu.memory_space<vmem>>) target(%dma_start3A_49 : memref<128x16xf32, #tpu.memory_space<vmem_shared>>) target_semaphore(%run_scoped3A : memref<!tpu.dma_semaphore, #tpu.memory_space<semaphore_mem>>)
      %dma_wait3A = arith.constant 0 : i32
      %dma_wait3A_50 = tpu.memref_slice %arg7[%add3A_12, %dma_wait3A] : memref<10240x16xf32, #tpu.memory_space<vmem_shared>> -> memref<128x16xf32, #tpu.memory_space<vmem_shared>>
      %dma_wait3A_51 = arith.constant 0 : i32
      %dma_wait3A_52 = tpu.memref_slice %arg7[%add3A_12, %dma_wait3A_51] : memref<10240x16xf32, #tpu.memory_space<vmem_shared>> -> memref<128x16xf32, #tpu.memory_space<vmem_shared>>
      tpu.wait_dma2 semaphore(%run_scoped3A : memref<!tpu.dma_semaphore, #tpu.memory_space<semaphore_mem>>) src(%arg6 : memref<128x16xf32, #tpu.memory_space<vmem>>) dst(%dma_wait3A_52 : memref<128x16xf32, #tpu.memory_space<vmem_shared>>)
      tpu.yield
    }) : () -> ()
    %add3A_13 = arith.constant 256 : i32
    %add3A_14 = arith.addi %mul3A_8, %add3A_13 : i32
    "tpu.region"() ({
      %run_scoped3A = tpu.sem_alloc : memref<!tpu.dma_semaphore, #tpu.memory_space<semaphore_mem>>
      %dma_start3A = arith.constant 0 : i32
      %dma_start3A_47 = tpu.memref_slice %arg7[%add3A_14, %dma_start3A] : memref<10240x16xf32, #tpu.memory_space<vmem_shared>> -> memref<128x16xf32, #tpu.memory_space<vmem_shared>>
      %dma_start3A_48 = arith.constant 0 : i32
      %dma_start3A_49 = tpu.memref_slice %arg7[%add3A_14, %dma_start3A_48] : memref<10240x16xf32, #tpu.memory_space<vmem_shared>> -> memref<128x16xf32, #tpu.memory_space<vmem_shared>>
      tpu.enqueue_dma source(%arg6 : memref<128x16xf32, #tpu.memory_space<vmem>>) target(%dma_start3A_49 : memref<128x16xf32, #tpu.memory_space<vmem_shared>>) target_semaphore(%run_scoped3A : memref<!tpu.dma_semaphore, #tpu.memory_space<semaphore_mem>>)
      %dma_wait3A = arith.constant 0 : i32
      %dma_wait3A_50 = tpu.memref_slice %arg7[%add3A_14, %dma_wait3A] : memref<10240x16xf32, #tpu.memory_space<vmem_shared>> -> memref<128x16xf32, #tpu.memory_space<vmem_shared>>
      %dma_wait3A_51 = arith.constant 0 : i32
      %dma_wait3A_52 = tpu.memref_slice %arg7[%add3A_14, %dma_wait3A_51] : memref<10240x16xf32, #tpu.memory_space<vmem_shared>> -> memref<128x16xf32, #tpu.memory_space<vmem_shared>>
      tpu.wait_dma2 semaphore(%run_scoped3A : memref<!tpu.dma_semaphore, #tpu.memory_space<semaphore_mem>>) src(%arg6 : memref<128x16xf32, #tpu.memory_space<vmem>>) dst(%dma_wait3A_52 : memref<128x16xf32, #tpu.memory_space<vmem_shared>>)
      tpu.yield
    }) : () -> ()
    %add3A_15 = arith.constant 384 : i32
    %add3A_16 = arith.addi %mul3A_8, %add3A_15 : i32
    "tpu.region"() ({
      %run_scoped3A = tpu.sem_alloc : memref<!tpu.dma_semaphore, #tpu.memory_space<semaphore_mem>>
      %dma_start3A = arith.constant 0 : i32
      %dma_start3A_47 = tpu.memref_slice %arg7[%add3A_16, %dma_start3A] : memref<10240x16xf32, #tpu.memory_space<vmem_shared>> -> memref<128x16xf32, #tpu.memory_space<vmem_shared>>
      %dma_start3A_48 = arith.constant 0 : i32
      %dma_start3A_49 = tpu.memref_slice %arg7[%add3A_16, %dma_start3A_48] : memref<10240x16xf32, #tpu.memory_space<vmem_shared>> -> memref<128x16xf32, #tpu.memory_space<vmem_shared>>
      tpu.enqueue_dma source(%arg6 : memref<128x16xf32, #tpu.memory_space<vmem>>) target(%dma_start3A_49 : memref<128x16xf32, #tpu.memory_space<vmem_shared>>) target_semaphore(%run_scoped3A : memref<!tpu.dma_semaphore, #tpu.memory_space<semaphore_mem>>)
      %dma_wait3A = arith.constant 0 : i32
      %dma_wait3A_50 = tpu.memref_slice %arg7[%add3A_16, %dma_wait3A] : memref<10240x16xf32, #tpu.memory_space<vmem_shared>> -> memref<128x16xf32, #tpu.memory_space<vmem_shared>>
      %dma_wait3A_51 = arith.constant 0 : i32
      %dma_wait3A_52 = tpu.memref_slice %arg7[%add3A_16, %dma_wait3A_51] : memref<10240x16xf32, #tpu.memory_space<vmem_shared>> -> memref<128x16xf32, #tpu.memory_space<vmem_shared>>
      tpu.wait_dma2 semaphore(%run_scoped3A : memref<!tpu.dma_semaphore, #tpu.memory_space<semaphore_mem>>) src(%arg6 : memref<128x16xf32, #tpu.memory_space<vmem>>) dst(%dma_wait3A_52 : memref<128x16xf32, #tpu.memory_space<vmem_shared>>)
      tpu.yield
    }) : () -> ()
    %add3A_17 = arith.constant 512 : i32
    %add3A_18 = arith.addi %mul3A_8, %add3A_17 : i32
    "tpu.region"() ({
      %run_scoped3A = tpu.sem_alloc : memref<!tpu.dma_semaphore, #tpu.memory_space<semaphore_mem>>
      %dma_start3A = arith.constant 0 : i32
      %dma_start3A_47 = tpu.memref_slice %arg7[%add3A_18, %dma_start3A] : memref<10240x16xf32, #tpu.memory_space<vmem_shared>> -> memref<128x16xf32, #tpu.memory_space<vmem_shared>>
      %dma_start3A_48 = arith.constant 0 : i32
      %dma_start3A_49 = tpu.memref_slice %arg7[%add3A_18, %dma_start3A_48] : memref<10240x16xf32, #tpu.memory_space<vmem_shared>> -> memref<128x16xf32, #tpu.memory_space<vmem_shared>>
      tpu.enqueue_dma source(%arg6 : memref<128x16xf32, #tpu.memory_space<vmem>>) target(%dma_start3A_49 : memref<128x16xf32, #tpu.memory_space<vmem_shared>>) target_semaphore(%run_scoped3A : memref<!tpu.dma_semaphore, #tpu.memory_space<semaphore_mem>>)
      %dma_wait3A = arith.constant 0 : i32
      %dma_wait3A_50 = tpu.memref_slice %arg7[%add3A_18, %dma_wait3A] : memref<10240x16xf32, #tpu.memory_space<vmem_shared>> -> memref<128x16xf32, #tpu.memory_space<vmem_shared>>
      %dma_wait3A_51 = arith.constant 0 : i32
      %dma_wait3A_52 = tpu.memref_slice %arg7[%add3A_18, %dma_wait3A_51] : memref<10240x16xf32, #tpu.memory_space<vmem_shared>> -> memref<128x16xf32, #tpu.memory_space<vmem_shared>>
      tpu.wait_dma2 semaphore(%run_scoped3A : memref<!tpu.dma_semaphore, #tpu.memory_space<semaphore_mem>>) src(%arg6 : memref<128x16xf32, #tpu.memory_space<vmem>>) dst(%dma_wait3A_52 : memref<128x16xf32, #tpu.memory_space<vmem_shared>>)
      tpu.yield
    }) : () -> ()
    "tpu.region"() ({
      %run_scoped3A = tpu.sem_alloc : memref<!tpu.dma_semaphore, #tpu.memory_space<semaphore_mem>>
      %dma_start3A = arith.constant 0 : i32
      %dma_start3A_47 = arith.constant 0 : i32
      %dma_start3A_48 = tpu.memref_slice %arg2[%add3A, %dma_start3A, %dma_start3A_47] : memref<32x80x128xi32, #tpu.memory_space<hbm>> -> memref<1x80x128xi32, #tpu.memory_space<hbm>>
      %dma_start3A_49 = tpu.memref_squeeze %dma_start3A_48 : memref<1x80x128xi32, #tpu.memory_space<hbm>> -> memref<80x128xi32, #tpu.memory_space<hbm>>
      %dma_start3A_50 = arith.constant 0 : i32
      %dma_start3A_51 = arith.constant 0 : i32
      %dma_start3A_52 = tpu.memref_slice %arg2[%add3A, %dma_start3A_50, %dma_start3A_51] : memref<32x80x128xi32, #tpu.memory_space<hbm>> -> memref<1x80x128xi32, #tpu.memory_space<hbm>>
      %dma_start3A_53 = tpu.memref_squeeze %dma_start3A_52 : memref<1x80x128xi32, #tpu.memory_space<hbm>> -> memref<80x128xi32, #tpu.memory_space<hbm>>
      tpu.enqueue_dma source(%dma_start3A_53 : memref<80x128xi32, #tpu.memory_space<hbm>>) target(%arg4 : memref<80x128xi32, #tpu.memory_space<vmem>>) target_semaphore(%run_scoped3A : memref<!tpu.dma_semaphore, #tpu.memory_space<semaphore_mem>>)
      %dma_wait3A = arith.constant 0 : i32
      %dma_wait3A_54 = arith.constant 0 : i32
      %dma_wait3A_55 = tpu.memref_slice %arg2[%add3A, %dma_wait3A, %dma_wait3A_54] : memref<32x80x128xi32, #tpu.memory_space<hbm>> -> memref<1x80x128xi32, #tpu.memory_space<hbm>>
      %dma_wait3A_56 = tpu.memref_squeeze %dma_wait3A_55 : memref<1x80x128xi32, #tpu.memory_space<hbm>> -> memref<80x128xi32, #tpu.memory_space<hbm>>
      %dma_wait3A_57 = arith.constant 0 : i32
      %dma_wait3A_58 = arith.constant 0 : i32
      %dma_wait3A_59 = tpu.memref_slice %arg2[%add3A, %dma_wait3A_57, %dma_wait3A_58] : memref<32x80x128xi32, #tpu.memory_space<hbm>> -> memref<1x80x128xi32, #tpu.memory_space<hbm>>
      %dma_wait3A_60 = tpu.memref_squeeze %dma_wait3A_59 : memref<1x80x128xi32, #tpu.memory_space<hbm>> -> memref<80x128xi32, #tpu.memory_space<hbm>>
      tpu.wait_dma2 semaphore(%run_scoped3A : memref<!tpu.dma_semaphore, #tpu.memory_space<semaphore_mem>>) src(%dma_wait3A_60 : memref<80x128xi32, #tpu.memory_space<hbm>>) dst(%arg4 : memref<80x128xi32, #tpu.memory_space<vmem>>)
      tpu.yield
    }) : () -> ()
    %barrier3A = arith.constant 0 : index
    tpu.barrier barrier_id(%barrier3A)
    %scan3A_19 = arith.constant 0 : i32
    %scan3A_20 = arith.constant 0 : i32
    %scan3A_21 = arith.constant 80 : i32
    %scan3A_22 = arith.addi %scan3A_20, %scan3A_21 : i32
    %scan3A_23 = arith.constant 1 : i32
    %scan3A_24 = scf.for %scan3A_47 = %scan3A_20 to %scan3A_22 step %scan3A_23 iter_args(%scan3A_48 = %scan3A_19) -> (i32)  : i32 {
      "tpu.region"() ({
        %run_scoped3A = tpu.sem_alloc : memref<!tpu.dma_semaphore, #tpu.memory_space<semaphore_mem>>
        %dma_start3A = arith.constant 0 : i32
        %dma_start3A_50 = tpu.memref_slice %arg4[%scan3A_47, %dma_start3A] : memref<80x128xi32, #tpu.memory_space<vmem>> -> memref<1x128xi32, #tpu.memory_space<vmem>>
        %dma_start3A_51 = tpu.memref_squeeze %dma_start3A_50 : memref<1x128xi32, #tpu.memory_space<vmem>> -> memref<128xi32, #tpu.memory_space<vmem>>
        %dma_start3A_52 = arith.constant 0 : i32
        %dma_start3A_53 = arith.constant 0 : i32
        %dma_start3A_54 = tpu.memref_slice %arg7[%dma_start3A_52, %dma_start3A_53] : memref<10240x16xf32, #tpu.memory_space<vmem_shared>> -> memref<10240x16xf32, #tpu.memory_space<vmem_shared>>
        tpu.enqueue_indirect_dma source(%arg5 : memref<128x16xf32, #tpu.memory_space<vmem>>) target(%dma_start3A_54 : memref<10240x16xf32, #tpu.memory_space<vmem_shared>>) offsets(%dma_start3A_51 : memref<128xi32, #tpu.memory_space<vmem>>) semaphore(%run_scoped3A : memref<!tpu.dma_semaphore, #tpu.memory_space<semaphore_mem>>) {add = true}
        %dma_wait3A = arith.constant 0 : i32
        %dma_wait3A_55 = tpu.memref_slice %arg4[%scan3A_47, %dma_wait3A] : memref<80x128xi32, #tpu.memory_space<vmem>> -> memref<1x128xi32, #tpu.memory_space<vmem>>
        %dma_wait3A_56 = tpu.memref_squeeze %dma_wait3A_55 : memref<1x128xi32, #tpu.memory_space<vmem>> -> memref<128xi32, #tpu.memory_space<vmem>>
        %dma_wait3A_57 = arith.constant 0 : i32
        %dma_wait3A_58 = arith.constant 0 : i32
        %dma_wait3A_59 = tpu.memref_slice %arg7[%dma_wait3A_57, %dma_wait3A_58] : memref<10240x16xf32, #tpu.memory_space<vmem_shared>> -> memref<10240x16xf32, #tpu.memory_space<vmem_shared>>
        tpu.wait_indirect_dma semaphore(%run_scoped3A : memref<!tpu.dma_semaphore, #tpu.memory_space<semaphore_mem>>) src(%arg5 : memref<128x16xf32, #tpu.memory_space<vmem>>) dst(%dma_wait3A_59 : memref<10240x16xf32, #tpu.memory_space<vmem_shared>>)
        tpu.yield
      }) : () -> ()
      %scan3A_49 = arith.constant 0 : i32
      scf.yield %scan3A_49 : i32
    }
    %scan3A_25 = arith.constant 80 : i32
    %barrier3A_26 = arith.constant 0 : index
    tpu.barrier barrier_id(%barrier3A_26)
    %add3A_27 = arith.constant 0 : i32
    %add3A_28 = arith.addi %mul3A_8, %add3A_27 : i32
    %add3A_29 = arith.constant 0 : i32
    %add3A_30 = arith.addi %mul3A_8, %add3A_29 : i32
    "tpu.region"() ({
      %run_scoped3A = tpu.sem_alloc : memref<!tpu.dma_semaphore, #tpu.memory_space<semaphore_mem>>
      %dma_start3A = arith.constant 0 : i32
      %dma_start3A_47 = tpu.memref_slice %arg3[%arg0, %add3A_30, %dma_start3A] : memref<2x10240x16xf32, #tpu.memory_space<hbm>> -> memref<1x128x16xf32, #tpu.memory_space<hbm>>
      %dma_start3A_48 = tpu.memref_squeeze %dma_start3A_47 : memref<1x128x16xf32, #tpu.memory_space<hbm>> -> memref<128x16xf32, #tpu.memory_space<hbm>>
      %dma_start3A_49 = arith.constant 0 : i32
      %dma_start3A_50 = tpu.memref_slice %arg7[%add3A_28, %dma_start3A_49] : memref<10240x16xf32, #tpu.memory_space<vmem_shared>> -> memref<128x16xf32, #tpu.memory_space<vmem_shared>>
      tpu.enqueue_dma source(%dma_start3A_50 : memref<128x16xf32, #tpu.memory_space<vmem_shared>>) target(%dma_start3A_48 : memref<128x16xf32, #tpu.memory_space<hbm>>) target_semaphore(%run_scoped3A : memref<!tpu.dma_semaphore, #tpu.memory_space<semaphore_mem>>)
      %dma_wait3A = arith.constant 0 : i32
      %dma_wait3A_51 = tpu.memref_slice %arg3[%arg0, %add3A_30, %dma_wait3A] : memref<2x10240x16xf32, #tpu.memory_space<hbm>> -> memref<1x128x16xf32, #tpu.memory_space<hbm>>
      %dma_wait3A_52 = tpu.memref_squeeze %dma_wait3A_51 : memref<1x128x16xf32, #tpu.memory_space<hbm>> -> memref<128x16xf32, #tpu.memory_space<hbm>>
      %dma_wait3A_53 = arith.constant 0 : i32
      %dma_wait3A_54 = tpu.memref_slice %arg7[%add3A_28, %dma_wait3A_53] : memref<10240x16xf32, #tpu.memory_space<vmem_shared>> -> memref<128x16xf32, #tpu.memory_space<vmem_shared>>
      tpu.wait_dma2 semaphore(%run_scoped3A : memref<!tpu.dma_semaphore, #tpu.memory_space<semaphore_mem>>) src(%dma_wait3A_54 : memref<128x16xf32, #tpu.memory_space<vmem_shared>>) dst(%dma_wait3A_52 : memref<128x16xf32, #tpu.memory_space<hbm>>)
      tpu.yield
    }) : () -> ()
    %add3A_31 = arith.constant 128 : i32
    %add3A_32 = arith.addi %mul3A_8, %add3A_31 : i32
    %add3A_33 = arith.constant 128 : i32
    %add3A_34 = arith.addi %mul3A_8, %add3A_33 : i32
    "tpu.region"() ({
      %run_scoped3A = tpu.sem_alloc : memref<!tpu.dma_semaphore, #tpu.memory_space<semaphore_mem>>
      %dma_start3A = arith.constant 0 : i32
      %dma_start3A_47 = tpu.memref_slice %arg3[%arg0, %add3A_34, %dma_start3A] : memref<2x10240x16xf32, #tpu.memory_space<hbm>> -> memref<1x128x16xf32, #tpu.memory_space<hbm>>
      %dma_start3A_48 = tpu.memref_squeeze %dma_start3A_47 : memref<1x128x16xf32, #tpu.memory_space<hbm>> -> memref<128x16xf32, #tpu.memory_space<hbm>>
      %dma_start3A_49 = arith.constant 0 : i32
      %dma_start3A_50 = tpu.memref_slice %arg7[%add3A_32, %dma_start3A_49] : memref<10240x16xf32, #tpu.memory_space<vmem_shared>> -> memref<128x16xf32, #tpu.memory_space<vmem_shared>>
      tpu.enqueue_dma source(%dma_start3A_50 : memref<128x16xf32, #tpu.memory_space<vmem_shared>>) target(%dma_start3A_48 : memref<128x16xf32, #tpu.memory_space<hbm>>) target_semaphore(%run_scoped3A : memref<!tpu.dma_semaphore, #tpu.memory_space<semaphore_mem>>)
      %dma_wait3A = arith.constant 0 : i32
      %dma_wait3A_51 = tpu.memref_slice %arg3[%arg0, %add3A_34, %dma_wait3A] : memref<2x10240x16xf32, #tpu.memory_space<hbm>> -> memref<1x128x16xf32, #tpu.memory_space<hbm>>
      %dma_wait3A_52 = tpu.memref_squeeze %dma_wait3A_51 : memref<1x128x16xf32, #tpu.memory_space<hbm>> -> memref<128x16xf32, #tpu.memory_space<hbm>>
      %dma_wait3A_53 = arith.constant 0 : i32
      %dma_wait3A_54 = tpu.memref_slice %arg7[%add3A_32, %dma_wait3A_53] : memref<10240x16xf32, #tpu.memory_space<vmem_shared>> -> memref<128x16xf32, #tpu.memory_space<vmem_shared>>
      tpu.wait_dma2 semaphore(%run_scoped3A : memref<!tpu.dma_semaphore, #tpu.memory_space<semaphore_mem>>) src(%dma_wait3A_54 : memref<128x16xf32, #tpu.memory_space<vmem_shared>>) dst(%dma_wait3A_52 : memref<128x16xf32, #tpu.memory_space<hbm>>)
      tpu.yield
    }) : () -> ()
    %add3A_35 = arith.constant 256 : i32
    %add3A_36 = arith.addi %mul3A_8, %add3A_35 : i32
    %add3A_37 = arith.constant 256 : i32
    %add3A_38 = arith.addi %mul3A_8, %add3A_37 : i32
    "tpu.region"() ({
      %run_scoped3A = tpu.sem_alloc : memref<!tpu.dma_semaphore, #tpu.memory_space<semaphore_mem>>
      %dma_start3A = arith.constant 0 : i32
      %dma_start3A_47 = tpu.memref_slice %arg3[%arg0, %add3A_38, %dma_start3A] : memref<2x10240x16xf32, #tpu.memory_space<hbm>> -> memref<1x128x16xf32, #tpu.memory_space<hbm>>
      %dma_start3A_48 = tpu.memref_squeeze %dma_start3A_47 : memref<1x128x16xf32, #tpu.memory_space<hbm>> -> memref<128x16xf32, #tpu.memory_space<hbm>>
      %dma_start3A_49 = arith.constant 0 : i32
      %dma_start3A_50 = tpu.memref_slice %arg7[%add3A_36, %dma_start3A_49] : memref<10240x16xf32, #tpu.memory_space<vmem_shared>> -> memref<128x16xf32, #tpu.memory_space<vmem_shared>>
      tpu.enqueue_dma source(%dma_start3A_50 : memref<128x16xf32, #tpu.memory_space<vmem_shared>>) target(%dma_start3A_48 : memref<128x16xf32, #tpu.memory_space<hbm>>) target_semaphore(%run_scoped3A : memref<!tpu.dma_semaphore, #tpu.memory_space<semaphore_mem>>)
      %dma_wait3A = arith.constant 0 : i32
      %dma_wait3A_51 = tpu.memref_slice %arg3[%arg0, %add3A_38, %dma_wait3A] : memref<2x10240x16xf32, #tpu.memory_space<hbm>> -> memref<1x128x16xf32, #tpu.memory_space<hbm>>
      %dma_wait3A_52 = tpu.memref_squeeze %dma_wait3A_51 : memref<1x128x16xf32, #tpu.memory_space<hbm>> -> memref<128x16xf32, #tpu.memory_space<hbm>>
      %dma_wait3A_53 = arith.constant 0 : i32
      %dma_wait3A_54 = tpu.memref_slice %arg7[%add3A_36, %dma_wait3A_53] : memref<10240x16xf32, #tpu.memory_space<vmem_shared>> -> memref<128x16xf32, #tpu.memory_space<vmem_shared>>
      tpu.wait_dma2 semaphore(%run_scoped3A : memref<!tpu.dma_semaphore, #tpu.memory_space<semaphore_mem>>) src(%dma_wait3A_54 : memref<128x16xf32, #tpu.memory_space<vmem_shared>>) dst(%dma_wait3A_52 : memref<128x16xf32, #tpu.memory_space<hbm>>)
      tpu.yield
    }) : () -> ()
    %add3A_39 = arith.constant 384 : i32
    %add3A_40 = arith.addi %mul3A_8, %add3A_39 : i32
    %add3A_41 = arith.constant 384 : i32
    %add3A_42 = arith.addi %mul3A_8, %add3A_41 : i32
    "tpu.region"() ({
      %run_scoped3A = tpu.sem_alloc : memref<!tpu.dma_semaphore, #tpu.memory_space<semaphore_mem>>
      %dma_start3A = arith.constant 0 : i32
      %dma_start3A_47 = tpu.memref_slice %arg3[%arg0, %add3A_42, %dma_start3A] : memref<2x10240x16xf32, #tpu.memory_space<hbm>> -> memref<1x128x16xf32, #tpu.memory_space<hbm>>
      %dma_start3A_48 = tpu.memref_squeeze %dma_start3A_47 : memref<1x128x16xf32, #tpu.memory_space<hbm>> -> memref<128x16xf32, #tpu.memory_space<hbm>>
      %dma_start3A_49 = arith.constant 0 : i32
      %dma_start3A_50 = tpu.memref_slice %arg7[%add3A_40, %dma_start3A_49] : memref<10240x16xf32, #tpu.memory_space<vmem_shared>> -> memref<128x16xf32, #tpu.memory_space<vmem_shared>>
      tpu.enqueue_dma source(%dma_start3A_50 : memref<128x16xf32, #tpu.memory_space<vmem_shared>>) target(%dma_start3A_48 : memref<128x16xf32, #tpu.memory_space<hbm>>) target_semaphore(%run_scoped3A : memref<!tpu.dma_semaphore, #tpu.memory_space<semaphore_mem>>)
      %dma_wait3A = arith.constant 0 : i32
      %dma_wait3A_51 = tpu.memref_slice %arg3[%arg0, %add3A_42, %dma_wait3A] : memref<2x10240x16xf32, #tpu.memory_space<hbm>> -> memref<1x128x16xf32, #tpu.memory_space<hbm>>
      %dma_wait3A_52 = tpu.memref_squeeze %dma_wait3A_51 : memref<1x128x16xf32, #tpu.memory_space<hbm>> -> memref<128x16xf32, #tpu.memory_space<hbm>>
      %dma_wait3A_53 = arith.constant 0 : i32
      %dma_wait3A_54 = tpu.memref_slice %arg7[%add3A_40, %dma_wait3A_53] : memref<10240x16xf32, #tpu.memory_space<vmem_shared>> -> memref<128x16xf32, #tpu.memory_space<vmem_shared>>
      tpu.wait_dma2 semaphore(%run_scoped3A : memref<!tpu.dma_semaphore, #tpu.memory_space<semaphore_mem>>) src(%dma_wait3A_54 : memref<128x16xf32, #tpu.memory_space<vmem_shared>>) dst(%dma_wait3A_52 : memref<128x16xf32, #tpu.memory_space<hbm>>)
      tpu.yield
    }) : () -> ()
    %add3A_43 = arith.constant 512 : i32
    %add3A_44 = arith.addi %mul3A_8, %add3A_43 : i32
    %add3A_45 = arith.constant 512 : i32
    %add3A_46 = arith.addi %mul3A_8, %add3A_45 : i32
    "tpu.region"() ({
      %run_scoped3A = tpu.sem_alloc : memref<!tpu.dma_semaphore, #tpu.memory_space<semaphore_mem>>
      %dma_start3A = arith.constant 0 : i32
      %dma_start3A_47 = tpu.memref_slice %arg3[%arg0, %add3A_46, %dma_start3A] : memref<2x10240x16xf32, #tpu.memory_space<hbm>> -> memref<1x128x16xf32, #tpu.memory_space<hbm>>
      %dma_start3A_48 = tpu.memref_squeeze %dma_start3A_47 : memref<1x128x16xf32, #tpu.memory_space<hbm>> -> memref<128x16xf32, #tpu.memory_space<hbm>>
      %dma_start3A_49 = arith.constant 0 : i32
      %dma_start3A_50 = tpu.memref_slice %arg7[%add3A_44, %dma_start3A_49] : memref<10240x16xf32, #tpu.memory_space<vmem_shared>> -> memref<128x16xf32, #tpu.memory_space<vmem_shared>>
      tpu.enqueue_dma source(%dma_start3A_50 : memref<128x16xf32, #tpu.memory_space<vmem_shared>>) target(%dma_start3A_48 : memref<128x16xf32, #tpu.memory_space<hbm>>) target_semaphore(%run_scoped3A : memref<!tpu.dma_semaphore, #tpu.memory_space<semaphore_mem>>)
      %dma_wait3A = arith.constant 0 : i32
      %dma_wait3A_51 = tpu.memref_slice %arg3[%arg0, %add3A_46, %dma_wait3A] : memref<2x10240x16xf32, #tpu.memory_space<hbm>> -> memref<1x128x16xf32, #tpu.memory_space<hbm>>
      %dma_wait3A_52 = tpu.memref_squeeze %dma_wait3A_51 : memref<1x128x16xf32, #tpu.memory_space<hbm>> -> memref<128x16xf32, #tpu.memory_space<hbm>>
      %dma_wait3A_53 = arith.constant 0 : i32
      %dma_wait3A_54 = tpu.memref_slice %arg7[%add3A_44, %dma_wait3A_53] : memref<10240x16xf32, #tpu.memory_space<vmem_shared>> -> memref<128x16xf32, #tpu.memory_space<vmem_shared>>
      tpu.wait_dma2 semaphore(%run_scoped3A : memref<!tpu.dma_semaphore, #tpu.memory_space<semaphore_mem>>) src(%dma_wait3A_54 : memref<128x16xf32, #tpu.memory_space<vmem_shared>>) dst(%dma_wait3A_52 : memref<128x16xf32, #tpu.memory_space<hbm>>)
      tpu.yield
    }) : () -> ()
    return
  }
}

#map = affine_map<(d0, d1) -> (0, 0)>
#map1 = affine_map<(d0, d1) -> (0, 0, 0)>
module attributes {stable_mosaic.version = 14 : i64} {
  func.func @_agg_kernel(%arg0: i32, %arg1: i32, %arg2: memref<10240x128xf32, #tpu.memory_space<hbm>>, %arg3: memref<32x80x128xi32, #tpu.memory_space<hbm>>, %arg4: memref<32x80x128xi32, #tpu.memory_space<hbm>>, %arg5: memref<2x10240x128xf32, #tpu.memory_space<hbm>>, %arg6: memref<40x128xi32, #tpu.memory_space<vmem>>, %arg7: memref<40x128xi32, #tpu.memory_space<vmem>>, %arg8: memref<128x128xf32, #tpu.memory_space<vmem>>, %arg9: memref<128x128xf32, #tpu.memory_space<vmem>>, %arg10: memref<10240x128xf32, #tpu.memory_space<vmem_shared>>, %arg11: memref<!tpu.dma_semaphore, #tpu.memory_space<semaphore_mem>>, %arg12: memref<!tpu.dma_semaphore, #tpu.memory_space<semaphore_mem>>) attributes {dimension_semantics = [#tpu.dimension_semantics<core_parallel>, #tpu.dimension_semantics<subcore_parallel>], iteration_bounds = array<i64: 2, 16>, scalar_prefetch = 0 : i64, scratch_operands = 7 : i64, tpu.core_type = #tpu.core_type<sc_vector_subcore>, window_params = [{transform_indices = #map}, {transform_indices = #map1}, {transform_indices = #map1}, {transform_indices = #map1}]} {
    %mul3A = arith.constant 16 : i32
    %mul3A_0 = arith.muli %arg0, %mul3A : i32
    %add3A = arith.addi %mul3A_0, %arg1 : i32
    %scan3A = arith.constant 0 : i32
    %scan3A_1 = arith.constant 0 : i32
    %scan3A_2 = arith.constant 128 : i32
    %scan3A_3 = arith.addi %scan3A_1, %scan3A_2 : i32
    %scan3A_4 = arith.constant 1 : i32
    %scan3A_5 = scf.for %scan3A_81 = %scan3A_1 to %scan3A_3 step %scan3A_4 iter_args(%scan3A_82 = %scan3A) -> (i32)  : i32 {
      %broadcast_in_dim3A = arith.constant 0.000000e+00 : f32
      %broadcast_in_dim3A_83 = vector.broadcast %broadcast_in_dim3A : f32 to vector<16xf32>
      %swap3A = arith.index_cast %scan3A_81 : i32 to index
      %swap3A_84 = arith.constant 0 : index
      %swap3A_85 = tpu.vector_load %arg8[%swap3A, %swap3A_84] {strides = array<i32>} : memref<128x128xf32, #tpu.memory_space<vmem>>, vector<1x16xf32>,
      %swap3A_86 = vector.shape_cast %swap3A_85 : vector<1x16xf32> to vector<16xf32>
      %swap3A_87 = vector.shape_cast %broadcast_in_dim3A_83 : vector<16xf32> to vector<1x16xf32>
      tpu.vector_store %arg8[%swap3A, %swap3A_84], %swap3A_87 {strides = array<i32>} : memref<128x128xf32, #tpu.memory_space<vmem>>, vector<1x16xf32>,
      %broadcast_in_dim3A_88 = arith.constant 0.000000e+00 : f32
      %broadcast_in_dim3A_89 = vector.broadcast %broadcast_in_dim3A_88 : f32 to vector<16xf32>
      %swap3A_90 = arith.index_cast %scan3A_81 : i32 to index
      %swap3A_91 = arith.constant 16 : index
      %swap3A_92 = tpu.vector_load %arg8[%swap3A_90, %swap3A_91] {strides = array<i32>} : memref<128x128xf32, #tpu.memory_space<vmem>>, vector<1x16xf32>,
      %swap3A_93 = vector.shape_cast %swap3A_92 : vector<1x16xf32> to vector<16xf32>
      %swap3A_94 = vector.shape_cast %broadcast_in_dim3A_89 : vector<16xf32> to vector<1x16xf32>
      tpu.vector_store %arg8[%swap3A_90, %swap3A_91], %swap3A_94 {strides = array<i32>} : memref<128x128xf32, #tpu.memory_space<vmem>>, vector<1x16xf32>,
      %broadcast_in_dim3A_95 = arith.constant 0.000000e+00 : f32
      %broadcast_in_dim3A_96 = vector.broadcast %broadcast_in_dim3A_95 : f32 to vector<16xf32>
      %swap3A_97 = arith.index_cast %scan3A_81 : i32 to index
      %swap3A_98 = arith.constant 32 : index
      %swap3A_99 = tpu.vector_load %arg8[%swap3A_97, %swap3A_98] {strides = array<i32>} : memref<128x128xf32, #tpu.memory_space<vmem>>, vector<1x16xf32>,
      %swap3A_100 = vector.shape_cast %swap3A_99 : vector<1x16xf32> to vector<16xf32>
      %swap3A_101 = vector.shape_cast %broadcast_in_dim3A_96 : vector<16xf32> to vector<1x16xf32>
      tpu.vector_store %arg8[%swap3A_97, %swap3A_98], %swap3A_101 {strides = array<i32>} : memref<128x128xf32, #tpu.memory_space<vmem>>, vector<1x16xf32>,
      %broadcast_in_dim3A_102 = arith.constant 0.000000e+00 : f32
      %broadcast_in_dim3A_103 = vector.broadcast %broadcast_in_dim3A_102 : f32 to vector<16xf32>
      %swap3A_104 = arith.index_cast %scan3A_81 : i32 to index
      %swap3A_105 = arith.constant 48 : index
      %swap3A_106 = tpu.vector_load %arg8[%swap3A_104, %swap3A_105] {strides = array<i32>} : memref<128x128xf32, #tpu.memory_space<vmem>>, vector<1x16xf32>,
      %swap3A_107 = vector.shape_cast %swap3A_106 : vector<1x16xf32> to vector<16xf32>
      %swap3A_108 = vector.shape_cast %broadcast_in_dim3A_103 : vector<16xf32> to vector<1x16xf32>
      tpu.vector_store %arg8[%swap3A_104, %swap3A_105], %swap3A_108 {strides = array<i32>} : memref<128x128xf32, #tpu.memory_space<vmem>>, vector<1x16xf32>,
      %broadcast_in_dim3A_109 = arith.constant 0.000000e+00 : f32
      %broadcast_in_dim3A_110 = vector.broadcast %broadcast_in_dim3A_109 : f32 to vector<16xf32>
      %swap3A_111 = arith.index_cast %scan3A_81 : i32 to index
      %swap3A_112 = arith.constant 64 : index
      %swap3A_113 = tpu.vector_load %arg8[%swap3A_111, %swap3A_112] {strides = array<i32>} : memref<128x128xf32, #tpu.memory_space<vmem>>, vector<1x16xf32>,
      %swap3A_114 = vector.shape_cast %swap3A_113 : vector<1x16xf32> to vector<16xf32>
      %swap3A_115 = vector.shape_cast %broadcast_in_dim3A_110 : vector<16xf32> to vector<1x16xf32>
      tpu.vector_store %arg8[%swap3A_111, %swap3A_112], %swap3A_115 {strides = array<i32>} : memref<128x128xf32, #tpu.memory_space<vmem>>, vector<1x16xf32>,
      %broadcast_in_dim3A_116 = arith.constant 0.000000e+00 : f32
      %broadcast_in_dim3A_117 = vector.broadcast %broadcast_in_dim3A_116 : f32 to vector<16xf32>
      %swap3A_118 = arith.index_cast %scan3A_81 : i32 to index
      %swap3A_119 = arith.constant 80 : index
      %swap3A_120 = tpu.vector_load %arg8[%swap3A_118, %swap3A_119] {strides = array<i32>} : memref<128x128xf32, #tpu.memory_space<vmem>>, vector<1x16xf32>,
      %swap3A_121 = vector.shape_cast %swap3A_120 : vector<1x16xf32> to vector<16xf32>
      %swap3A_122 = vector.shape_cast %broadcast_in_dim3A_117 : vector<16xf32> to vector<1x16xf32>
      tpu.vector_store %arg8[%swap3A_118, %swap3A_119], %swap3A_122 {strides = array<i32>} : memref<128x128xf32, #tpu.memory_space<vmem>>, vector<1x16xf32>,
      %broadcast_in_dim3A_123 = arith.constant 0.000000e+00 : f32
      %broadcast_in_dim3A_124 = vector.broadcast %broadcast_in_dim3A_123 : f32 to vector<16xf32>
      %swap3A_125 = arith.index_cast %scan3A_81 : i32 to index
      %swap3A_126 = arith.constant 96 : index
      %swap3A_127 = tpu.vector_load %arg8[%swap3A_125, %swap3A_126] {strides = array<i32>} : memref<128x128xf32, #tpu.memory_space<vmem>>, vector<1x16xf32>,
      %swap3A_128 = vector.shape_cast %swap3A_127 : vector<1x16xf32> to vector<16xf32>
      %swap3A_129 = vector.shape_cast %broadcast_in_dim3A_124 : vector<16xf32> to vector<1x16xf32>
      tpu.vector_store %arg8[%swap3A_125, %swap3A_126], %swap3A_129 {strides = array<i32>} : memref<128x128xf32, #tpu.memory_space<vmem>>, vector<1x16xf32>,
      %broadcast_in_dim3A_130 = arith.constant 0.000000e+00 : f32
      %broadcast_in_dim3A_131 = vector.broadcast %broadcast_in_dim3A_130 : f32 to vector<16xf32>
      %swap3A_132 = arith.index_cast %scan3A_81 : i32 to index
      %swap3A_133 = arith.constant 112 : index
      %swap3A_134 = tpu.vector_load %arg8[%swap3A_132, %swap3A_133] {strides = array<i32>} : memref<128x128xf32, #tpu.memory_space<vmem>>, vector<1x16xf32>,
      %swap3A_135 = vector.shape_cast %swap3A_134 : vector<1x16xf32> to vector<16xf32>
      %swap3A_136 = vector.shape_cast %broadcast_in_dim3A_131 : vector<16xf32> to vector<1x16xf32>
      tpu.vector_store %arg8[%swap3A_132, %swap3A_133], %swap3A_136 {strides = array<i32>} : memref<128x128xf32, #tpu.memory_space<vmem>>, vector<1x16xf32>,
      %scan3A_137 = arith.constant 0 : i32
      scf.yield %scan3A_137 : i32
    }
    %scan3A_6 = arith.constant 128 : i32
    %mul3A_7 = arith.constant 640 : i32
    %mul3A_8 = arith.muli %arg1, %mul3A_7 : i32
    %add3A_9 = arith.constant 0 : i32
    %add3A_10 = arith.addi %mul3A_8, %add3A_9 : i32
    "tpu.region"() ({
      %run_scoped3A = tpu.sem_alloc : memref<!tpu.dma_semaphore, #tpu.memory_space<semaphore_mem>>
      %dma_start3A_81 = arith.constant 0 : i32
      %dma_start3A_82 = tpu.memref_slice %arg10[%add3A_10, %dma_start3A_81] : memref<10240x128xf32, #tpu.memory_space<vmem_shared>> -> memref<128x128xf32, #tpu.memory_space<vmem_shared>>
      %dma_start3A_83 = arith.constant 0 : i32
      %dma_start3A_84 = tpu.memref_slice %arg10[%add3A_10, %dma_start3A_83] : memref<10240x128xf32, #tpu.memory_space<vmem_shared>> -> memref<128x128xf32, #tpu.memory_space<vmem_shared>>
      tpu.enqueue_dma source(%arg8 : memref<128x128xf32, #tpu.memory_space<vmem>>) target(%dma_start3A_84 : memref<128x128xf32, #tpu.memory_space<vmem_shared>>) target_semaphore(%run_scoped3A : memref<!tpu.dma_semaphore, #tpu.memory_space<semaphore_mem>>)
      %dma_wait3A = arith.constant 0 : i32
      %dma_wait3A_85 = tpu.memref_slice %arg10[%add3A_10, %dma_wait3A] : memref<10240x128xf32, #tpu.memory_space<vmem_shared>> -> memref<128x128xf32, #tpu.memory_space<vmem_shared>>
      %dma_wait3A_86 = arith.constant 0 : i32
      %dma_wait3A_87 = tpu.memref_slice %arg10[%add3A_10, %dma_wait3A_86] : memref<10240x128xf32, #tpu.memory_space<vmem_shared>> -> memref<128x128xf32, #tpu.memory_space<vmem_shared>>
      tpu.wait_dma2 semaphore(%run_scoped3A : memref<!tpu.dma_semaphore, #tpu.memory_space<semaphore_mem>>) src(%arg8 : memref<128x128xf32, #tpu.memory_space<vmem>>) dst(%dma_wait3A_87 : memref<128x128xf32, #tpu.memory_space<vmem_shared>>)
      tpu.yield
    }) : () -> ()
    %add3A_11 = arith.constant 128 : i32
    %add3A_12 = arith.addi %mul3A_8, %add3A_11 : i32
    "tpu.region"() ({
      %run_scoped3A = tpu.sem_alloc : memref<!tpu.dma_semaphore, #tpu.memory_space<semaphore_mem>>
      %dma_start3A_81 = arith.constant 0 : i32
      %dma_start3A_82 = tpu.memref_slice %arg10[%add3A_12, %dma_start3A_81] : memref<10240x128xf32, #tpu.memory_space<vmem_shared>> -> memref<128x128xf32, #tpu.memory_space<vmem_shared>>
      %dma_start3A_83 = arith.constant 0 : i32
      %dma_start3A_84 = tpu.memref_slice %arg10[%add3A_12, %dma_start3A_83] : memref<10240x128xf32, #tpu.memory_space<vmem_shared>> -> memref<128x128xf32, #tpu.memory_space<vmem_shared>>
      tpu.enqueue_dma source(%arg8 : memref<128x128xf32, #tpu.memory_space<vmem>>) target(%dma_start3A_84 : memref<128x128xf32, #tpu.memory_space<vmem_shared>>) target_semaphore(%run_scoped3A : memref<!tpu.dma_semaphore, #tpu.memory_space<semaphore_mem>>)
      %dma_wait3A = arith.constant 0 : i32
      %dma_wait3A_85 = tpu.memref_slice %arg10[%add3A_12, %dma_wait3A] : memref<10240x128xf32, #tpu.memory_space<vmem_shared>> -> memref<128x128xf32, #tpu.memory_space<vmem_shared>>
      %dma_wait3A_86 = arith.constant 0 : i32
      %dma_wait3A_87 = tpu.memref_slice %arg10[%add3A_12, %dma_wait3A_86] : memref<10240x128xf32, #tpu.memory_space<vmem_shared>> -> memref<128x128xf32, #tpu.memory_space<vmem_shared>>
      tpu.wait_dma2 semaphore(%run_scoped3A : memref<!tpu.dma_semaphore, #tpu.memory_space<semaphore_mem>>) src(%arg8 : memref<128x128xf32, #tpu.memory_space<vmem>>) dst(%dma_wait3A_87 : memref<128x128xf32, #tpu.memory_space<vmem_shared>>)
      tpu.yield
    }) : () -> ()
    %add3A_13 = arith.constant 256 : i32
    %add3A_14 = arith.addi %mul3A_8, %add3A_13 : i32
    "tpu.region"() ({
      %run_scoped3A = tpu.sem_alloc : memref<!tpu.dma_semaphore, #tpu.memory_space<semaphore_mem>>
      %dma_start3A_81 = arith.constant 0 : i32
      %dma_start3A_82 = tpu.memref_slice %arg10[%add3A_14, %dma_start3A_81] : memref<10240x128xf32, #tpu.memory_space<vmem_shared>> -> memref<128x128xf32, #tpu.memory_space<vmem_shared>>
      %dma_start3A_83 = arith.constant 0 : i32
      %dma_start3A_84 = tpu.memref_slice %arg10[%add3A_14, %dma_start3A_83] : memref<10240x128xf32, #tpu.memory_space<vmem_shared>> -> memref<128x128xf32, #tpu.memory_space<vmem_shared>>
      tpu.enqueue_dma source(%arg8 : memref<128x128xf32, #tpu.memory_space<vmem>>) target(%dma_start3A_84 : memref<128x128xf32, #tpu.memory_space<vmem_shared>>) target_semaphore(%run_scoped3A : memref<!tpu.dma_semaphore, #tpu.memory_space<semaphore_mem>>)
      %dma_wait3A = arith.constant 0 : i32
      %dma_wait3A_85 = tpu.memref_slice %arg10[%add3A_14, %dma_wait3A] : memref<10240x128xf32, #tpu.memory_space<vmem_shared>> -> memref<128x128xf32, #tpu.memory_space<vmem_shared>>
      %dma_wait3A_86 = arith.constant 0 : i32
      %dma_wait3A_87 = tpu.memref_slice %arg10[%add3A_14, %dma_wait3A_86] : memref<10240x128xf32, #tpu.memory_space<vmem_shared>> -> memref<128x128xf32, #tpu.memory_space<vmem_shared>>
      tpu.wait_dma2 semaphore(%run_scoped3A : memref<!tpu.dma_semaphore, #tpu.memory_space<semaphore_mem>>) src(%arg8 : memref<128x128xf32, #tpu.memory_space<vmem>>) dst(%dma_wait3A_87 : memref<128x128xf32, #tpu.memory_space<vmem_shared>>)
      tpu.yield
    }) : () -> ()
    %add3A_15 = arith.constant 384 : i32
    %add3A_16 = arith.addi %mul3A_8, %add3A_15 : i32
    "tpu.region"() ({
      %run_scoped3A = tpu.sem_alloc : memref<!tpu.dma_semaphore, #tpu.memory_space<semaphore_mem>>
      %dma_start3A_81 = arith.constant 0 : i32
      %dma_start3A_82 = tpu.memref_slice %arg10[%add3A_16, %dma_start3A_81] : memref<10240x128xf32, #tpu.memory_space<vmem_shared>> -> memref<128x128xf32, #tpu.memory_space<vmem_shared>>
      %dma_start3A_83 = arith.constant 0 : i32
      %dma_start3A_84 = tpu.memref_slice %arg10[%add3A_16, %dma_start3A_83] : memref<10240x128xf32, #tpu.memory_space<vmem_shared>> -> memref<128x128xf32, #tpu.memory_space<vmem_shared>>
      tpu.enqueue_dma source(%arg8 : memref<128x128xf32, #tpu.memory_space<vmem>>) target(%dma_start3A_84 : memref<128x128xf32, #tpu.memory_space<vmem_shared>>) target_semaphore(%run_scoped3A : memref<!tpu.dma_semaphore, #tpu.memory_space<semaphore_mem>>)
      %dma_wait3A = arith.constant 0 : i32
      %dma_wait3A_85 = tpu.memref_slice %arg10[%add3A_16, %dma_wait3A] : memref<10240x128xf32, #tpu.memory_space<vmem_shared>> -> memref<128x128xf32, #tpu.memory_space<vmem_shared>>
      %dma_wait3A_86 = arith.constant 0 : i32
      %dma_wait3A_87 = tpu.memref_slice %arg10[%add3A_16, %dma_wait3A_86] : memref<10240x128xf32, #tpu.memory_space<vmem_shared>> -> memref<128x128xf32, #tpu.memory_space<vmem_shared>>
      tpu.wait_dma2 semaphore(%run_scoped3A : memref<!tpu.dma_semaphore, #tpu.memory_space<semaphore_mem>>) src(%arg8 : memref<128x128xf32, #tpu.memory_space<vmem>>) dst(%dma_wait3A_87 : memref<128x128xf32, #tpu.memory_space<vmem_shared>>)
      tpu.yield
    }) : () -> ()
    %add3A_17 = arith.constant 512 : i32
    %add3A_18 = arith.addi %mul3A_8, %add3A_17 : i32
    "tpu.region"() ({
      %run_scoped3A = tpu.sem_alloc : memref<!tpu.dma_semaphore, #tpu.memory_space<semaphore_mem>>
      %dma_start3A_81 = arith.constant 0 : i32
      %dma_start3A_82 = tpu.memref_slice %arg10[%add3A_18, %dma_start3A_81] : memref<10240x128xf32, #tpu.memory_space<vmem_shared>> -> memref<128x128xf32, #tpu.memory_space<vmem_shared>>
      %dma_start3A_83 = arith.constant 0 : i32
      %dma_start3A_84 = tpu.memref_slice %arg10[%add3A_18, %dma_start3A_83] : memref<10240x128xf32, #tpu.memory_space<vmem_shared>> -> memref<128x128xf32, #tpu.memory_space<vmem_shared>>
      tpu.enqueue_dma source(%arg8 : memref<128x128xf32, #tpu.memory_space<vmem>>) target(%dma_start3A_84 : memref<128x128xf32, #tpu.memory_space<vmem_shared>>) target_semaphore(%run_scoped3A : memref<!tpu.dma_semaphore, #tpu.memory_space<semaphore_mem>>)
      %dma_wait3A = arith.constant 0 : i32
      %dma_wait3A_85 = tpu.memref_slice %arg10[%add3A_18, %dma_wait3A] : memref<10240x128xf32, #tpu.memory_space<vmem_shared>> -> memref<128x128xf32, #tpu.memory_space<vmem_shared>>
      %dma_wait3A_86 = arith.constant 0 : i32
      %dma_wait3A_87 = tpu.memref_slice %arg10[%add3A_18, %dma_wait3A_86] : memref<10240x128xf32, #tpu.memory_space<vmem_shared>> -> memref<128x128xf32, #tpu.memory_space<vmem_shared>>
      tpu.wait_dma2 semaphore(%run_scoped3A : memref<!tpu.dma_semaphore, #tpu.memory_space<semaphore_mem>>) src(%arg8 : memref<128x128xf32, #tpu.memory_space<vmem>>) dst(%dma_wait3A_87 : memref<128x128xf32, #tpu.memory_space<vmem_shared>>)
      tpu.yield
    }) : () -> ()
    %barrier3A = arith.constant 0 : index
    tpu.barrier barrier_id(%barrier3A)
    "tpu.region"() ({
      %run_scoped3A = tpu.sem_alloc : memref<!tpu.dma_semaphore, #tpu.memory_space<semaphore_mem>>
      %dma_start3A_81 = arith.constant 0 : i32
      %dma_start3A_82 = arith.constant 0 : i32
      %dma_start3A_83 = tpu.memref_slice %arg3[%add3A, %dma_start3A_81, %dma_start3A_82] : memref<32x80x128xi32, #tpu.memory_space<hbm>> -> memref<1x40x128xi32, #tpu.memory_space<hbm>>
      %dma_start3A_84 = tpu.memref_squeeze %dma_start3A_83 : memref<1x40x128xi32, #tpu.memory_space<hbm>> -> memref<40x128xi32, #tpu.memory_space<hbm>>
      %dma_start3A_85 = arith.constant 0 : i32
      %dma_start3A_86 = arith.constant 0 : i32
      %dma_start3A_87 = tpu.memref_slice %arg3[%add3A, %dma_start3A_85, %dma_start3A_86] : memref<32x80x128xi32, #tpu.memory_space<hbm>> -> memref<1x40x128xi32, #tpu.memory_space<hbm>>
      %dma_start3A_88 = tpu.memref_squeeze %dma_start3A_87 : memref<1x40x128xi32, #tpu.memory_space<hbm>> -> memref<40x128xi32, #tpu.memory_space<hbm>>
      tpu.enqueue_dma source(%dma_start3A_88 : memref<40x128xi32, #tpu.memory_space<hbm>>) target(%arg6 : memref<40x128xi32, #tpu.memory_space<vmem>>) target_semaphore(%run_scoped3A : memref<!tpu.dma_semaphore, #tpu.memory_space<semaphore_mem>>)
      %dma_wait3A = arith.constant 0 : i32
      %dma_wait3A_89 = arith.constant 0 : i32
      %dma_wait3A_90 = tpu.memref_slice %arg3[%add3A, %dma_wait3A, %dma_wait3A_89] : memref<32x80x128xi32, #tpu.memory_space<hbm>> -> memref<1x40x128xi32, #tpu.memory_space<hbm>>
      %dma_wait3A_91 = tpu.memref_squeeze %dma_wait3A_90 : memref<1x40x128xi32, #tpu.memory_space<hbm>> -> memref<40x128xi32, #tpu.memory_space<hbm>>
      %dma_wait3A_92 = arith.constant 0 : i32
      %dma_wait3A_93 = arith.constant 0 : i32
      %dma_wait3A_94 = tpu.memref_slice %arg3[%add3A, %dma_wait3A_92, %dma_wait3A_93] : memref<32x80x128xi32, #tpu.memory_space<hbm>> -> memref<1x40x128xi32, #tpu.memory_space<hbm>>
      %dma_wait3A_95 = tpu.memref_squeeze %dma_wait3A_94 : memref<1x40x128xi32, #tpu.memory_space<hbm>> -> memref<40x128xi32, #tpu.memory_space<hbm>>
      tpu.wait_dma2 semaphore(%run_scoped3A : memref<!tpu.dma_semaphore, #tpu.memory_space<semaphore_mem>>) src(%dma_wait3A_95 : memref<40x128xi32, #tpu.memory_space<hbm>>) dst(%arg6 : memref<40x128xi32, #tpu.memory_space<vmem>>)
      tpu.yield
    }) : () -> ()
    "tpu.region"() ({
      %run_scoped3A = tpu.sem_alloc : memref<!tpu.dma_semaphore, #tpu.memory_space<semaphore_mem>>
      %dma_start3A_81 = arith.constant 0 : i32
      %dma_start3A_82 = arith.constant 0 : i32
      %dma_start3A_83 = tpu.memref_slice %arg4[%add3A, %dma_start3A_81, %dma_start3A_82] : memref<32x80x128xi32, #tpu.memory_space<hbm>> -> memref<1x40x128xi32, #tpu.memory_space<hbm>>
      %dma_start3A_84 = tpu.memref_squeeze %dma_start3A_83 : memref<1x40x128xi32, #tpu.memory_space<hbm>> -> memref<40x128xi32, #tpu.memory_space<hbm>>
      %dma_start3A_85 = arith.constant 0 : i32
      %dma_start3A_86 = arith.constant 0 : i32
      %dma_start3A_87 = tpu.memref_slice %arg4[%add3A, %dma_start3A_85, %dma_start3A_86] : memref<32x80x128xi32, #tpu.memory_space<hbm>> -> memref<1x40x128xi32, #tpu.memory_space<hbm>>
      %dma_start3A_88 = tpu.memref_squeeze %dma_start3A_87 : memref<1x40x128xi32, #tpu.memory_space<hbm>> -> memref<40x128xi32, #tpu.memory_space<hbm>>
      tpu.enqueue_dma source(%dma_start3A_88 : memref<40x128xi32, #tpu.memory_space<hbm>>) target(%arg7 : memref<40x128xi32, #tpu.memory_space<vmem>>) target_semaphore(%run_scoped3A : memref<!tpu.dma_semaphore, #tpu.memory_space<semaphore_mem>>)
      %dma_wait3A = arith.constant 0 : i32
      %dma_wait3A_89 = arith.constant 0 : i32
      %dma_wait3A_90 = tpu.memref_slice %arg4[%add3A, %dma_wait3A, %dma_wait3A_89] : memref<32x80x128xi32, #tpu.memory_space<hbm>> -> memref<1x40x128xi32, #tpu.memory_space<hbm>>
      %dma_wait3A_91 = tpu.memref_squeeze %dma_wait3A_90 : memref<1x40x128xi32, #tpu.memory_space<hbm>> -> memref<40x128xi32, #tpu.memory_space<hbm>>
      %dma_wait3A_92 = arith.constant 0 : i32
      %dma_wait3A_93 = arith.constant 0 : i32
      %dma_wait3A_94 = tpu.memref_slice %arg4[%add3A, %dma_wait3A_92, %dma_wait3A_93] : memref<32x80x128xi32, #tpu.memory_space<hbm>> -> memref<1x40x128xi32, #tpu.memory_space<hbm>>
      %dma_wait3A_95 = tpu.memref_squeeze %dma_wait3A_94 : memref<1x40x128xi32, #tpu.memory_space<hbm>> -> memref<40x128xi32, #tpu.memory_space<hbm>>
      tpu.wait_dma2 semaphore(%run_scoped3A : memref<!tpu.dma_semaphore, #tpu.memory_space<semaphore_mem>>) src(%dma_wait3A_95 : memref<40x128xi32, #tpu.memory_space<hbm>>) dst(%arg7 : memref<40x128xi32, #tpu.memory_space<vmem>>)
      tpu.yield
    }) : () -> ()
    %dma_start3A = arith.constant 0 : i32
    %dma_start3A_19 = arith.constant 0 : i32
    %dma_start3A_20 = tpu.memref_slice %arg6[%dma_start3A, %dma_start3A_19] : memref<40x128xi32, #tpu.memory_space<vmem>> -> memref<1x128xi32, #tpu.memory_space<vmem>>
    %dma_start3A_21 = tpu.memref_squeeze %dma_start3A_20 : memref<1x128xi32, #tpu.memory_space<vmem>> -> memref<128xi32, #tpu.memory_space<vmem>>
    %dma_start3A_22 = arith.constant 0 : i32
    %dma_start3A_23 = arith.constant 0 : i32
    %dma_start3A_24 = tpu.memref_slice %arg2[%dma_start3A_22, %dma_start3A_23] : memref<10240x128xf32, #tpu.memory_space<hbm>> -> memref<10240x128xf32, #tpu.memory_space<hbm>>
    tpu.enqueue_indirect_dma source(%dma_start3A_24 : memref<10240x128xf32, #tpu.memory_space<hbm>>) target(%arg8 : memref<128x128xf32, #tpu.memory_space<vmem>>) offsets(%dma_start3A_21 : memref<128xi32, #tpu.memory_space<vmem>>) semaphore(%arg11 : memref<!tpu.dma_semaphore, #tpu.memory_space<semaphore_mem>>)
    %dma_start3A_25 = arith.constant 1 : i32
    %dma_start3A_26 = arith.constant 0 : i32
    %dma_start3A_27 = tpu.memref_slice %arg6[%dma_start3A_25, %dma_start3A_26] : memref<40x128xi32, #tpu.memory_space<vmem>> -> memref<1x128xi32, #tpu.memory_space<vmem>>
    %dma_start3A_28 = tpu.memref_squeeze %dma_start3A_27 : memref<1x128xi32, #tpu.memory_space<vmem>> -> memref<128xi32, #tpu.memory_space<vmem>>
    %dma_start3A_29 = arith.constant 0 : i32
    %dma_start3A_30 = arith.constant 0 : i32
    %dma_start3A_31 = tpu.memref_slice %arg2[%dma_start3A_29, %dma_start3A_30] : memref<10240x128xf32, #tpu.memory_space<hbm>> -> memref<10240x128xf32, #tpu.memory_space<hbm>>
    tpu.enqueue_indirect_dma source(%dma_start3A_31 : memref<10240x128xf32, #tpu.memory_space<hbm>>) target(%arg9 : memref<128x128xf32, #tpu.memory_space<vmem>>) offsets(%dma_start3A_28 : memref<128xi32, #tpu.memory_space<vmem>>) semaphore(%arg12 : memref<!tpu.dma_semaphore, #tpu.memory_space<semaphore_mem>>)
    %scan3A_32 = arith.constant 0 : i32
    %scan3A_33 = arith.constant 0 : i32
    %scan3A_34 = arith.constant 20 : i32
    %scan3A_35 = arith.addi %scan3A_33, %scan3A_34 : i32
    %scan3A_36 = arith.constant 1 : i32
    %scan3A_37 = scf.for %scan3A_81 = %scan3A_33 to %scan3A_35 step %scan3A_36 iter_args(%scan3A_82 = %scan3A_32) -> (i32)  : i32 {
      %mul3A_83 = arith.constant 2 : i32
      %mul3A_84 = arith.muli %mul3A_83, %scan3A_81 : i32
      %add3A_85 = arith.constant 0 : i32
      %add3A_86 = arith.addi %mul3A_84, %add3A_85 : i32
      %dma_wait3A = arith.constant 0 : i32
      %dma_wait3A_87 = tpu.memref_slice %arg6[%add3A_86, %dma_wait3A] : memref<40x128xi32, #tpu.memory_space<vmem>> -> memref<1x128xi32, #tpu.memory_space<vmem>>
      %dma_wait3A_88 = tpu.memref_squeeze %dma_wait3A_87 : memref<1x128xi32, #tpu.memory_space<vmem>> -> memref<128xi32, #tpu.memory_space<vmem>>
      %dma_wait3A_89 = arith.constant 0 : i32
      %dma_wait3A_90 = arith.constant 0 : i32
      %dma_wait3A_91 = tpu.memref_slice %arg2[%dma_wait3A_89, %dma_wait3A_90] : memref<10240x128xf32, #tpu.memory_space<hbm>> -> memref<10240x128xf32, #tpu.memory_space<hbm>>
      tpu.wait_indirect_dma semaphore(%arg11 : memref<!tpu.dma_semaphore, #tpu.memory_space<semaphore_mem>>) src(%dma_wait3A_91 : memref<10240x128xf32, #tpu.memory_space<hbm>>) dst(%arg8 : memref<128x128xf32, #tpu.memory_space<vmem>>)
      "tpu.region"() ({
        %run_scoped3A = tpu.sem_alloc : memref<!tpu.dma_semaphore, #tpu.memory_space<semaphore_mem>>
        %dma_start3A_114 = arith.constant 0 : i32
        %dma_start3A_115 = tpu.memref_slice %arg7[%add3A_86, %dma_start3A_114] : memref<40x128xi32, #tpu.memory_space<vmem>> -> memref<1x128xi32, #tpu.memory_space<vmem>>
        %dma_start3A_116 = tpu.memref_squeeze %dma_start3A_115 : memref<1x128xi32, #tpu.memory_space<vmem>> -> memref<128xi32, #tpu.memory_space<vmem>>
        %dma_start3A_117 = arith.constant 0 : i32
        %dma_start3A_118 = arith.constant 0 : i32
        %dma_start3A_119 = tpu.memref_slice %arg10[%dma_start3A_117, %dma_start3A_118] : memref<10240x128xf32, #tpu.memory_space<vmem_shared>> -> memref<10240x128xf32, #tpu.memory_space<vmem_shared>>
        tpu.enqueue_indirect_dma source(%arg8 : memref<128x128xf32, #tpu.memory_space<vmem>>) target(%dma_start3A_119 : memref<10240x128xf32, #tpu.memory_space<vmem_shared>>) offsets(%dma_start3A_116 : memref<128xi32, #tpu.memory_space<vmem>>) semaphore(%run_scoped3A : memref<!tpu.dma_semaphore, #tpu.memory_space<semaphore_mem>>) {add = true}
        %dma_wait3A_120 = arith.constant 0 : i32
        %dma_wait3A_121 = tpu.memref_slice %arg7[%add3A_86, %dma_wait3A_120] : memref<40x128xi32, #tpu.memory_space<vmem>> -> memref<1x128xi32, #tpu.memory_space<vmem>>
        %dma_wait3A_122 = tpu.memref_squeeze %dma_wait3A_121 : memref<1x128xi32, #tpu.memory_space<vmem>> -> memref<128xi32, #tpu.memory_space<vmem>>
        %dma_wait3A_123 = arith.constant 0 : i32
        %dma_wait3A_124 = arith.constant 0 : i32
        %dma_wait3A_125 = tpu.memref_slice %arg10[%dma_wait3A_123, %dma_wait3A_124] : memref<10240x128xf32, #tpu.memory_space<vmem_shared>> -> memref<10240x128xf32, #tpu.memory_space<vmem_shared>>
        tpu.wait_indirect_dma semaphore(%run_scoped3A : memref<!tpu.dma_semaphore, #tpu.memory_space<semaphore_mem>>) src(%arg8 : memref<128x128xf32, #tpu.memory_space<vmem>>) dst(%dma_wait3A_125 : memref<10240x128xf32, #tpu.memory_space<vmem_shared>>)
        tpu.yield
      }) : () -> ()
      %add3A_92 = arith.constant 2 : i32
      %add3A_93 = arith.addi %add3A_86, %add3A_92 : i32
      %lt3A = arith.constant 40 : i32
      %lt3A_94 = arith.cmpi slt, %add3A_93, %lt3A : i32
      %convert_element_type3A = arith.extui %lt3A_94 : i1 to i32
      %cond3A = arith.constant 0 : i32
      %cond3A_95 = arith.cmpi ne, %convert_element_type3A, %cond3A : i32
      scf.if %cond3A_95 {
        %add3A_114 = arith.constant 2 : i32
        %add3A_115 = arith.addi %add3A_86, %add3A_114 : i32
        %dma_start3A_116 = arith.constant 0 : i32
        %dma_start3A_117 = tpu.memref_slice %arg6[%add3A_115, %dma_start3A_116] : memref<40x128xi32, #tpu.memory_space<vmem>> -> memref<1x128xi32, #tpu.memory_space<vmem>>
        %dma_start3A_118 = tpu.memref_squeeze %dma_start3A_117 : memref<1x128xi32, #tpu.memory_space<vmem>> -> memref<128xi32, #tpu.memory_space<vmem>>
        %dma_start3A_119 = arith.constant 0 : i32
        %dma_start3A_120 = arith.constant 0 : i32
        %dma_start3A_121 = tpu.memref_slice %arg2[%dma_start3A_119, %dma_start3A_120] : memref<10240x128xf32, #tpu.memory_space<hbm>> -> memref<10240x128xf32, #tpu.memory_space<hbm>>
        tpu.enqueue_indirect_dma source(%dma_start3A_121 : memref<10240x128xf32, #tpu.memory_space<hbm>>) target(%arg8 : memref<128x128xf32, #tpu.memory_space<vmem>>) offsets(%dma_start3A_118 : memref<128xi32, #tpu.memory_space<vmem>>) semaphore(%arg11 : memref<!tpu.dma_semaphore, #tpu.memory_space<semaphore_mem>>)
      } else {
      }
      %mul3A_96 = arith.constant 2 : i32
      %mul3A_97 = arith.muli %mul3A_96, %scan3A_81 : i32
      %add3A_98 = arith.constant 1 : i32
      %add3A_99 = arith.addi %mul3A_97, %add3A_98 : i32
      %dma_wait3A_100 = arith.constant 0 : i32
      %dma_wait3A_101 = tpu.memref_slice %arg6[%add3A_99, %dma_wait3A_100] : memref<40x128xi32, #tpu.memory_space<vmem>> -> memref<1x128xi32, #tpu.memory_space<vmem>>
      %dma_wait3A_102 = tpu.memref_squeeze %dma_wait3A_101 : memref<1x128xi32, #tpu.memory_space<vmem>> -> memref<128xi32, #tpu.memory_space<vmem>>
      %dma_wait3A_103 = arith.constant 0 : i32
      %dma_wait3A_104 = arith.constant 0 : i32
      %dma_wait3A_105 = tpu.memref_slice %arg2[%dma_wait3A_103, %dma_wait3A_104] : memref<10240x128xf32, #tpu.memory_space<hbm>> -> memref<10240x128xf32, #tpu.memory_space<hbm>>
      tpu.wait_indirect_dma semaphore(%arg12 : memref<!tpu.dma_semaphore, #tpu.memory_space<semaphore_mem>>) src(%dma_wait3A_105 : memref<10240x128xf32, #tpu.memory_space<hbm>>) dst(%arg9 : memref<128x128xf32, #tpu.memory_space<vmem>>)
      "tpu.region"() ({
        %run_scoped3A = tpu.sem_alloc : memref<!tpu.dma_semaphore, #tpu.memory_space<semaphore_mem>>
        %dma_start3A_114 = arith.constant 0 : i32
        %dma_start3A_115 = tpu.memref_slice %arg7[%add3A_99, %dma_start3A_114] : memref<40x128xi32, #tpu.memory_space<vmem>> -> memref<1x128xi32, #tpu.memory_space<vmem>>
        %dma_start3A_116 = tpu.memref_squeeze %dma_start3A_115 : memref<1x128xi32, #tpu.memory_space<vmem>> -> memref<128xi32, #tpu.memory_space<vmem>>
        %dma_start3A_117 = arith.constant 0 : i32
        %dma_start3A_118 = arith.constant 0 : i32
        %dma_start3A_119 = tpu.memref_slice %arg10[%dma_start3A_117, %dma_start3A_118] : memref<10240x128xf32, #tpu.memory_space<vmem_shared>> -> memref<10240x128xf32, #tpu.memory_space<vmem_shared>>
        tpu.enqueue_indirect_dma source(%arg9 : memref<128x128xf32, #tpu.memory_space<vmem>>) target(%dma_start3A_119 : memref<10240x128xf32, #tpu.memory_space<vmem_shared>>) offsets(%dma_start3A_116 : memref<128xi32, #tpu.memory_space<vmem>>) semaphore(%run_scoped3A : memref<!tpu.dma_semaphore, #tpu.memory_space<semaphore_mem>>) {add = true}
        %dma_wait3A_120 = arith.constant 0 : i32
        %dma_wait3A_121 = tpu.memref_slice %arg7[%add3A_99, %dma_wait3A_120] : memref<40x128xi32, #tpu.memory_space<vmem>> -> memref<1x128xi32, #tpu.memory_space<vmem>>
        %dma_wait3A_122 = tpu.memref_squeeze %dma_wait3A_121 : memref<1x128xi32, #tpu.memory_space<vmem>> -> memref<128xi32, #tpu.memory_space<vmem>>
        %dma_wait3A_123 = arith.constant 0 : i32
        %dma_wait3A_124 = arith.constant 0 : i32
        %dma_wait3A_125 = tpu.memref_slice %arg10[%dma_wait3A_123, %dma_wait3A_124] : memref<10240x128xf32, #tpu.memory_space<vmem_shared>> -> memref<10240x128xf32, #tpu.memory_space<vmem_shared>>
        tpu.wait_indirect_dma semaphore(%run_scoped3A : memref<!tpu.dma_semaphore, #tpu.memory_space<semaphore_mem>>) src(%arg9 : memref<128x128xf32, #tpu.memory_space<vmem>>) dst(%dma_wait3A_125 : memref<10240x128xf32, #tpu.memory_space<vmem_shared>>)
        tpu.yield
      }) : () -> ()
      %add3A_106 = arith.constant 2 : i32
      %add3A_107 = arith.addi %add3A_99, %add3A_106 : i32
      %lt3A_108 = arith.constant 40 : i32
      %lt3A_109 = arith.cmpi slt, %add3A_107, %lt3A_108 : i32
      %convert_element_type3A_110 = arith.extui %lt3A_109 : i1 to i32
      %cond3A_111 = arith.constant 0 : i32
      %cond3A_112 = arith.cmpi ne, %convert_element_type3A_110, %cond3A_111 : i32
      scf.if %cond3A_112 {
        %add3A_114 = arith.constant 2 : i32
        %add3A_115 = arith.addi %add3A_99, %add3A_114 : i32
        %dma_start3A_116 = arith.constant 0 : i32
        %dma_start3A_117 = tpu.memref_slice %arg6[%add3A_115, %dma_start3A_116] : memref<40x128xi32, #tpu.memory_space<vmem>> -> memref<1x128xi32, #tpu.memory_space<vmem>>
        %dma_start3A_118 = tpu.memref_squeeze %dma_start3A_117 : memref<1x128xi32, #tpu.memory_space<vmem>> -> memref<128xi32, #tpu.memory_space<vmem>>
        %dma_start3A_119 = arith.constant 0 : i32
        %dma_start3A_120 = arith.constant 0 : i32
        %dma_start3A_121 = tpu.memref_slice %arg2[%dma_start3A_119, %dma_start3A_120] : memref<10240x128xf32, #tpu.memory_space<hbm>> -> memref<10240x128xf32, #tpu.memory_space<hbm>>
        tpu.enqueue_indirect_dma source(%dma_start3A_121 : memref<10240x128xf32, #tpu.memory_space<hbm>>) target(%arg9 : memref<128x128xf32, #tpu.memory_space<vmem>>) offsets(%dma_start3A_118 : memref<128xi32, #tpu.memory_space<vmem>>) semaphore(%arg12 : memref<!tpu.dma_semaphore, #tpu.memory_space<semaphore_mem>>)
      } else {
      }
      %scan3A_113 = arith.constant 0 : i32
      scf.yield %scan3A_113 : i32
    }
    %scan3A_38 = arith.constant 20 : i32
    "tpu.region"() ({
      %run_scoped3A = tpu.sem_alloc : memref<!tpu.dma_semaphore, #tpu.memory_space<semaphore_mem>>
      %dma_start3A_81 = arith.constant 40 : i32
      %dma_start3A_82 = arith.constant 0 : i32
      %dma_start3A_83 = tpu.memref_slice %arg3[%add3A, %dma_start3A_81, %dma_start3A_82] : memref<32x80x128xi32, #tpu.memory_space<hbm>> -> memref<1x40x128xi32, #tpu.memory_space<hbm>>
      %dma_start3A_84 = tpu.memref_squeeze %dma_start3A_83 : memref<1x40x128xi32, #tpu.memory_space<hbm>> -> memref<40x128xi32, #tpu.memory_space<hbm>>
      %dma_start3A_85 = arith.constant 40 : i32
      %dma_start3A_86 = arith.constant 0 : i32
      %dma_start3A_87 = tpu.memref_slice %arg3[%add3A, %dma_start3A_85, %dma_start3A_86] : memref<32x80x128xi32, #tpu.memory_space<hbm>> -> memref<1x40x128xi32, #tpu.memory_space<hbm>>
      %dma_start3A_88 = tpu.memref_squeeze %dma_start3A_87 : memref<1x40x128xi32, #tpu.memory_space<hbm>> -> memref<40x128xi32, #tpu.memory_space<hbm>>
      tpu.enqueue_dma source(%dma_start3A_88 : memref<40x128xi32, #tpu.memory_space<hbm>>) target(%arg6 : memref<40x128xi32, #tpu.memory_space<vmem>>) target_semaphore(%run_scoped3A : memref<!tpu.dma_semaphore, #tpu.memory_space<semaphore_mem>>)
      %dma_wait3A = arith.constant 40 : i32
      %dma_wait3A_89 = arith.constant 0 : i32
      %dma_wait3A_90 = tpu.memref_slice %arg3[%add3A, %dma_wait3A, %dma_wait3A_89] : memref<32x80x128xi32, #tpu.memory_space<hbm>> -> memref<1x40x128xi32, #tpu.memory_space<hbm>>
      %dma_wait3A_91 = tpu.memref_squeeze %dma_wait3A_90 : memref<1x40x128xi32, #tpu.memory_space<hbm>> -> memref<40x128xi32, #tpu.memory_space<hbm>>
      %dma_wait3A_92 = arith.constant 40 : i32
      %dma_wait3A_93 = arith.constant 0 : i32
      %dma_wait3A_94 = tpu.memref_slice %arg3[%add3A, %dma_wait3A_92, %dma_wait3A_93] : memref<32x80x128xi32, #tpu.memory_space<hbm>> -> memref<1x40x128xi32, #tpu.memory_space<hbm>>
      %dma_wait3A_95 = tpu.memref_squeeze %dma_wait3A_94 : memref<1x40x128xi32, #tpu.memory_space<hbm>> -> memref<40x128xi32, #tpu.memory_space<hbm>>
      tpu.wait_dma2 semaphore(%run_scoped3A : memref<!tpu.dma_semaphore, #tpu.memory_space<semaphore_mem>>) src(%dma_wait3A_95 : memref<40x128xi32, #tpu.memory_space<hbm>>) dst(%arg6 : memref<40x128xi32, #tpu.memory_space<vmem>>)
      tpu.yield
    }) : () -> ()
    "tpu.region"() ({
      %run_scoped3A = tpu.sem_alloc : memref<!tpu.dma_semaphore, #tpu.memory_space<semaphore_mem>>
      %dma_start3A_81 = arith.constant 40 : i32
      %dma_start3A_82 = arith.constant 0 : i32
      %dma_start3A_83 = tpu.memref_slice %arg4[%add3A, %dma_start3A_81, %dma_start3A_82] : memref<32x80x128xi32, #tpu.memory_space<hbm>> -> memref<1x40x128xi32, #tpu.memory_space<hbm>>
      %dma_start3A_84 = tpu.memref_squeeze %dma_start3A_83 : memref<1x40x128xi32, #tpu.memory_space<hbm>> -> memref<40x128xi32, #tpu.memory_space<hbm>>
      %dma_start3A_85 = arith.constant 40 : i32
      %dma_start3A_86 = arith.constant 0 : i32
      %dma_start3A_87 = tpu.memref_slice %arg4[%add3A, %dma_start3A_85, %dma_start3A_86] : memref<32x80x128xi32, #tpu.memory_space<hbm>> -> memref<1x40x128xi32, #tpu.memory_space<hbm>>
      %dma_start3A_88 = tpu.memref_squeeze %dma_start3A_87 : memref<1x40x128xi32, #tpu.memory_space<hbm>> -> memref<40x128xi32, #tpu.memory_space<hbm>>
      tpu.enqueue_dma source(%dma_start3A_88 : memref<40x128xi32, #tpu.memory_space<hbm>>) target(%arg7 : memref<40x128xi32, #tpu.memory_space<vmem>>) target_semaphore(%run_scoped3A : memref<!tpu.dma_semaphore, #tpu.memory_space<semaphore_mem>>)
      %dma_wait3A = arith.constant 40 : i32
      %dma_wait3A_89 = arith.constant 0 : i32
      %dma_wait3A_90 = tpu.memref_slice %arg4[%add3A, %dma_wait3A, %dma_wait3A_89] : memref<32x80x128xi32, #tpu.memory_space<hbm>> -> memref<1x40x128xi32, #tpu.memory_space<hbm>>
      %dma_wait3A_91 = tpu.memref_squeeze %dma_wait3A_90 : memref<1x40x128xi32, #tpu.memory_space<hbm>> -> memref<40x128xi32, #tpu.memory_space<hbm>>
      %dma_wait3A_92 = arith.constant 40 : i32
      %dma_wait3A_93 = arith.constant 0 : i32
      %dma_wait3A_94 = tpu.memref_slice %arg4[%add3A, %dma_wait3A_92, %dma_wait3A_93] : memref<32x80x128xi32, #tpu.memory_space<hbm>> -> memref<1x40x128xi32, #tpu.memory_space<hbm>>
      %dma_wait3A_95 = tpu.memref_squeeze %dma_wait3A_94 : memref<1x40x128xi32, #tpu.memory_space<hbm>> -> memref<40x128xi32, #tpu.memory_space<hbm>>
      tpu.wait_dma2 semaphore(%run_scoped3A : memref<!tpu.dma_semaphore, #tpu.memory_space<semaphore_mem>>) src(%dma_wait3A_95 : memref<40x128xi32, #tpu.memory_space<hbm>>) dst(%arg7 : memref<40x128xi32, #tpu.memory_space<vmem>>)
      tpu.yield
    }) : () -> ()
    %dma_start3A_39 = arith.constant 0 : i32
    %dma_start3A_40 = arith.constant 0 : i32
    %dma_start3A_41 = tpu.memref_slice %arg6[%dma_start3A_39, %dma_start3A_40] : memref<40x128xi32, #tpu.memory_space<vmem>> -> memref<1x128xi32, #tpu.memory_space<vmem>>
    %dma_start3A_42 = tpu.memref_squeeze %dma_start3A_41 : memref<1x128xi32, #tpu.memory_space<vmem>> -> memref<128xi32, #tpu.memory_space<vmem>>
    %dma_start3A_43 = arith.constant 0 : i32
    %dma_start3A_44 = arith.constant 0 : i32
    %dma_start3A_45 = tpu.memref_slice %arg2[%dma_start3A_43, %dma_start3A_44] : memref<10240x128xf32, #tpu.memory_space<hbm>> -> memref<10240x128xf32, #tpu.memory_space<hbm>>
    tpu.enqueue_indirect_dma source(%dma_start3A_45 : memref<10240x128xf32, #tpu.memory_space<hbm>>) target(%arg8 : memref<128x128xf32, #tpu.memory_space<vmem>>) offsets(%dma_start3A_42 : memref<128xi32, #tpu.memory_space<vmem>>) semaphore(%arg11 : memref<!tpu.dma_semaphore, #tpu.memory_space<semaphore_mem>>)
    %dma_start3A_46 = arith.constant 1 : i32
    %dma_start3A_47 = arith.constant 0 : i32
    %dma_start3A_48 = tpu.memref_slice %arg6[%dma_start3A_46, %dma_start3A_47] : memref<40x128xi32, #tpu.memory_space<vmem>> -> memref<1x128xi32, #tpu.memory_space<vmem>>
    %dma_start3A_49 = tpu.memref_squeeze %dma_start3A_48 : memref<1x128xi32, #tpu.memory_space<vmem>> -> memref<128xi32, #tpu.memory_space<vmem>>
    %dma_start3A_50 = arith.constant 0 : i32
    %dma_start3A_51 = arith.constant 0 : i32
    %dma_start3A_52 = tpu.memref_slice %arg2[%dma_start3A_50, %dma_start3A_51] : memref<10240x128xf32, #tpu.memory_space<hbm>> -> memref<10240x128xf32, #tpu.memory_space<hbm>>
    tpu.enqueue_indirect_dma source(%dma_start3A_52 : memref<10240x128xf32, #tpu.memory_space<hbm>>) target(%arg9 : memref<128x128xf32, #tpu.memory_space<vmem>>) offsets(%dma_start3A_49 : memref<128xi32, #tpu.memory_space<vmem>>) semaphore(%arg12 : memref<!tpu.dma_semaphore, #tpu.memory_space<semaphore_mem>>)
    %scan3A_53 = arith.constant 0 : i32
    %scan3A_54 = arith.constant 0 : i32
    %scan3A_55 = arith.constant 20 : i32
    %scan3A_56 = arith.addi %scan3A_54, %scan3A_55 : i32
    %scan3A_57 = arith.constant 1 : i32
    %scan3A_58 = scf.for %scan3A_81 = %scan3A_54 to %scan3A_56 step %scan3A_57 iter_args(%scan3A_82 = %scan3A_53) -> (i32)  : i32 {
      %mul3A_83 = arith.constant 2 : i32
      %mul3A_84 = arith.muli %mul3A_83, %scan3A_81 : i32
      %add3A_85 = arith.constant 0 : i32
      %add3A_86 = arith.addi %mul3A_84, %add3A_85 : i32
      %dma_wait3A = arith.constant 0 : i32
      %dma_wait3A_87 = tpu.memref_slice %arg6[%add3A_86, %dma_wait3A] : memref<40x128xi32, #tpu.memory_space<vmem>> -> memref<1x128xi32, #tpu.memory_space<vmem>>
      %dma_wait3A_88 = tpu.memref_squeeze %dma_wait3A_87 : memref<1x128xi32, #tpu.memory_space<vmem>> -> memref<128xi32, #tpu.memory_space<vmem>>
      %dma_wait3A_89 = arith.constant 0 : i32
      %dma_wait3A_90 = arith.constant 0 : i32
      %dma_wait3A_91 = tpu.memref_slice %arg2[%dma_wait3A_89, %dma_wait3A_90] : memref<10240x128xf32, #tpu.memory_space<hbm>> -> memref<10240x128xf32, #tpu.memory_space<hbm>>
      tpu.wait_indirect_dma semaphore(%arg11 : memref<!tpu.dma_semaphore, #tpu.memory_space<semaphore_mem>>) src(%dma_wait3A_91 : memref<10240x128xf32, #tpu.memory_space<hbm>>) dst(%arg8 : memref<128x128xf32, #tpu.memory_space<vmem>>)
      "tpu.region"() ({
        %run_scoped3A = tpu.sem_alloc : memref<!tpu.dma_semaphore, #tpu.memory_space<semaphore_mem>>
        %dma_start3A_114 = arith.constant 0 : i32
        %dma_start3A_115 = tpu.memref_slice %arg7[%add3A_86, %dma_start3A_114] : memref<40x128xi32, #tpu.memory_space<vmem>> -> memref<1x128xi32, #tpu.memory_space<vmem>>
        %dma_start3A_116 = tpu.memref_squeeze %dma_start3A_115 : memref<1x128xi32, #tpu.memory_space<vmem>> -> memref<128xi32, #tpu.memory_space<vmem>>
        %dma_start3A_117 = arith.constant 0 : i32
        %dma_start3A_118 = arith.constant 0 : i32
        %dma_start3A_119 = tpu.memref_slice %arg10[%dma_start3A_117, %dma_start3A_118] : memref<10240x128xf32, #tpu.memory_space<vmem_shared>> -> memref<10240x128xf32, #tpu.memory_space<vmem_shared>>
        tpu.enqueue_indirect_dma source(%arg8 : memref<128x128xf32, #tpu.memory_space<vmem>>) target(%dma_start3A_119 : memref<10240x128xf32, #tpu.memory_space<vmem_shared>>) offsets(%dma_start3A_116 : memref<128xi32, #tpu.memory_space<vmem>>) semaphore(%run_scoped3A : memref<!tpu.dma_semaphore, #tpu.memory_space<semaphore_mem>>) {add = true}
        %dma_wait3A_120 = arith.constant 0 : i32
        %dma_wait3A_121 = tpu.memref_slice %arg7[%add3A_86, %dma_wait3A_120] : memref<40x128xi32, #tpu.memory_space<vmem>> -> memref<1x128xi32, #tpu.memory_space<vmem>>
        %dma_wait3A_122 = tpu.memref_squeeze %dma_wait3A_121 : memref<1x128xi32, #tpu.memory_space<vmem>> -> memref<128xi32, #tpu.memory_space<vmem>>
        %dma_wait3A_123 = arith.constant 0 : i32
        %dma_wait3A_124 = arith.constant 0 : i32
        %dma_wait3A_125 = tpu.memref_slice %arg10[%dma_wait3A_123, %dma_wait3A_124] : memref<10240x128xf32, #tpu.memory_space<vmem_shared>> -> memref<10240x128xf32, #tpu.memory_space<vmem_shared>>
        tpu.wait_indirect_dma semaphore(%run_scoped3A : memref<!tpu.dma_semaphore, #tpu.memory_space<semaphore_mem>>) src(%arg8 : memref<128x128xf32, #tpu.memory_space<vmem>>) dst(%dma_wait3A_125 : memref<10240x128xf32, #tpu.memory_space<vmem_shared>>)
        tpu.yield
      }) : () -> ()
      %add3A_92 = arith.constant 2 : i32
      %add3A_93 = arith.addi %add3A_86, %add3A_92 : i32
      %lt3A = arith.constant 40 : i32
      %lt3A_94 = arith.cmpi slt, %add3A_93, %lt3A : i32
      %convert_element_type3A = arith.extui %lt3A_94 : i1 to i32
      %cond3A = arith.constant 0 : i32
      %cond3A_95 = arith.cmpi ne, %convert_element_type3A, %cond3A : i32
      scf.if %cond3A_95 {
        %add3A_114 = arith.constant 2 : i32
        %add3A_115 = arith.addi %add3A_86, %add3A_114 : i32
        %dma_start3A_116 = arith.constant 0 : i32
        %dma_start3A_117 = tpu.memref_slice %arg6[%add3A_115, %dma_start3A_116] : memref<40x128xi32, #tpu.memory_space<vmem>> -> memref<1x128xi32, #tpu.memory_space<vmem>>
        %dma_start3A_118 = tpu.memref_squeeze %dma_start3A_117 : memref<1x128xi32, #tpu.memory_space<vmem>> -> memref<128xi32, #tpu.memory_space<vmem>>
        %dma_start3A_119 = arith.constant 0 : i32
        %dma_start3A_120 = arith.constant 0 : i32
        %dma_start3A_121 = tpu.memref_slice %arg2[%dma_start3A_119, %dma_start3A_120] : memref<10240x128xf32, #tpu.memory_space<hbm>> -> memref<10240x128xf32, #tpu.memory_space<hbm>>
        tpu.enqueue_indirect_dma source(%dma_start3A_121 : memref<10240x128xf32, #tpu.memory_space<hbm>>) target(%arg8 : memref<128x128xf32, #tpu.memory_space<vmem>>) offsets(%dma_start3A_118 : memref<128xi32, #tpu.memory_space<vmem>>) semaphore(%arg11 : memref<!tpu.dma_semaphore, #tpu.memory_space<semaphore_mem>>)
      } else {
      }
      %mul3A_96 = arith.constant 2 : i32
      %mul3A_97 = arith.muli %mul3A_96, %scan3A_81 : i32
      %add3A_98 = arith.constant 1 : i32
      %add3A_99 = arith.addi %mul3A_97, %add3A_98 : i32
      %dma_wait3A_100 = arith.constant 0 : i32
      %dma_wait3A_101 = tpu.memref_slice %arg6[%add3A_99, %dma_wait3A_100] : memref<40x128xi32, #tpu.memory_space<vmem>> -> memref<1x128xi32, #tpu.memory_space<vmem>>
      %dma_wait3A_102 = tpu.memref_squeeze %dma_wait3A_101 : memref<1x128xi32, #tpu.memory_space<vmem>> -> memref<128xi32, #tpu.memory_space<vmem>>
      %dma_wait3A_103 = arith.constant 0 : i32
      %dma_wait3A_104 = arith.constant 0 : i32
      %dma_wait3A_105 = tpu.memref_slice %arg2[%dma_wait3A_103, %dma_wait3A_104] : memref<10240x128xf32, #tpu.memory_space<hbm>> -> memref<10240x128xf32, #tpu.memory_space<hbm>>
      tpu.wait_indirect_dma semaphore(%arg12 : memref<!tpu.dma_semaphore, #tpu.memory_space<semaphore_mem>>) src(%dma_wait3A_105 : memref<10240x128xf32, #tpu.memory_space<hbm>>) dst(%arg9 : memref<128x128xf32, #tpu.memory_space<vmem>>)
      "tpu.region"() ({
        %run_scoped3A = tpu.sem_alloc : memref<!tpu.dma_semaphore, #tpu.memory_space<semaphore_mem>>
        %dma_start3A_114 = arith.constant 0 : i32
        %dma_start3A_115 = tpu.memref_slice %arg7[%add3A_99, %dma_start3A_114] : memref<40x128xi32, #tpu.memory_space<vmem>> -> memref<1x128xi32, #tpu.memory_space<vmem>>
        %dma_start3A_116 = tpu.memref_squeeze %dma_start3A_115 : memref<1x128xi32, #tpu.memory_space<vmem>> -> memref<128xi32, #tpu.memory_space<vmem>>
        %dma_start3A_117 = arith.constant 0 : i32
        %dma_start3A_118 = arith.constant 0 : i32
        %dma_start3A_119 = tpu.memref_slice %arg10[%dma_start3A_117, %dma_start3A_118] : memref<10240x128xf32, #tpu.memory_space<vmem_shared>> -> memref<10240x128xf32, #tpu.memory_space<vmem_shared>>
        tpu.enqueue_indirect_dma source(%arg9 : memref<128x128xf32, #tpu.memory_space<vmem>>) target(%dma_start3A_119 : memref<10240x128xf32, #tpu.memory_space<vmem_shared>>) offsets(%dma_start3A_116 : memref<128xi32, #tpu.memory_space<vmem>>) semaphore(%run_scoped3A : memref<!tpu.dma_semaphore, #tpu.memory_space<semaphore_mem>>) {add = true}
        %dma_wait3A_120 = arith.constant 0 : i32
        %dma_wait3A_121 = tpu.memref_slice %arg7[%add3A_99, %dma_wait3A_120] : memref<40x128xi32, #tpu.memory_space<vmem>> -> memref<1x128xi32, #tpu.memory_space<vmem>>
        %dma_wait3A_122 = tpu.memref_squeeze %dma_wait3A_121 : memref<1x128xi32, #tpu.memory_space<vmem>> -> memref<128xi32, #tpu.memory_space<vmem>>
        %dma_wait3A_123 = arith.constant 0 : i32
        %dma_wait3A_124 = arith.constant 0 : i32
        %dma_wait3A_125 = tpu.memref_slice %arg10[%dma_wait3A_123, %dma_wait3A_124] : memref<10240x128xf32, #tpu.memory_space<vmem_shared>> -> memref<10240x128xf32, #tpu.memory_space<vmem_shared>>
        tpu.wait_indirect_dma semaphore(%run_scoped3A : memref<!tpu.dma_semaphore, #tpu.memory_space<semaphore_mem>>) src(%arg9 : memref<128x128xf32, #tpu.memory_space<vmem>>) dst(%dma_wait3A_125 : memref<10240x128xf32, #tpu.memory_space<vmem_shared>>)
        tpu.yield
      }) : () -> ()
      %add3A_106 = arith.constant 2 : i32
      %add3A_107 = arith.addi %add3A_99, %add3A_106 : i32
      %lt3A_108 = arith.constant 40 : i32
      %lt3A_109 = arith.cmpi slt, %add3A_107, %lt3A_108 : i32
      %convert_element_type3A_110 = arith.extui %lt3A_109 : i1 to i32
      %cond3A_111 = arith.constant 0 : i32
      %cond3A_112 = arith.cmpi ne, %convert_element_type3A_110, %cond3A_111 : i32
      scf.if %cond3A_112 {
        %add3A_114 = arith.constant 2 : i32
        %add3A_115 = arith.addi %add3A_99, %add3A_114 : i32
        %dma_start3A_116 = arith.constant 0 : i32
        %dma_start3A_117 = tpu.memref_slice %arg6[%add3A_115, %dma_start3A_116] : memref<40x128xi32, #tpu.memory_space<vmem>> -> memref<1x128xi32, #tpu.memory_space<vmem>>
        %dma_start3A_118 = tpu.memref_squeeze %dma_start3A_117 : memref<1x128xi32, #tpu.memory_space<vmem>> -> memref<128xi32, #tpu.memory_space<vmem>>
        %dma_start3A_119 = arith.constant 0 : i32
        %dma_start3A_120 = arith.constant 0 : i32
        %dma_start3A_121 = tpu.memref_slice %arg2[%dma_start3A_119, %dma_start3A_120] : memref<10240x128xf32, #tpu.memory_space<hbm>> -> memref<10240x128xf32, #tpu.memory_space<hbm>>
        tpu.enqueue_indirect_dma source(%dma_start3A_121 : memref<10240x128xf32, #tpu.memory_space<hbm>>) target(%arg9 : memref<128x128xf32, #tpu.memory_space<vmem>>) offsets(%dma_start3A_118 : memref<128xi32, #tpu.memory_space<vmem>>) semaphore(%arg12 : memref<!tpu.dma_semaphore, #tpu.memory_space<semaphore_mem>>)
      } else {
      }
      %scan3A_113 = arith.constant 0 : i32
      scf.yield %scan3A_113 : i32
    }
    %scan3A_59 = arith.constant 20 : i32
    %barrier3A_60 = arith.constant 0 : index
    tpu.barrier barrier_id(%barrier3A_60)
    %add3A_61 = arith.constant 0 : i32
    %add3A_62 = arith.addi %mul3A_8, %add3A_61 : i32
    %add3A_63 = arith.constant 0 : i32
    %add3A_64 = arith.addi %mul3A_8, %add3A_63 : i32
    "tpu.region"() ({
      %run_scoped3A = tpu.sem_alloc : memref<!tpu.dma_semaphore, #tpu.memory_space<semaphore_mem>>
      %dma_start3A_81 = arith.constant 0 : i32
      %dma_start3A_82 = tpu.memref_slice %arg5[%arg0, %add3A_64, %dma_start3A_81] : memref<2x10240x128xf32, #tpu.memory_space<hbm>> -> memref<1x128x128xf32, #tpu.memory_space<hbm>>
      %dma_start3A_83 = tpu.memref_squeeze %dma_start3A_82 : memref<1x128x128xf32, #tpu.memory_space<hbm>> -> memref<128x128xf32, #tpu.memory_space<hbm>>
      %dma_start3A_84 = arith.constant 0 : i32
      %dma_start3A_85 = tpu.memref_slice %arg10[%add3A_62, %dma_start3A_84] : memref<10240x128xf32, #tpu.memory_space<vmem_shared>> -> memref<128x128xf32, #tpu.memory_space<vmem_shared>>
      tpu.enqueue_dma source(%dma_start3A_85 : memref<128x128xf32, #tpu.memory_space<vmem_shared>>) target(%dma_start3A_83 : memref<128x128xf32, #tpu.memory_space<hbm>>) target_semaphore(%run_scoped3A : memref<!tpu.dma_semaphore, #tpu.memory_space<semaphore_mem>>)
      %dma_wait3A = arith.constant 0 : i32
      %dma_wait3A_86 = tpu.memref_slice %arg5[%arg0, %add3A_64, %dma_wait3A] : memref<2x10240x128xf32, #tpu.memory_space<hbm>> -> memref<1x128x128xf32, #tpu.memory_space<hbm>>
      %dma_wait3A_87 = tpu.memref_squeeze %dma_wait3A_86 : memref<1x128x128xf32, #tpu.memory_space<hbm>> -> memref<128x128xf32, #tpu.memory_space<hbm>>
      %dma_wait3A_88 = arith.constant 0 : i32
      %dma_wait3A_89 = tpu.memref_slice %arg10[%add3A_62, %dma_wait3A_88] : memref<10240x128xf32, #tpu.memory_space<vmem_shared>> -> memref<128x128xf32, #tpu.memory_space<vmem_shared>>
      tpu.wait_dma2 semaphore(%run_scoped3A : memref<!tpu.dma_semaphore, #tpu.memory_space<semaphore_mem>>) src(%dma_wait3A_89 : memref<128x128xf32, #tpu.memory_space<vmem_shared>>) dst(%dma_wait3A_87 : memref<128x128xf32, #tpu.memory_space<hbm>>)
      tpu.yield
    }) : () -> ()
    %add3A_65 = arith.constant 128 : i32
    %add3A_66 = arith.addi %mul3A_8, %add3A_65 : i32
    %add3A_67 = arith.constant 128 : i32
    %add3A_68 = arith.addi %mul3A_8, %add3A_67 : i32
    "tpu.region"() ({
      %run_scoped3A = tpu.sem_alloc : memref<!tpu.dma_semaphore, #tpu.memory_space<semaphore_mem>>
      %dma_start3A_81 = arith.constant 0 : i32
      %dma_start3A_82 = tpu.memref_slice %arg5[%arg0, %add3A_68, %dma_start3A_81] : memref<2x10240x128xf32, #tpu.memory_space<hbm>> -> memref<1x128x128xf32, #tpu.memory_space<hbm>>
      %dma_start3A_83 = tpu.memref_squeeze %dma_start3A_82 : memref<1x128x128xf32, #tpu.memory_space<hbm>> -> memref<128x128xf32, #tpu.memory_space<hbm>>
      %dma_start3A_84 = arith.constant 0 : i32
      %dma_start3A_85 = tpu.memref_slice %arg10[%add3A_66, %dma_start3A_84] : memref<10240x128xf32, #tpu.memory_space<vmem_shared>> -> memref<128x128xf32, #tpu.memory_space<vmem_shared>>
      tpu.enqueue_dma source(%dma_start3A_85 : memref<128x128xf32, #tpu.memory_space<vmem_shared>>) target(%dma_start3A_83 : memref<128x128xf32, #tpu.memory_space<hbm>>) target_semaphore(%run_scoped3A : memref<!tpu.dma_semaphore, #tpu.memory_space<semaphore_mem>>)
      %dma_wait3A = arith.constant 0 : i32
      %dma_wait3A_86 = tpu.memref_slice %arg5[%arg0, %add3A_68, %dma_wait3A] : memref<2x10240x128xf32, #tpu.memory_space<hbm>> -> memref<1x128x128xf32, #tpu.memory_space<hbm>>
      %dma_wait3A_87 = tpu.memref_squeeze %dma_wait3A_86 : memref<1x128x128xf32, #tpu.memory_space<hbm>> -> memref<128x128xf32, #tpu.memory_space<hbm>>
      %dma_wait3A_88 = arith.constant 0 : i32
      %dma_wait3A_89 = tpu.memref_slice %arg10[%add3A_66, %dma_wait3A_88] : memref<10240x128xf32, #tpu.memory_space<vmem_shared>> -> memref<128x128xf32, #tpu.memory_space<vmem_shared>>
      tpu.wait_dma2 semaphore(%run_scoped3A : memref<!tpu.dma_semaphore, #tpu.memory_space<semaphore_mem>>) src(%dma_wait3A_89 : memref<128x128xf32, #tpu.memory_space<vmem_shared>>) dst(%dma_wait3A_87 : memref<128x128xf32, #tpu.memory_space<hbm>>)
      tpu.yield
    }) : () -> ()
    %add3A_69 = arith.constant 256 : i32
    %add3A_70 = arith.addi %mul3A_8, %add3A_69 : i32
    %add3A_71 = arith.constant 256 : i32
    %add3A_72 = arith.addi %mul3A_8, %add3A_71 : i32
    "tpu.region"() ({
      %run_scoped3A = tpu.sem_alloc : memref<!tpu.dma_semaphore, #tpu.memory_space<semaphore_mem>>
      %dma_start3A_81 = arith.constant 0 : i32
      %dma_start3A_82 = tpu.memref_slice %arg5[%arg0, %add3A_72, %dma_start3A_81] : memref<2x10240x128xf32, #tpu.memory_space<hbm>> -> memref<1x128x128xf32, #tpu.memory_space<hbm>>
      %dma_start3A_83 = tpu.memref_squeeze %dma_start3A_82 : memref<1x128x128xf32, #tpu.memory_space<hbm>> -> memref<128x128xf32, #tpu.memory_space<hbm>>
      %dma_start3A_84 = arith.constant 0 : i32
      %dma_start3A_85 = tpu.memref_slice %arg10[%add3A_70, %dma_start3A_84] : memref<10240x128xf32, #tpu.memory_space<vmem_shared>> -> memref<128x128xf32, #tpu.memory_space<vmem_shared>>
      tpu.enqueue_dma source(%dma_start3A_85 : memref<128x128xf32, #tpu.memory_space<vmem_shared>>) target(%dma_start3A_83 : memref<128x128xf32, #tpu.memory_space<hbm>>) target_semaphore(%run_scoped3A : memref<!tpu.dma_semaphore, #tpu.memory_space<semaphore_mem>>)
      %dma_wait3A = arith.constant 0 : i32
      %dma_wait3A_86 = tpu.memref_slice %arg5[%arg0, %add3A_72, %dma_wait3A] : memref<2x10240x128xf32, #tpu.memory_space<hbm>> -> memref<1x128x128xf32, #tpu.memory_space<hbm>>
      %dma_wait3A_87 = tpu.memref_squeeze %dma_wait3A_86 : memref<1x128x128xf32, #tpu.memory_space<hbm>> -> memref<128x128xf32, #tpu.memory_space<hbm>>
      %dma_wait3A_88 = arith.constant 0 : i32
      %dma_wait3A_89 = tpu.memref_slice %arg10[%add3A_70, %dma_wait3A_88] : memref<10240x128xf32, #tpu.memory_space<vmem_shared>> -> memref<128x128xf32, #tpu.memory_space<vmem_shared>>
      tpu.wait_dma2 semaphore(%run_scoped3A : memref<!tpu.dma_semaphore, #tpu.memory_space<semaphore_mem>>) src(%dma_wait3A_89 : memref<128x128xf32, #tpu.memory_space<vmem_shared>>) dst(%dma_wait3A_87 : memref<128x128xf32, #tpu.memory_space<hbm>>)
      tpu.yield
    }) : () -> ()
    %add3A_73 = arith.constant 384 : i32
    %add3A_74 = arith.addi %mul3A_8, %add3A_73 : i32
    %add3A_75 = arith.constant 384 : i32
    %add3A_76 = arith.addi %mul3A_8, %add3A_75 : i32
    "tpu.region"() ({
      %run_scoped3A = tpu.sem_alloc : memref<!tpu.dma_semaphore, #tpu.memory_space<semaphore_mem>>
      %dma_start3A_81 = arith.constant 0 : i32
      %dma_start3A_82 = tpu.memref_slice %arg5[%arg0, %add3A_76, %dma_start3A_81] : memref<2x10240x128xf32, #tpu.memory_space<hbm>> -> memref<1x128x128xf32, #tpu.memory_space<hbm>>
      %dma_start3A_83 = tpu.memref_squeeze %dma_start3A_82 : memref<1x128x128xf32, #tpu.memory_space<hbm>> -> memref<128x128xf32, #tpu.memory_space<hbm>>
      %dma_start3A_84 = arith.constant 0 : i32
      %dma_start3A_85 = tpu.memref_slice %arg10[%add3A_74, %dma_start3A_84] : memref<10240x128xf32, #tpu.memory_space<vmem_shared>> -> memref<128x128xf32, #tpu.memory_space<vmem_shared>>
      tpu.enqueue_dma source(%dma_start3A_85 : memref<128x128xf32, #tpu.memory_space<vmem_shared>>) target(%dma_start3A_83 : memref<128x128xf32, #tpu.memory_space<hbm>>) target_semaphore(%run_scoped3A : memref<!tpu.dma_semaphore, #tpu.memory_space<semaphore_mem>>)
      %dma_wait3A = arith.constant 0 : i32
      %dma_wait3A_86 = tpu.memref_slice %arg5[%arg0, %add3A_76, %dma_wait3A] : memref<2x10240x128xf32, #tpu.memory_space<hbm>> -> memref<1x128x128xf32, #tpu.memory_space<hbm>>
      %dma_wait3A_87 = tpu.memref_squeeze %dma_wait3A_86 : memref<1x128x128xf32, #tpu.memory_space<hbm>> -> memref<128x128xf32, #tpu.memory_space<hbm>>
      %dma_wait3A_88 = arith.constant 0 : i32
      %dma_wait3A_89 = tpu.memref_slice %arg10[%add3A_74, %dma_wait3A_88] : memref<10240x128xf32, #tpu.memory_space<vmem_shared>> -> memref<128x128xf32, #tpu.memory_space<vmem_shared>>
      tpu.wait_dma2 semaphore(%run_scoped3A : memref<!tpu.dma_semaphore, #tpu.memory_space<semaphore_mem>>) src(%dma_wait3A_89 : memref<128x128xf32, #tpu.memory_space<vmem_shared>>) dst(%dma_wait3A_87 : memref<128x128xf32, #tpu.memory_space<hbm>>)
      tpu.yield
    }) : () -> ()
    %add3A_77 = arith.constant 512 : i32
    %add3A_78 = arith.addi %mul3A_8, %add3A_77 : i32
    %add3A_79 = arith.constant 512 : i32
    %add3A_80 = arith.addi %mul3A_8, %add3A_79 : i32
    "tpu.region"() ({
      %run_scoped3A = tpu.sem_alloc : memref<!tpu.dma_semaphore, #tpu.memory_space<semaphore_mem>>
      %dma_start3A_81 = arith.constant 0 : i32
      %dma_start3A_82 = tpu.memref_slice %arg5[%arg0, %add3A_80, %dma_start3A_81] : memref<2x10240x128xf32, #tpu.memory_space<hbm>> -> memref<1x128x128xf32, #tpu.memory_space<hbm>>
      %dma_start3A_83 = tpu.memref_squeeze %dma_start3A_82 : memref<1x128x128xf32, #tpu.memory_space<hbm>> -> memref<128x128xf32, #tpu.memory_space<hbm>>
      %dma_start3A_84 = arith.constant 0 : i32
      %dma_start3A_85 = tpu.memref_slice %arg10[%add3A_78, %dma_start3A_84] : memref<10240x128xf32, #tpu.memory_space<vmem_shared>> -> memref<128x128xf32, #tpu.memory_space<vmem_shared>>
      tpu.enqueue_dma source(%dma_start3A_85 : memref<128x128xf32, #tpu.memory_space<vmem_shared>>) target(%dma_start3A_83 : memref<128x128xf32, #tpu.memory_space<hbm>>) target_semaphore(%run_scoped3A : memref<!tpu.dma_semaphore, #tpu.memory_space<semaphore_mem>>)
      %dma_wait3A = arith.constant 0 : i32
      %dma_wait3A_86 = tpu.memref_slice %arg5[%arg0, %add3A_80, %dma_wait3A] : memref<2x10240x128xf32, #tpu.memory_space<hbm>> -> memref<1x128x128xf32, #tpu.memory_space<hbm>>
      %dma_wait3A_87 = tpu.memref_squeeze %dma_wait3A_86 : memref<1x128x128xf32, #tpu.memory_space<hbm>> -> memref<128x128xf32, #tpu.memory_space<hbm>>
      %dma_wait3A_88 = arith.constant 0 : i32
      %dma_wait3A_89 = tpu.memref_slice %arg10[%add3A_78, %dma_wait3A_88] : memref<10240x128xf32, #tpu.memory_space<vmem_shared>> -> memref<128x128xf32, #tpu.memory_space<vmem_shared>>
      tpu.wait_dma2 semaphore(%run_scoped3A : memref<!tpu.dma_semaphore, #tpu.memory_space<semaphore_mem>>) src(%dma_wait3A_89 : memref<128x128xf32, #tpu.memory_space<vmem_shared>>) dst(%dma_wait3A_87 : memref<128x128xf32, #tpu.memory_space<hbm>>)
      tpu.yield
    }) : () -> ()
    return
  }
}

#map = affine_map<(d0, d1) -> (0, 0)>
#map1 = affine_map<(d0, d1) -> (0, 0, 0)>
module attributes {stable_mosaic.version = 14 : i64} {
  func.func @_agg_kernel(%arg0: i32, %arg1: i32, %arg2: memref<10240x128xf32, #tpu.memory_space<hbm>>, %arg3: memref<32x80x128xi32, #tpu.memory_space<hbm>>, %arg4: memref<32x80x128xi32, #tpu.memory_space<hbm>>, %arg5: memref<2x10240x128xf32, #tpu.memory_space<hbm>>, %arg6: memref<40x128xi32, #tpu.memory_space<vmem>>, %arg7: memref<40x128xi32, #tpu.memory_space<vmem>>, %arg8: memref<128x128xf32, #tpu.memory_space<vmem>>, %arg9: memref<128x128xf32, #tpu.memory_space<vmem>>, %arg10: memref<10240x128xf32, #tpu.memory_space<vmem_shared>>, %arg11: memref<!tpu.dma_semaphore, #tpu.memory_space<semaphore_mem>>, %arg12: memref<!tpu.dma_semaphore, #tpu.memory_space<semaphore_mem>>) attributes {dimension_semantics = [#tpu.dimension_semantics<core_parallel>, #tpu.dimension_semantics<subcore_parallel>], iteration_bounds = array<i64: 2, 16>, scalar_prefetch = 0 : i64, scratch_operands = 7 : i64, tpu.core_type = #tpu.core_type<sc_vector_subcore>, window_params = [{transform_indices = #map}, {transform_indices = #map1}, {transform_indices = #map1}, {transform_indices = #map1}]} {
    %mul3A = arith.constant 16 : i32
    %mul3A_0 = arith.muli %arg0, %mul3A : i32
    %add3A = arith.addi %mul3A_0, %arg1 : i32
    %scan3A = arith.constant 0 : i32
    %scan3A_1 = arith.constant 0 : i32
    %scan3A_2 = arith.constant 128 : i32
    %scan3A_3 = arith.addi %scan3A_1, %scan3A_2 : i32
    %scan3A_4 = arith.constant 1 : i32
    %scan3A_5 = scf.for %scan3A_81 = %scan3A_1 to %scan3A_3 step %scan3A_4 iter_args(%scan3A_82 = %scan3A) -> (i32)  : i32 {
      %broadcast_in_dim3A = arith.constant 0.000000e+00 : f32
      %broadcast_in_dim3A_83 = vector.broadcast %broadcast_in_dim3A : f32 to vector<16xf32>
      %swap3A = arith.index_cast %scan3A_81 : i32 to index
      %swap3A_84 = arith.constant 0 : index
      %swap3A_85 = tpu.vector_load %arg8[%swap3A, %swap3A_84] {strides = array<i32>} : memref<128x128xf32, #tpu.memory_space<vmem>>, vector<1x16xf32>,
      %swap3A_86 = vector.shape_cast %swap3A_85 : vector<1x16xf32> to vector<16xf32>
      %swap3A_87 = vector.shape_cast %broadcast_in_dim3A_83 : vector<16xf32> to vector<1x16xf32>
      tpu.vector_store %arg8[%swap3A, %swap3A_84], %swap3A_87 {strides = array<i32>} : memref<128x128xf32, #tpu.memory_space<vmem>>, vector<1x16xf32>,
      %broadcast_in_dim3A_88 = arith.constant 0.000000e+00 : f32
      %broadcast_in_dim3A_89 = vector.broadcast %broadcast_in_dim3A_88 : f32 to vector<16xf32>
      %swap3A_90 = arith.index_cast %scan3A_81 : i32 to index
      %swap3A_91 = arith.constant 16 : index
      %swap3A_92 = tpu.vector_load %arg8[%swap3A_90, %swap3A_91] {strides = array<i32>} : memref<128x128xf32, #tpu.memory_space<vmem>>, vector<1x16xf32>,
      %swap3A_93 = vector.shape_cast %swap3A_92 : vector<1x16xf32> to vector<16xf32>
      %swap3A_94 = vector.shape_cast %broadcast_in_dim3A_89 : vector<16xf32> to vector<1x16xf32>
      tpu.vector_store %arg8[%swap3A_90, %swap3A_91], %swap3A_94 {strides = array<i32>} : memref<128x128xf32, #tpu.memory_space<vmem>>, vector<1x16xf32>,
      %broadcast_in_dim3A_95 = arith.constant 0.000000e+00 : f32
      %broadcast_in_dim3A_96 = vector.broadcast %broadcast_in_dim3A_95 : f32 to vector<16xf32>
      %swap3A_97 = arith.index_cast %scan3A_81 : i32 to index
      %swap3A_98 = arith.constant 32 : index
      %swap3A_99 = tpu.vector_load %arg8[%swap3A_97, %swap3A_98] {strides = array<i32>} : memref<128x128xf32, #tpu.memory_space<vmem>>, vector<1x16xf32>,
      %swap3A_100 = vector.shape_cast %swap3A_99 : vector<1x16xf32> to vector<16xf32>
      %swap3A_101 = vector.shape_cast %broadcast_in_dim3A_96 : vector<16xf32> to vector<1x16xf32>
      tpu.vector_store %arg8[%swap3A_97, %swap3A_98], %swap3A_101 {strides = array<i32>} : memref<128x128xf32, #tpu.memory_space<vmem>>, vector<1x16xf32>,
      %broadcast_in_dim3A_102 = arith.constant 0.000000e+00 : f32
      %broadcast_in_dim3A_103 = vector.broadcast %broadcast_in_dim3A_102 : f32 to vector<16xf32>
      %swap3A_104 = arith.index_cast %scan3A_81 : i32 to index
      %swap3A_105 = arith.constant 48 : index
      %swap3A_106 = tpu.vector_load %arg8[%swap3A_104, %swap3A_105] {strides = array<i32>} : memref<128x128xf32, #tpu.memory_space<vmem>>, vector<1x16xf32>,
      %swap3A_107 = vector.shape_cast %swap3A_106 : vector<1x16xf32> to vector<16xf32>
      %swap3A_108 = vector.shape_cast %broadcast_in_dim3A_103 : vector<16xf32> to vector<1x16xf32>
      tpu.vector_store %arg8[%swap3A_104, %swap3A_105], %swap3A_108 {strides = array<i32>} : memref<128x128xf32, #tpu.memory_space<vmem>>, vector<1x16xf32>,
      %broadcast_in_dim3A_109 = arith.constant 0.000000e+00 : f32
      %broadcast_in_dim3A_110 = vector.broadcast %broadcast_in_dim3A_109 : f32 to vector<16xf32>
      %swap3A_111 = arith.index_cast %scan3A_81 : i32 to index
      %swap3A_112 = arith.constant 64 : index
      %swap3A_113 = tpu.vector_load %arg8[%swap3A_111, %swap3A_112] {strides = array<i32>} : memref<128x128xf32, #tpu.memory_space<vmem>>, vector<1x16xf32>,
      %swap3A_114 = vector.shape_cast %swap3A_113 : vector<1x16xf32> to vector<16xf32>
      %swap3A_115 = vector.shape_cast %broadcast_in_dim3A_110 : vector<16xf32> to vector<1x16xf32>
      tpu.vector_store %arg8[%swap3A_111, %swap3A_112], %swap3A_115 {strides = array<i32>} : memref<128x128xf32, #tpu.memory_space<vmem>>, vector<1x16xf32>,
      %broadcast_in_dim3A_116 = arith.constant 0.000000e+00 : f32
      %broadcast_in_dim3A_117 = vector.broadcast %broadcast_in_dim3A_116 : f32 to vector<16xf32>
      %swap3A_118 = arith.index_cast %scan3A_81 : i32 to index
      %swap3A_119 = arith.constant 80 : index
      %swap3A_120 = tpu.vector_load %arg8[%swap3A_118, %swap3A_119] {strides = array<i32>} : memref<128x128xf32, #tpu.memory_space<vmem>>, vector<1x16xf32>,
      %swap3A_121 = vector.shape_cast %swap3A_120 : vector<1x16xf32> to vector<16xf32>
      %swap3A_122 = vector.shape_cast %broadcast_in_dim3A_117 : vector<16xf32> to vector<1x16xf32>
      tpu.vector_store %arg8[%swap3A_118, %swap3A_119], %swap3A_122 {strides = array<i32>} : memref<128x128xf32, #tpu.memory_space<vmem>>, vector<1x16xf32>,
      %broadcast_in_dim3A_123 = arith.constant 0.000000e+00 : f32
      %broadcast_in_dim3A_124 = vector.broadcast %broadcast_in_dim3A_123 : f32 to vector<16xf32>
      %swap3A_125 = arith.index_cast %scan3A_81 : i32 to index
      %swap3A_126 = arith.constant 96 : index
      %swap3A_127 = tpu.vector_load %arg8[%swap3A_125, %swap3A_126] {strides = array<i32>} : memref<128x128xf32, #tpu.memory_space<vmem>>, vector<1x16xf32>,
      %swap3A_128 = vector.shape_cast %swap3A_127 : vector<1x16xf32> to vector<16xf32>
      %swap3A_129 = vector.shape_cast %broadcast_in_dim3A_124 : vector<16xf32> to vector<1x16xf32>
      tpu.vector_store %arg8[%swap3A_125, %swap3A_126], %swap3A_129 {strides = array<i32>} : memref<128x128xf32, #tpu.memory_space<vmem>>, vector<1x16xf32>,
      %broadcast_in_dim3A_130 = arith.constant 0.000000e+00 : f32
      %broadcast_in_dim3A_131 = vector.broadcast %broadcast_in_dim3A_130 : f32 to vector<16xf32>
      %swap3A_132 = arith.index_cast %scan3A_81 : i32 to index
      %swap3A_133 = arith.constant 112 : index
      %swap3A_134 = tpu.vector_load %arg8[%swap3A_132, %swap3A_133] {strides = array<i32>} : memref<128x128xf32, #tpu.memory_space<vmem>>, vector<1x16xf32>,
      %swap3A_135 = vector.shape_cast %swap3A_134 : vector<1x16xf32> to vector<16xf32>
      %swap3A_136 = vector.shape_cast %broadcast_in_dim3A_131 : vector<16xf32> to vector<1x16xf32>
      tpu.vector_store %arg8[%swap3A_132, %swap3A_133], %swap3A_136 {strides = array<i32>} : memref<128x128xf32, #tpu.memory_space<vmem>>, vector<1x16xf32>,
      %scan3A_137 = arith.constant 0 : i32
      scf.yield %scan3A_137 : i32
    }
    %scan3A_6 = arith.constant 128 : i32
    %mul3A_7 = arith.constant 640 : i32
    %mul3A_8 = arith.muli %arg1, %mul3A_7 : i32
    %add3A_9 = arith.constant 0 : i32
    %add3A_10 = arith.addi %mul3A_8, %add3A_9 : i32
    "tpu.region"() ({
      %run_scoped3A = tpu.sem_alloc : memref<!tpu.dma_semaphore, #tpu.memory_space<semaphore_mem>>
      %dma_start3A_81 = arith.constant 0 : i32
      %dma_start3A_82 = tpu.memref_slice %arg10[%add3A_10, %dma_start3A_81] : memref<10240x128xf32, #tpu.memory_space<vmem_shared>> -> memref<128x128xf32, #tpu.memory_space<vmem_shared>>
      %dma_start3A_83 = arith.constant 0 : i32
      %dma_start3A_84 = tpu.memref_slice %arg10[%add3A_10, %dma_start3A_83] : memref<10240x128xf32, #tpu.memory_space<vmem_shared>> -> memref<128x128xf32, #tpu.memory_space<vmem_shared>>
      tpu.enqueue_dma source(%arg8 : memref<128x128xf32, #tpu.memory_space<vmem>>) target(%dma_start3A_84 : memref<128x128xf32, #tpu.memory_space<vmem_shared>>) target_semaphore(%run_scoped3A : memref<!tpu.dma_semaphore, #tpu.memory_space<semaphore_mem>>)
      %dma_wait3A = arith.constant 0 : i32
      %dma_wait3A_85 = tpu.memref_slice %arg10[%add3A_10, %dma_wait3A] : memref<10240x128xf32, #tpu.memory_space<vmem_shared>> -> memref<128x128xf32, #tpu.memory_space<vmem_shared>>
      %dma_wait3A_86 = arith.constant 0 : i32
      %dma_wait3A_87 = tpu.memref_slice %arg10[%add3A_10, %dma_wait3A_86] : memref<10240x128xf32, #tpu.memory_space<vmem_shared>> -> memref<128x128xf32, #tpu.memory_space<vmem_shared>>
      tpu.wait_dma2 semaphore(%run_scoped3A : memref<!tpu.dma_semaphore, #tpu.memory_space<semaphore_mem>>) src(%arg8 : memref<128x128xf32, #tpu.memory_space<vmem>>) dst(%dma_wait3A_87 : memref<128x128xf32, #tpu.memory_space<vmem_shared>>)
      tpu.yield
    }) : () -> ()
    %add3A_11 = arith.constant 128 : i32
    %add3A_12 = arith.addi %mul3A_8, %add3A_11 : i32
    "tpu.region"() ({
      %run_scoped3A = tpu.sem_alloc : memref<!tpu.dma_semaphore, #tpu.memory_space<semaphore_mem>>
      %dma_start3A_81 = arith.constant 0 : i32
      %dma_start3A_82 = tpu.memref_slice %arg10[%add3A_12, %dma_start3A_81] : memref<10240x128xf32, #tpu.memory_space<vmem_shared>> -> memref<128x128xf32, #tpu.memory_space<vmem_shared>>
      %dma_start3A_83 = arith.constant 0 : i32
      %dma_start3A_84 = tpu.memref_slice %arg10[%add3A_12, %dma_start3A_83] : memref<10240x128xf32, #tpu.memory_space<vmem_shared>> -> memref<128x128xf32, #tpu.memory_space<vmem_shared>>
      tpu.enqueue_dma source(%arg8 : memref<128x128xf32, #tpu.memory_space<vmem>>) target(%dma_start3A_84 : memref<128x128xf32, #tpu.memory_space<vmem_shared>>) target_semaphore(%run_scoped3A : memref<!tpu.dma_semaphore, #tpu.memory_space<semaphore_mem>>)
      %dma_wait3A = arith.constant 0 : i32
      %dma_wait3A_85 = tpu.memref_slice %arg10[%add3A_12, %dma_wait3A] : memref<10240x128xf32, #tpu.memory_space<vmem_shared>> -> memref<128x128xf32, #tpu.memory_space<vmem_shared>>
      %dma_wait3A_86 = arith.constant 0 : i32
      %dma_wait3A_87 = tpu.memref_slice %arg10[%add3A_12, %dma_wait3A_86] : memref<10240x128xf32, #tpu.memory_space<vmem_shared>> -> memref<128x128xf32, #tpu.memory_space<vmem_shared>>
      tpu.wait_dma2 semaphore(%run_scoped3A : memref<!tpu.dma_semaphore, #tpu.memory_space<semaphore_mem>>) src(%arg8 : memref<128x128xf32, #tpu.memory_space<vmem>>) dst(%dma_wait3A_87 : memref<128x128xf32, #tpu.memory_space<vmem_shared>>)
      tpu.yield
    }) : () -> ()
    %add3A_13 = arith.constant 256 : i32
    %add3A_14 = arith.addi %mul3A_8, %add3A_13 : i32
    "tpu.region"() ({
      %run_scoped3A = tpu.sem_alloc : memref<!tpu.dma_semaphore, #tpu.memory_space<semaphore_mem>>
      %dma_start3A_81 = arith.constant 0 : i32
      %dma_start3A_82 = tpu.memref_slice %arg10[%add3A_14, %dma_start3A_81] : memref<10240x128xf32, #tpu.memory_space<vmem_shared>> -> memref<128x128xf32, #tpu.memory_space<vmem_shared>>
      %dma_start3A_83 = arith.constant 0 : i32
      %dma_start3A_84 = tpu.memref_slice %arg10[%add3A_14, %dma_start3A_83] : memref<10240x128xf32, #tpu.memory_space<vmem_shared>> -> memref<128x128xf32, #tpu.memory_space<vmem_shared>>
      tpu.enqueue_dma source(%arg8 : memref<128x128xf32, #tpu.memory_space<vmem>>) target(%dma_start3A_84 : memref<128x128xf32, #tpu.memory_space<vmem_shared>>) target_semaphore(%run_scoped3A : memref<!tpu.dma_semaphore, #tpu.memory_space<semaphore_mem>>)
      %dma_wait3A = arith.constant 0 : i32
      %dma_wait3A_85 = tpu.memref_slice %arg10[%add3A_14, %dma_wait3A] : memref<10240x128xf32, #tpu.memory_space<vmem_shared>> -> memref<128x128xf32, #tpu.memory_space<vmem_shared>>
      %dma_wait3A_86 = arith.constant 0 : i32
      %dma_wait3A_87 = tpu.memref_slice %arg10[%add3A_14, %dma_wait3A_86] : memref<10240x128xf32, #tpu.memory_space<vmem_shared>> -> memref<128x128xf32, #tpu.memory_space<vmem_shared>>
      tpu.wait_dma2 semaphore(%run_scoped3A : memref<!tpu.dma_semaphore, #tpu.memory_space<semaphore_mem>>) src(%arg8 : memref<128x128xf32, #tpu.memory_space<vmem>>) dst(%dma_wait3A_87 : memref<128x128xf32, #tpu.memory_space<vmem_shared>>)
      tpu.yield
    }) : () -> ()
    %add3A_15 = arith.constant 384 : i32
    %add3A_16 = arith.addi %mul3A_8, %add3A_15 : i32
    "tpu.region"() ({
      %run_scoped3A = tpu.sem_alloc : memref<!tpu.dma_semaphore, #tpu.memory_space<semaphore_mem>>
      %dma_start3A_81 = arith.constant 0 : i32
      %dma_start3A_82 = tpu.memref_slice %arg10[%add3A_16, %dma_start3A_81] : memref<10240x128xf32, #tpu.memory_space<vmem_shared>> -> memref<128x128xf32, #tpu.memory_space<vmem_shared>>
      %dma_start3A_83 = arith.constant 0 : i32
      %dma_start3A_84 = tpu.memref_slice %arg10[%add3A_16, %dma_start3A_83] : memref<10240x128xf32, #tpu.memory_space<vmem_shared>> -> memref<128x128xf32, #tpu.memory_space<vmem_shared>>
      tpu.enqueue_dma source(%arg8 : memref<128x128xf32, #tpu.memory_space<vmem>>) target(%dma_start3A_84 : memref<128x128xf32, #tpu.memory_space<vmem_shared>>) target_semaphore(%run_scoped3A : memref<!tpu.dma_semaphore, #tpu.memory_space<semaphore_mem>>)
      %dma_wait3A = arith.constant 0 : i32
      %dma_wait3A_85 = tpu.memref_slice %arg10[%add3A_16, %dma_wait3A] : memref<10240x128xf32, #tpu.memory_space<vmem_shared>> -> memref<128x128xf32, #tpu.memory_space<vmem_shared>>
      %dma_wait3A_86 = arith.constant 0 : i32
      %dma_wait3A_87 = tpu.memref_slice %arg10[%add3A_16, %dma_wait3A_86] : memref<10240x128xf32, #tpu.memory_space<vmem_shared>> -> memref<128x128xf32, #tpu.memory_space<vmem_shared>>
      tpu.wait_dma2 semaphore(%run_scoped3A : memref<!tpu.dma_semaphore, #tpu.memory_space<semaphore_mem>>) src(%arg8 : memref<128x128xf32, #tpu.memory_space<vmem>>) dst(%dma_wait3A_87 : memref<128x128xf32, #tpu.memory_space<vmem_shared>>)
      tpu.yield
    }) : () -> ()
    %add3A_17 = arith.constant 512 : i32
    %add3A_18 = arith.addi %mul3A_8, %add3A_17 : i32
    "tpu.region"() ({
      %run_scoped3A = tpu.sem_alloc : memref<!tpu.dma_semaphore, #tpu.memory_space<semaphore_mem>>
      %dma_start3A_81 = arith.constant 0 : i32
      %dma_start3A_82 = tpu.memref_slice %arg10[%add3A_18, %dma_start3A_81] : memref<10240x128xf32, #tpu.memory_space<vmem_shared>> -> memref<128x128xf32, #tpu.memory_space<vmem_shared>>
      %dma_start3A_83 = arith.constant 0 : i32
      %dma_start3A_84 = tpu.memref_slice %arg10[%add3A_18, %dma_start3A_83] : memref<10240x128xf32, #tpu.memory_space<vmem_shared>> -> memref<128x128xf32, #tpu.memory_space<vmem_shared>>
      tpu.enqueue_dma source(%arg8 : memref<128x128xf32, #tpu.memory_space<vmem>>) target(%dma_start3A_84 : memref<128x128xf32, #tpu.memory_space<vmem_shared>>) target_semaphore(%run_scoped3A : memref<!tpu.dma_semaphore, #tpu.memory_space<semaphore_mem>>)
      %dma_wait3A = arith.constant 0 : i32
      %dma_wait3A_85 = tpu.memref_slice %arg10[%add3A_18, %dma_wait3A] : memref<10240x128xf32, #tpu.memory_space<vmem_shared>> -> memref<128x128xf32, #tpu.memory_space<vmem_shared>>
      %dma_wait3A_86 = arith.constant 0 : i32
      %dma_wait3A_87 = tpu.memref_slice %arg10[%add3A_18, %dma_wait3A_86] : memref<10240x128xf32, #tpu.memory_space<vmem_shared>> -> memref<128x128xf32, #tpu.memory_space<vmem_shared>>
      tpu.wait_dma2 semaphore(%run_scoped3A : memref<!tpu.dma_semaphore, #tpu.memory_space<semaphore_mem>>) src(%arg8 : memref<128x128xf32, #tpu.memory_space<vmem>>) dst(%dma_wait3A_87 : memref<128x128xf32, #tpu.memory_space<vmem_shared>>)
      tpu.yield
    }) : () -> ()
    %barrier3A = arith.constant 0 : index
    tpu.barrier barrier_id(%barrier3A)
    "tpu.region"() ({
      %run_scoped3A = tpu.sem_alloc : memref<!tpu.dma_semaphore, #tpu.memory_space<semaphore_mem>>
      %dma_start3A_81 = arith.constant 0 : i32
      %dma_start3A_82 = arith.constant 0 : i32
      %dma_start3A_83 = tpu.memref_slice %arg3[%add3A, %dma_start3A_81, %dma_start3A_82] : memref<32x80x128xi32, #tpu.memory_space<hbm>> -> memref<1x40x128xi32, #tpu.memory_space<hbm>>
      %dma_start3A_84 = tpu.memref_squeeze %dma_start3A_83 : memref<1x40x128xi32, #tpu.memory_space<hbm>> -> memref<40x128xi32, #tpu.memory_space<hbm>>
      %dma_start3A_85 = arith.constant 0 : i32
      %dma_start3A_86 = arith.constant 0 : i32
      %dma_start3A_87 = tpu.memref_slice %arg3[%add3A, %dma_start3A_85, %dma_start3A_86] : memref<32x80x128xi32, #tpu.memory_space<hbm>> -> memref<1x40x128xi32, #tpu.memory_space<hbm>>
      %dma_start3A_88 = tpu.memref_squeeze %dma_start3A_87 : memref<1x40x128xi32, #tpu.memory_space<hbm>> -> memref<40x128xi32, #tpu.memory_space<hbm>>
      tpu.enqueue_dma source(%dma_start3A_88 : memref<40x128xi32, #tpu.memory_space<hbm>>) target(%arg6 : memref<40x128xi32, #tpu.memory_space<vmem>>) target_semaphore(%run_scoped3A : memref<!tpu.dma_semaphore, #tpu.memory_space<semaphore_mem>>)
      %dma_wait3A = arith.constant 0 : i32
      %dma_wait3A_89 = arith.constant 0 : i32
      %dma_wait3A_90 = tpu.memref_slice %arg3[%add3A, %dma_wait3A, %dma_wait3A_89] : memref<32x80x128xi32, #tpu.memory_space<hbm>> -> memref<1x40x128xi32, #tpu.memory_space<hbm>>
      %dma_wait3A_91 = tpu.memref_squeeze %dma_wait3A_90 : memref<1x40x128xi32, #tpu.memory_space<hbm>> -> memref<40x128xi32, #tpu.memory_space<hbm>>
      %dma_wait3A_92 = arith.constant 0 : i32
      %dma_wait3A_93 = arith.constant 0 : i32
      %dma_wait3A_94 = tpu.memref_slice %arg3[%add3A, %dma_wait3A_92, %dma_wait3A_93] : memref<32x80x128xi32, #tpu.memory_space<hbm>> -> memref<1x40x128xi32, #tpu.memory_space<hbm>>
      %dma_wait3A_95 = tpu.memref_squeeze %dma_wait3A_94 : memref<1x40x128xi32, #tpu.memory_space<hbm>> -> memref<40x128xi32, #tpu.memory_space<hbm>>
      tpu.wait_dma2 semaphore(%run_scoped3A : memref<!tpu.dma_semaphore, #tpu.memory_space<semaphore_mem>>) src(%dma_wait3A_95 : memref<40x128xi32, #tpu.memory_space<hbm>>) dst(%arg6 : memref<40x128xi32, #tpu.memory_space<vmem>>)
      tpu.yield
    }) : () -> ()
    "tpu.region"() ({
      %run_scoped3A = tpu.sem_alloc : memref<!tpu.dma_semaphore, #tpu.memory_space<semaphore_mem>>
      %dma_start3A_81 = arith.constant 0 : i32
      %dma_start3A_82 = arith.constant 0 : i32
      %dma_start3A_83 = tpu.memref_slice %arg4[%add3A, %dma_start3A_81, %dma_start3A_82] : memref<32x80x128xi32, #tpu.memory_space<hbm>> -> memref<1x40x128xi32, #tpu.memory_space<hbm>>
      %dma_start3A_84 = tpu.memref_squeeze %dma_start3A_83 : memref<1x40x128xi32, #tpu.memory_space<hbm>> -> memref<40x128xi32, #tpu.memory_space<hbm>>
      %dma_start3A_85 = arith.constant 0 : i32
      %dma_start3A_86 = arith.constant 0 : i32
      %dma_start3A_87 = tpu.memref_slice %arg4[%add3A, %dma_start3A_85, %dma_start3A_86] : memref<32x80x128xi32, #tpu.memory_space<hbm>> -> memref<1x40x128xi32, #tpu.memory_space<hbm>>
      %dma_start3A_88 = tpu.memref_squeeze %dma_start3A_87 : memref<1x40x128xi32, #tpu.memory_space<hbm>> -> memref<40x128xi32, #tpu.memory_space<hbm>>
      tpu.enqueue_dma source(%dma_start3A_88 : memref<40x128xi32, #tpu.memory_space<hbm>>) target(%arg7 : memref<40x128xi32, #tpu.memory_space<vmem>>) target_semaphore(%run_scoped3A : memref<!tpu.dma_semaphore, #tpu.memory_space<semaphore_mem>>)
      %dma_wait3A = arith.constant 0 : i32
      %dma_wait3A_89 = arith.constant 0 : i32
      %dma_wait3A_90 = tpu.memref_slice %arg4[%add3A, %dma_wait3A, %dma_wait3A_89] : memref<32x80x128xi32, #tpu.memory_space<hbm>> -> memref<1x40x128xi32, #tpu.memory_space<hbm>>
      %dma_wait3A_91 = tpu.memref_squeeze %dma_wait3A_90 : memref<1x40x128xi32, #tpu.memory_space<hbm>> -> memref<40x128xi32, #tpu.memory_space<hbm>>
      %dma_wait3A_92 = arith.constant 0 : i32
      %dma_wait3A_93 = arith.constant 0 : i32
      %dma_wait3A_94 = tpu.memref_slice %arg4[%add3A, %dma_wait3A_92, %dma_wait3A_93] : memref<32x80x128xi32, #tpu.memory_space<hbm>> -> memref<1x40x128xi32, #tpu.memory_space<hbm>>
      %dma_wait3A_95 = tpu.memref_squeeze %dma_wait3A_94 : memref<1x40x128xi32, #tpu.memory_space<hbm>> -> memref<40x128xi32, #tpu.memory_space<hbm>>
      tpu.wait_dma2 semaphore(%run_scoped3A : memref<!tpu.dma_semaphore, #tpu.memory_space<semaphore_mem>>) src(%dma_wait3A_95 : memref<40x128xi32, #tpu.memory_space<hbm>>) dst(%arg7 : memref<40x128xi32, #tpu.memory_space<vmem>>)
      tpu.yield
    }) : () -> ()
    %dma_start3A = arith.constant 0 : i32
    %dma_start3A_19 = arith.constant 0 : i32
    %dma_start3A_20 = tpu.memref_slice %arg6[%dma_start3A, %dma_start3A_19] : memref<40x128xi32, #tpu.memory_space<vmem>> -> memref<1x128xi32, #tpu.memory_space<vmem>>
    %dma_start3A_21 = tpu.memref_squeeze %dma_start3A_20 : memref<1x128xi32, #tpu.memory_space<vmem>> -> memref<128xi32, #tpu.memory_space<vmem>>
    %dma_start3A_22 = arith.constant 0 : i32
    %dma_start3A_23 = arith.constant 0 : i32
    %dma_start3A_24 = tpu.memref_slice %arg2[%dma_start3A_22, %dma_start3A_23] : memref<10240x128xf32, #tpu.memory_space<hbm>> -> memref<10240x128xf32, #tpu.memory_space<hbm>>
    tpu.enqueue_indirect_dma source(%dma_start3A_24 : memref<10240x128xf32, #tpu.memory_space<hbm>>) target(%arg8 : memref<128x128xf32, #tpu.memory_space<vmem>>) offsets(%dma_start3A_21 : memref<128xi32, #tpu.memory_space<vmem>>) semaphore(%arg11 : memref<!tpu.dma_semaphore, #tpu.memory_space<semaphore_mem>>)
    %dma_start3A_25 = arith.constant 1 : i32
    %dma_start3A_26 = arith.constant 0 : i32
    %dma_start3A_27 = tpu.memref_slice %arg6[%dma_start3A_25, %dma_start3A_26] : memref<40x128xi32, #tpu.memory_space<vmem>> -> memref<1x128xi32, #tpu.memory_space<vmem>>
    %dma_start3A_28 = tpu.memref_squeeze %dma_start3A_27 : memref<1x128xi32, #tpu.memory_space<vmem>> -> memref<128xi32, #tpu.memory_space<vmem>>
    %dma_start3A_29 = arith.constant 0 : i32
    %dma_start3A_30 = arith.constant 0 : i32
    %dma_start3A_31 = tpu.memref_slice %arg2[%dma_start3A_29, %dma_start3A_30] : memref<10240x128xf32, #tpu.memory_space<hbm>> -> memref<10240x128xf32, #tpu.memory_space<hbm>>
    tpu.enqueue_indirect_dma source(%dma_start3A_31 : memref<10240x128xf32, #tpu.memory_space<hbm>>) target(%arg9 : memref<128x128xf32, #tpu.memory_space<vmem>>) offsets(%dma_start3A_28 : memref<128xi32, #tpu.memory_space<vmem>>) semaphore(%arg12 : memref<!tpu.dma_semaphore, #tpu.memory_space<semaphore_mem>>)
    %scan3A_32 = arith.constant 0 : i32
    %scan3A_33 = arith.constant 0 : i32
    %scan3A_34 = arith.constant 20 : i32
    %scan3A_35 = arith.addi %scan3A_33, %scan3A_34 : i32
    %scan3A_36 = arith.constant 1 : i32
    %scan3A_37 = scf.for %scan3A_81 = %scan3A_33 to %scan3A_35 step %scan3A_36 iter_args(%scan3A_82 = %scan3A_32) -> (i32)  : i32 {
      %mul3A_83 = arith.constant 2 : i32
      %mul3A_84 = arith.muli %mul3A_83, %scan3A_81 : i32
      %add3A_85 = arith.constant 0 : i32
      %add3A_86 = arith.addi %mul3A_84, %add3A_85 : i32
      %dma_wait3A = arith.constant 0 : i32
      %dma_wait3A_87 = tpu.memref_slice %arg6[%add3A_86, %dma_wait3A] : memref<40x128xi32, #tpu.memory_space<vmem>> -> memref<1x128xi32, #tpu.memory_space<vmem>>
      %dma_wait3A_88 = tpu.memref_squeeze %dma_wait3A_87 : memref<1x128xi32, #tpu.memory_space<vmem>> -> memref<128xi32, #tpu.memory_space<vmem>>
      %dma_wait3A_89 = arith.constant 0 : i32
      %dma_wait3A_90 = arith.constant 0 : i32
      %dma_wait3A_91 = tpu.memref_slice %arg2[%dma_wait3A_89, %dma_wait3A_90] : memref<10240x128xf32, #tpu.memory_space<hbm>> -> memref<10240x128xf32, #tpu.memory_space<hbm>>
      tpu.wait_indirect_dma semaphore(%arg11 : memref<!tpu.dma_semaphore, #tpu.memory_space<semaphore_mem>>) src(%dma_wait3A_91 : memref<10240x128xf32, #tpu.memory_space<hbm>>) dst(%arg8 : memref<128x128xf32, #tpu.memory_space<vmem>>)
      "tpu.region"() ({
        %run_scoped3A = tpu.sem_alloc : memref<!tpu.dma_semaphore, #tpu.memory_space<semaphore_mem>>
        %dma_start3A_114 = arith.constant 0 : i32
        %dma_start3A_115 = tpu.memref_slice %arg7[%add3A_86, %dma_start3A_114] : memref<40x128xi32, #tpu.memory_space<vmem>> -> memref<1x128xi32, #tpu.memory_space<vmem>>
        %dma_start3A_116 = tpu.memref_squeeze %dma_start3A_115 : memref<1x128xi32, #tpu.memory_space<vmem>> -> memref<128xi32, #tpu.memory_space<vmem>>
        %dma_start3A_117 = arith.constant 0 : i32
        %dma_start3A_118 = arith.constant 0 : i32
        %dma_start3A_119 = tpu.memref_slice %arg10[%dma_start3A_117, %dma_start3A_118] : memref<10240x128xf32, #tpu.memory_space<vmem_shared>> -> memref<10240x128xf32, #tpu.memory_space<vmem_shared>>
        tpu.enqueue_indirect_dma source(%arg8 : memref<128x128xf32, #tpu.memory_space<vmem>>) target(%dma_start3A_119 : memref<10240x128xf32, #tpu.memory_space<vmem_shared>>) offsets(%dma_start3A_116 : memref<128xi32, #tpu.memory_space<vmem>>) semaphore(%run_scoped3A : memref<!tpu.dma_semaphore, #tpu.memory_space<semaphore_mem>>) {add = true}
        %dma_wait3A_120 = arith.constant 0 : i32
        %dma_wait3A_121 = tpu.memref_slice %arg7[%add3A_86, %dma_wait3A_120] : memref<40x128xi32, #tpu.memory_space<vmem>> -> memref<1x128xi32, #tpu.memory_space<vmem>>
        %dma_wait3A_122 = tpu.memref_squeeze %dma_wait3A_121 : memref<1x128xi32, #tpu.memory_space<vmem>> -> memref<128xi32, #tpu.memory_space<vmem>>
        %dma_wait3A_123 = arith.constant 0 : i32
        %dma_wait3A_124 = arith.constant 0 : i32
        %dma_wait3A_125 = tpu.memref_slice %arg10[%dma_wait3A_123, %dma_wait3A_124] : memref<10240x128xf32, #tpu.memory_space<vmem_shared>> -> memref<10240x128xf32, #tpu.memory_space<vmem_shared>>
        tpu.wait_indirect_dma semaphore(%run_scoped3A : memref<!tpu.dma_semaphore, #tpu.memory_space<semaphore_mem>>) src(%arg8 : memref<128x128xf32, #tpu.memory_space<vmem>>) dst(%dma_wait3A_125 : memref<10240x128xf32, #tpu.memory_space<vmem_shared>>)
        tpu.yield
      }) : () -> ()
      %add3A_92 = arith.constant 2 : i32
      %add3A_93 = arith.addi %add3A_86, %add3A_92 : i32
      %lt3A = arith.constant 40 : i32
      %lt3A_94 = arith.cmpi slt, %add3A_93, %lt3A : i32
      %convert_element_type3A = arith.extui %lt3A_94 : i1 to i32
      %cond3A = arith.constant 0 : i32
      %cond3A_95 = arith.cmpi ne, %convert_element_type3A, %cond3A : i32
      scf.if %cond3A_95 {
        %add3A_114 = arith.constant 2 : i32
        %add3A_115 = arith.addi %add3A_86, %add3A_114 : i32
        %dma_start3A_116 = arith.constant 0 : i32
        %dma_start3A_117 = tpu.memref_slice %arg6[%add3A_115, %dma_start3A_116] : memref<40x128xi32, #tpu.memory_space<vmem>> -> memref<1x128xi32, #tpu.memory_space<vmem>>
        %dma_start3A_118 = tpu.memref_squeeze %dma_start3A_117 : memref<1x128xi32, #tpu.memory_space<vmem>> -> memref<128xi32, #tpu.memory_space<vmem>>
        %dma_start3A_119 = arith.constant 0 : i32
        %dma_start3A_120 = arith.constant 0 : i32
        %dma_start3A_121 = tpu.memref_slice %arg2[%dma_start3A_119, %dma_start3A_120] : memref<10240x128xf32, #tpu.memory_space<hbm>> -> memref<10240x128xf32, #tpu.memory_space<hbm>>
        tpu.enqueue_indirect_dma source(%dma_start3A_121 : memref<10240x128xf32, #tpu.memory_space<hbm>>) target(%arg8 : memref<128x128xf32, #tpu.memory_space<vmem>>) offsets(%dma_start3A_118 : memref<128xi32, #tpu.memory_space<vmem>>) semaphore(%arg11 : memref<!tpu.dma_semaphore, #tpu.memory_space<semaphore_mem>>)
      } else {
      }
      %mul3A_96 = arith.constant 2 : i32
      %mul3A_97 = arith.muli %mul3A_96, %scan3A_81 : i32
      %add3A_98 = arith.constant 1 : i32
      %add3A_99 = arith.addi %mul3A_97, %add3A_98 : i32
      %dma_wait3A_100 = arith.constant 0 : i32
      %dma_wait3A_101 = tpu.memref_slice %arg6[%add3A_99, %dma_wait3A_100] : memref<40x128xi32, #tpu.memory_space<vmem>> -> memref<1x128xi32, #tpu.memory_space<vmem>>
      %dma_wait3A_102 = tpu.memref_squeeze %dma_wait3A_101 : memref<1x128xi32, #tpu.memory_space<vmem>> -> memref<128xi32, #tpu.memory_space<vmem>>
      %dma_wait3A_103 = arith.constant 0 : i32
      %dma_wait3A_104 = arith.constant 0 : i32
      %dma_wait3A_105 = tpu.memref_slice %arg2[%dma_wait3A_103, %dma_wait3A_104] : memref<10240x128xf32, #tpu.memory_space<hbm>> -> memref<10240x128xf32, #tpu.memory_space<hbm>>
      tpu.wait_indirect_dma semaphore(%arg12 : memref<!tpu.dma_semaphore, #tpu.memory_space<semaphore_mem>>) src(%dma_wait3A_105 : memref<10240x128xf32, #tpu.memory_space<hbm>>) dst(%arg9 : memref<128x128xf32, #tpu.memory_space<vmem>>)
      "tpu.region"() ({
        %run_scoped3A = tpu.sem_alloc : memref<!tpu.dma_semaphore, #tpu.memory_space<semaphore_mem>>
        %dma_start3A_114 = arith.constant 0 : i32
        %dma_start3A_115 = tpu.memref_slice %arg7[%add3A_99, %dma_start3A_114] : memref<40x128xi32, #tpu.memory_space<vmem>> -> memref<1x128xi32, #tpu.memory_space<vmem>>
        %dma_start3A_116 = tpu.memref_squeeze %dma_start3A_115 : memref<1x128xi32, #tpu.memory_space<vmem>> -> memref<128xi32, #tpu.memory_space<vmem>>
        %dma_start3A_117 = arith.constant 0 : i32
        %dma_start3A_118 = arith.constant 0 : i32
        %dma_start3A_119 = tpu.memref_slice %arg10[%dma_start3A_117, %dma_start3A_118] : memref<10240x128xf32, #tpu.memory_space<vmem_shared>> -> memref<10240x128xf32, #tpu.memory_space<vmem_shared>>
        tpu.enqueue_indirect_dma source(%arg9 : memref<128x128xf32, #tpu.memory_space<vmem>>) target(%dma_start3A_119 : memref<10240x128xf32, #tpu.memory_space<vmem_shared>>) offsets(%dma_start3A_116 : memref<128xi32, #tpu.memory_space<vmem>>) semaphore(%run_scoped3A : memref<!tpu.dma_semaphore, #tpu.memory_space<semaphore_mem>>) {add = true}
        %dma_wait3A_120 = arith.constant 0 : i32
        %dma_wait3A_121 = tpu.memref_slice %arg7[%add3A_99, %dma_wait3A_120] : memref<40x128xi32, #tpu.memory_space<vmem>> -> memref<1x128xi32, #tpu.memory_space<vmem>>
        %dma_wait3A_122 = tpu.memref_squeeze %dma_wait3A_121 : memref<1x128xi32, #tpu.memory_space<vmem>> -> memref<128xi32, #tpu.memory_space<vmem>>
        %dma_wait3A_123 = arith.constant 0 : i32
        %dma_wait3A_124 = arith.constant 0 : i32
        %dma_wait3A_125 = tpu.memref_slice %arg10[%dma_wait3A_123, %dma_wait3A_124] : memref<10240x128xf32, #tpu.memory_space<vmem_shared>> -> memref<10240x128xf32, #tpu.memory_space<vmem_shared>>
        tpu.wait_indirect_dma semaphore(%run_scoped3A : memref<!tpu.dma_semaphore, #tpu.memory_space<semaphore_mem>>) src(%arg9 : memref<128x128xf32, #tpu.memory_space<vmem>>) dst(%dma_wait3A_125 : memref<10240x128xf32, #tpu.memory_space<vmem_shared>>)
        tpu.yield
      }) : () -> ()
      %add3A_106 = arith.constant 2 : i32
      %add3A_107 = arith.addi %add3A_99, %add3A_106 : i32
      %lt3A_108 = arith.constant 40 : i32
      %lt3A_109 = arith.cmpi slt, %add3A_107, %lt3A_108 : i32
      %convert_element_type3A_110 = arith.extui %lt3A_109 : i1 to i32
      %cond3A_111 = arith.constant 0 : i32
      %cond3A_112 = arith.cmpi ne, %convert_element_type3A_110, %cond3A_111 : i32
      scf.if %cond3A_112 {
        %add3A_114 = arith.constant 2 : i32
        %add3A_115 = arith.addi %add3A_99, %add3A_114 : i32
        %dma_start3A_116 = arith.constant 0 : i32
        %dma_start3A_117 = tpu.memref_slice %arg6[%add3A_115, %dma_start3A_116] : memref<40x128xi32, #tpu.memory_space<vmem>> -> memref<1x128xi32, #tpu.memory_space<vmem>>
        %dma_start3A_118 = tpu.memref_squeeze %dma_start3A_117 : memref<1x128xi32, #tpu.memory_space<vmem>> -> memref<128xi32, #tpu.memory_space<vmem>>
        %dma_start3A_119 = arith.constant 0 : i32
        %dma_start3A_120 = arith.constant 0 : i32
        %dma_start3A_121 = tpu.memref_slice %arg2[%dma_start3A_119, %dma_start3A_120] : memref<10240x128xf32, #tpu.memory_space<hbm>> -> memref<10240x128xf32, #tpu.memory_space<hbm>>
        tpu.enqueue_indirect_dma source(%dma_start3A_121 : memref<10240x128xf32, #tpu.memory_space<hbm>>) target(%arg9 : memref<128x128xf32, #tpu.memory_space<vmem>>) offsets(%dma_start3A_118 : memref<128xi32, #tpu.memory_space<vmem>>) semaphore(%arg12 : memref<!tpu.dma_semaphore, #tpu.memory_space<semaphore_mem>>)
      } else {
      }
      %scan3A_113 = arith.constant 0 : i32
      scf.yield %scan3A_113 : i32
    }
    %scan3A_38 = arith.constant 20 : i32
    "tpu.region"() ({
      %run_scoped3A = tpu.sem_alloc : memref<!tpu.dma_semaphore, #tpu.memory_space<semaphore_mem>>
      %dma_start3A_81 = arith.constant 40 : i32
      %dma_start3A_82 = arith.constant 0 : i32
      %dma_start3A_83 = tpu.memref_slice %arg3[%add3A, %dma_start3A_81, %dma_start3A_82] : memref<32x80x128xi32, #tpu.memory_space<hbm>> -> memref<1x40x128xi32, #tpu.memory_space<hbm>>
      %dma_start3A_84 = tpu.memref_squeeze %dma_start3A_83 : memref<1x40x128xi32, #tpu.memory_space<hbm>> -> memref<40x128xi32, #tpu.memory_space<hbm>>
      %dma_start3A_85 = arith.constant 40 : i32
      %dma_start3A_86 = arith.constant 0 : i32
      %dma_start3A_87 = tpu.memref_slice %arg3[%add3A, %dma_start3A_85, %dma_start3A_86] : memref<32x80x128xi32, #tpu.memory_space<hbm>> -> memref<1x40x128xi32, #tpu.memory_space<hbm>>
      %dma_start3A_88 = tpu.memref_squeeze %dma_start3A_87 : memref<1x40x128xi32, #tpu.memory_space<hbm>> -> memref<40x128xi32, #tpu.memory_space<hbm>>
      tpu.enqueue_dma source(%dma_start3A_88 : memref<40x128xi32, #tpu.memory_space<hbm>>) target(%arg6 : memref<40x128xi32, #tpu.memory_space<vmem>>) target_semaphore(%run_scoped3A : memref<!tpu.dma_semaphore, #tpu.memory_space<semaphore_mem>>)
      %dma_wait3A = arith.constant 40 : i32
      %dma_wait3A_89 = arith.constant 0 : i32
      %dma_wait3A_90 = tpu.memref_slice %arg3[%add3A, %dma_wait3A, %dma_wait3A_89] : memref<32x80x128xi32, #tpu.memory_space<hbm>> -> memref<1x40x128xi32, #tpu.memory_space<hbm>>
      %dma_wait3A_91 = tpu.memref_squeeze %dma_wait3A_90 : memref<1x40x128xi32, #tpu.memory_space<hbm>> -> memref<40x128xi32, #tpu.memory_space<hbm>>
      %dma_wait3A_92 = arith.constant 40 : i32
      %dma_wait3A_93 = arith.constant 0 : i32
      %dma_wait3A_94 = tpu.memref_slice %arg3[%add3A, %dma_wait3A_92, %dma_wait3A_93] : memref<32x80x128xi32, #tpu.memory_space<hbm>> -> memref<1x40x128xi32, #tpu.memory_space<hbm>>
      %dma_wait3A_95 = tpu.memref_squeeze %dma_wait3A_94 : memref<1x40x128xi32, #tpu.memory_space<hbm>> -> memref<40x128xi32, #tpu.memory_space<hbm>>
      tpu.wait_dma2 semaphore(%run_scoped3A : memref<!tpu.dma_semaphore, #tpu.memory_space<semaphore_mem>>) src(%dma_wait3A_95 : memref<40x128xi32, #tpu.memory_space<hbm>>) dst(%arg6 : memref<40x128xi32, #tpu.memory_space<vmem>>)
      tpu.yield
    }) : () -> ()
    "tpu.region"() ({
      %run_scoped3A = tpu.sem_alloc : memref<!tpu.dma_semaphore, #tpu.memory_space<semaphore_mem>>
      %dma_start3A_81 = arith.constant 40 : i32
      %dma_start3A_82 = arith.constant 0 : i32
      %dma_start3A_83 = tpu.memref_slice %arg4[%add3A, %dma_start3A_81, %dma_start3A_82] : memref<32x80x128xi32, #tpu.memory_space<hbm>> -> memref<1x40x128xi32, #tpu.memory_space<hbm>>
      %dma_start3A_84 = tpu.memref_squeeze %dma_start3A_83 : memref<1x40x128xi32, #tpu.memory_space<hbm>> -> memref<40x128xi32, #tpu.memory_space<hbm>>
      %dma_start3A_85 = arith.constant 40 : i32
      %dma_start3A_86 = arith.constant 0 : i32
      %dma_start3A_87 = tpu.memref_slice %arg4[%add3A, %dma_start3A_85, %dma_start3A_86] : memref<32x80x128xi32, #tpu.memory_space<hbm>> -> memref<1x40x128xi32, #tpu.memory_space<hbm>>
      %dma_start3A_88 = tpu.memref_squeeze %dma_start3A_87 : memref<1x40x128xi32, #tpu.memory_space<hbm>> -> memref<40x128xi32, #tpu.memory_space<hbm>>
      tpu.enqueue_dma source(%dma_start3A_88 : memref<40x128xi32, #tpu.memory_space<hbm>>) target(%arg7 : memref<40x128xi32, #tpu.memory_space<vmem>>) target_semaphore(%run_scoped3A : memref<!tpu.dma_semaphore, #tpu.memory_space<semaphore_mem>>)
      %dma_wait3A = arith.constant 40 : i32
      %dma_wait3A_89 = arith.constant 0 : i32
      %dma_wait3A_90 = tpu.memref_slice %arg4[%add3A, %dma_wait3A, %dma_wait3A_89] : memref<32x80x128xi32, #tpu.memory_space<hbm>> -> memref<1x40x128xi32, #tpu.memory_space<hbm>>
      %dma_wait3A_91 = tpu.memref_squeeze %dma_wait3A_90 : memref<1x40x128xi32, #tpu.memory_space<hbm>> -> memref<40x128xi32, #tpu.memory_space<hbm>>
      %dma_wait3A_92 = arith.constant 40 : i32
      %dma_wait3A_93 = arith.constant 0 : i32
      %dma_wait3A_94 = tpu.memref_slice %arg4[%add3A, %dma_wait3A_92, %dma_wait3A_93] : memref<32x80x128xi32, #tpu.memory_space<hbm>> -> memref<1x40x128xi32, #tpu.memory_space<hbm>>
      %dma_wait3A_95 = tpu.memref_squeeze %dma_wait3A_94 : memref<1x40x128xi32, #tpu.memory_space<hbm>> -> memref<40x128xi32, #tpu.memory_space<hbm>>
      tpu.wait_dma2 semaphore(%run_scoped3A : memref<!tpu.dma_semaphore, #tpu.memory_space<semaphore_mem>>) src(%dma_wait3A_95 : memref<40x128xi32, #tpu.memory_space<hbm>>) dst(%arg7 : memref<40x128xi32, #tpu.memory_space<vmem>>)
      tpu.yield
    }) : () -> ()
    %dma_start3A_39 = arith.constant 0 : i32
    %dma_start3A_40 = arith.constant 0 : i32
    %dma_start3A_41 = tpu.memref_slice %arg6[%dma_start3A_39, %dma_start3A_40] : memref<40x128xi32, #tpu.memory_space<vmem>> -> memref<1x128xi32, #tpu.memory_space<vmem>>
    %dma_start3A_42 = tpu.memref_squeeze %dma_start3A_41 : memref<1x128xi32, #tpu.memory_space<vmem>> -> memref<128xi32, #tpu.memory_space<vmem>>
    %dma_start3A_43 = arith.constant 0 : i32
    %dma_start3A_44 = arith.constant 0 : i32
    %dma_start3A_45 = tpu.memref_slice %arg2[%dma_start3A_43, %dma_start3A_44] : memref<10240x128xf32, #tpu.memory_space<hbm>> -> memref<10240x128xf32, #tpu.memory_space<hbm>>
    tpu.enqueue_indirect_dma source(%dma_start3A_45 : memref<10240x128xf32, #tpu.memory_space<hbm>>) target(%arg8 : memref<128x128xf32, #tpu.memory_space<vmem>>) offsets(%dma_start3A_42 : memref<128xi32, #tpu.memory_space<vmem>>) semaphore(%arg11 : memref<!tpu.dma_semaphore, #tpu.memory_space<semaphore_mem>>)
    %dma_start3A_46 = arith.constant 1 : i32
    %dma_start3A_47 = arith.constant 0 : i32
    %dma_start3A_48 = tpu.memref_slice %arg6[%dma_start3A_46, %dma_start3A_47] : memref<40x128xi32, #tpu.memory_space<vmem>> -> memref<1x128xi32, #tpu.memory_space<vmem>>
    %dma_start3A_49 = tpu.memref_squeeze %dma_start3A_48 : memref<1x128xi32, #tpu.memory_space<vmem>> -> memref<128xi32, #tpu.memory_space<vmem>>
    %dma_start3A_50 = arith.constant 0 : i32
    %dma_start3A_51 = arith.constant 0 : i32
    %dma_start3A_52 = tpu.memref_slice %arg2[%dma_start3A_50, %dma_start3A_51] : memref<10240x128xf32, #tpu.memory_space<hbm>> -> memref<10240x128xf32, #tpu.memory_space<hbm>>
    tpu.enqueue_indirect_dma source(%dma_start3A_52 : memref<10240x128xf32, #tpu.memory_space<hbm>>) target(%arg9 : memref<128x128xf32, #tpu.memory_space<vmem>>) offsets(%dma_start3A_49 : memref<128xi32, #tpu.memory_space<vmem>>) semaphore(%arg12 : memref<!tpu.dma_semaphore, #tpu.memory_space<semaphore_mem>>)
    %scan3A_53 = arith.constant 0 : i32
    %scan3A_54 = arith.constant 0 : i32
    %scan3A_55 = arith.constant 20 : i32
    %scan3A_56 = arith.addi %scan3A_54, %scan3A_55 : i32
    %scan3A_57 = arith.constant 1 : i32
    %scan3A_58 = scf.for %scan3A_81 = %scan3A_54 to %scan3A_56 step %scan3A_57 iter_args(%scan3A_82 = %scan3A_53) -> (i32)  : i32 {
      %mul3A_83 = arith.constant 2 : i32
      %mul3A_84 = arith.muli %mul3A_83, %scan3A_81 : i32
      %add3A_85 = arith.constant 0 : i32
      %add3A_86 = arith.addi %mul3A_84, %add3A_85 : i32
      %dma_wait3A = arith.constant 0 : i32
      %dma_wait3A_87 = tpu.memref_slice %arg6[%add3A_86, %dma_wait3A] : memref<40x128xi32, #tpu.memory_space<vmem>> -> memref<1x128xi32, #tpu.memory_space<vmem>>
      %dma_wait3A_88 = tpu.memref_squeeze %dma_wait3A_87 : memref<1x128xi32, #tpu.memory_space<vmem>> -> memref<128xi32, #tpu.memory_space<vmem>>
      %dma_wait3A_89 = arith.constant 0 : i32
      %dma_wait3A_90 = arith.constant 0 : i32
      %dma_wait3A_91 = tpu.memref_slice %arg2[%dma_wait3A_89, %dma_wait3A_90] : memref<10240x128xf32, #tpu.memory_space<hbm>> -> memref<10240x128xf32, #tpu.memory_space<hbm>>
      tpu.wait_indirect_dma semaphore(%arg11 : memref<!tpu.dma_semaphore, #tpu.memory_space<semaphore_mem>>) src(%dma_wait3A_91 : memref<10240x128xf32, #tpu.memory_space<hbm>>) dst(%arg8 : memref<128x128xf32, #tpu.memory_space<vmem>>)
      "tpu.region"() ({
        %run_scoped3A = tpu.sem_alloc : memref<!tpu.dma_semaphore, #tpu.memory_space<semaphore_mem>>
        %dma_start3A_114 = arith.constant 0 : i32
        %dma_start3A_115 = tpu.memref_slice %arg7[%add3A_86, %dma_start3A_114] : memref<40x128xi32, #tpu.memory_space<vmem>> -> memref<1x128xi32, #tpu.memory_space<vmem>>
        %dma_start3A_116 = tpu.memref_squeeze %dma_start3A_115 : memref<1x128xi32, #tpu.memory_space<vmem>> -> memref<128xi32, #tpu.memory_space<vmem>>
        %dma_start3A_117 = arith.constant 0 : i32
        %dma_start3A_118 = arith.constant 0 : i32
        %dma_start3A_119 = tpu.memref_slice %arg10[%dma_start3A_117, %dma_start3A_118] : memref<10240x128xf32, #tpu.memory_space<vmem_shared>> -> memref<10240x128xf32, #tpu.memory_space<vmem_shared>>
        tpu.enqueue_indirect_dma source(%arg8 : memref<128x128xf32, #tpu.memory_space<vmem>>) target(%dma_start3A_119 : memref<10240x128xf32, #tpu.memory_space<vmem_shared>>) offsets(%dma_start3A_116 : memref<128xi32, #tpu.memory_space<vmem>>) semaphore(%run_scoped3A : memref<!tpu.dma_semaphore, #tpu.memory_space<semaphore_mem>>) {add = true}
        %dma_wait3A_120 = arith.constant 0 : i32
        %dma_wait3A_121 = tpu.memref_slice %arg7[%add3A_86, %dma_wait3A_120] : memref<40x128xi32, #tpu.memory_space<vmem>> -> memref<1x128xi32, #tpu.memory_space<vmem>>
        %dma_wait3A_122 = tpu.memref_squeeze %dma_wait3A_121 : memref<1x128xi32, #tpu.memory_space<vmem>> -> memref<128xi32, #tpu.memory_space<vmem>>
        %dma_wait3A_123 = arith.constant 0 : i32
        %dma_wait3A_124 = arith.constant 0 : i32
        %dma_wait3A_125 = tpu.memref_slice %arg10[%dma_wait3A_123, %dma_wait3A_124] : memref<10240x128xf32, #tpu.memory_space<vmem_shared>> -> memref<10240x128xf32, #tpu.memory_space<vmem_shared>>
        tpu.wait_indirect_dma semaphore(%run_scoped3A : memref<!tpu.dma_semaphore, #tpu.memory_space<semaphore_mem>>) src(%arg8 : memref<128x128xf32, #tpu.memory_space<vmem>>) dst(%dma_wait3A_125 : memref<10240x128xf32, #tpu.memory_space<vmem_shared>>)
        tpu.yield
      }) : () -> ()
      %add3A_92 = arith.constant 2 : i32
      %add3A_93 = arith.addi %add3A_86, %add3A_92 : i32
      %lt3A = arith.constant 40 : i32
      %lt3A_94 = arith.cmpi slt, %add3A_93, %lt3A : i32
      %convert_element_type3A = arith.extui %lt3A_94 : i1 to i32
      %cond3A = arith.constant 0 : i32
      %cond3A_95 = arith.cmpi ne, %convert_element_type3A, %cond3A : i32
      scf.if %cond3A_95 {
        %add3A_114 = arith.constant 2 : i32
        %add3A_115 = arith.addi %add3A_86, %add3A_114 : i32
        %dma_start3A_116 = arith.constant 0 : i32
        %dma_start3A_117 = tpu.memref_slice %arg6[%add3A_115, %dma_start3A_116] : memref<40x128xi32, #tpu.memory_space<vmem>> -> memref<1x128xi32, #tpu.memory_space<vmem>>
        %dma_start3A_118 = tpu.memref_squeeze %dma_start3A_117 : memref<1x128xi32, #tpu.memory_space<vmem>> -> memref<128xi32, #tpu.memory_space<vmem>>
        %dma_start3A_119 = arith.constant 0 : i32
        %dma_start3A_120 = arith.constant 0 : i32
        %dma_start3A_121 = tpu.memref_slice %arg2[%dma_start3A_119, %dma_start3A_120] : memref<10240x128xf32, #tpu.memory_space<hbm>> -> memref<10240x128xf32, #tpu.memory_space<hbm>>
        tpu.enqueue_indirect_dma source(%dma_start3A_121 : memref<10240x128xf32, #tpu.memory_space<hbm>>) target(%arg8 : memref<128x128xf32, #tpu.memory_space<vmem>>) offsets(%dma_start3A_118 : memref<128xi32, #tpu.memory_space<vmem>>) semaphore(%arg11 : memref<!tpu.dma_semaphore, #tpu.memory_space<semaphore_mem>>)
      } else {
      }
      %mul3A_96 = arith.constant 2 : i32
      %mul3A_97 = arith.muli %mul3A_96, %scan3A_81 : i32
      %add3A_98 = arith.constant 1 : i32
      %add3A_99 = arith.addi %mul3A_97, %add3A_98 : i32
      %dma_wait3A_100 = arith.constant 0 : i32
      %dma_wait3A_101 = tpu.memref_slice %arg6[%add3A_99, %dma_wait3A_100] : memref<40x128xi32, #tpu.memory_space<vmem>> -> memref<1x128xi32, #tpu.memory_space<vmem>>
      %dma_wait3A_102 = tpu.memref_squeeze %dma_wait3A_101 : memref<1x128xi32, #tpu.memory_space<vmem>> -> memref<128xi32, #tpu.memory_space<vmem>>
      %dma_wait3A_103 = arith.constant 0 : i32
      %dma_wait3A_104 = arith.constant 0 : i32
      %dma_wait3A_105 = tpu.memref_slice %arg2[%dma_wait3A_103, %dma_wait3A_104] : memref<10240x128xf32, #tpu.memory_space<hbm>> -> memref<10240x128xf32, #tpu.memory_space<hbm>>
      tpu.wait_indirect_dma semaphore(%arg12 : memref<!tpu.dma_semaphore, #tpu.memory_space<semaphore_mem>>) src(%dma_wait3A_105 : memref<10240x128xf32, #tpu.memory_space<hbm>>) dst(%arg9 : memref<128x128xf32, #tpu.memory_space<vmem>>)
      "tpu.region"() ({
        %run_scoped3A = tpu.sem_alloc : memref<!tpu.dma_semaphore, #tpu.memory_space<semaphore_mem>>
        %dma_start3A_114 = arith.constant 0 : i32
        %dma_start3A_115 = tpu.memref_slice %arg7[%add3A_99, %dma_start3A_114] : memref<40x128xi32, #tpu.memory_space<vmem>> -> memref<1x128xi32, #tpu.memory_space<vmem>>
        %dma_start3A_116 = tpu.memref_squeeze %dma_start3A_115 : memref<1x128xi32, #tpu.memory_space<vmem>> -> memref<128xi32, #tpu.memory_space<vmem>>
        %dma_start3A_117 = arith.constant 0 : i32
        %dma_start3A_118 = arith.constant 0 : i32
        %dma_start3A_119 = tpu.memref_slice %arg10[%dma_start3A_117, %dma_start3A_118] : memref<10240x128xf32, #tpu.memory_space<vmem_shared>> -> memref<10240x128xf32, #tpu.memory_space<vmem_shared>>
        tpu.enqueue_indirect_dma source(%arg9 : memref<128x128xf32, #tpu.memory_space<vmem>>) target(%dma_start3A_119 : memref<10240x128xf32, #tpu.memory_space<vmem_shared>>) offsets(%dma_start3A_116 : memref<128xi32, #tpu.memory_space<vmem>>) semaphore(%run_scoped3A : memref<!tpu.dma_semaphore, #tpu.memory_space<semaphore_mem>>) {add = true}
        %dma_wait3A_120 = arith.constant 0 : i32
        %dma_wait3A_121 = tpu.memref_slice %arg7[%add3A_99, %dma_wait3A_120] : memref<40x128xi32, #tpu.memory_space<vmem>> -> memref<1x128xi32, #tpu.memory_space<vmem>>
        %dma_wait3A_122 = tpu.memref_squeeze %dma_wait3A_121 : memref<1x128xi32, #tpu.memory_space<vmem>> -> memref<128xi32, #tpu.memory_space<vmem>>
        %dma_wait3A_123 = arith.constant 0 : i32
        %dma_wait3A_124 = arith.constant 0 : i32
        %dma_wait3A_125 = tpu.memref_slice %arg10[%dma_wait3A_123, %dma_wait3A_124] : memref<10240x128xf32, #tpu.memory_space<vmem_shared>> -> memref<10240x128xf32, #tpu.memory_space<vmem_shared>>
        tpu.wait_indirect_dma semaphore(%run_scoped3A : memref<!tpu.dma_semaphore, #tpu.memory_space<semaphore_mem>>) src(%arg9 : memref<128x128xf32, #tpu.memory_space<vmem>>) dst(%dma_wait3A_125 : memref<10240x128xf32, #tpu.memory_space<vmem_shared>>)
        tpu.yield
      }) : () -> ()
      %add3A_106 = arith.constant 2 : i32
      %add3A_107 = arith.addi %add3A_99, %add3A_106 : i32
      %lt3A_108 = arith.constant 40 : i32
      %lt3A_109 = arith.cmpi slt, %add3A_107, %lt3A_108 : i32
      %convert_element_type3A_110 = arith.extui %lt3A_109 : i1 to i32
      %cond3A_111 = arith.constant 0 : i32
      %cond3A_112 = arith.cmpi ne, %convert_element_type3A_110, %cond3A_111 : i32
      scf.if %cond3A_112 {
        %add3A_114 = arith.constant 2 : i32
        %add3A_115 = arith.addi %add3A_99, %add3A_114 : i32
        %dma_start3A_116 = arith.constant 0 : i32
        %dma_start3A_117 = tpu.memref_slice %arg6[%add3A_115, %dma_start3A_116] : memref<40x128xi32, #tpu.memory_space<vmem>> -> memref<1x128xi32, #tpu.memory_space<vmem>>
        %dma_start3A_118 = tpu.memref_squeeze %dma_start3A_117 : memref<1x128xi32, #tpu.memory_space<vmem>> -> memref<128xi32, #tpu.memory_space<vmem>>
        %dma_start3A_119 = arith.constant 0 : i32
        %dma_start3A_120 = arith.constant 0 : i32
        %dma_start3A_121 = tpu.memref_slice %arg2[%dma_start3A_119, %dma_start3A_120] : memref<10240x128xf32, #tpu.memory_space<hbm>> -> memref<10240x128xf32, #tpu.memory_space<hbm>>
        tpu.enqueue_indirect_dma source(%dma_start3A_121 : memref<10240x128xf32, #tpu.memory_space<hbm>>) target(%arg9 : memref<128x128xf32, #tpu.memory_space<vmem>>) offsets(%dma_start3A_118 : memref<128xi32, #tpu.memory_space<vmem>>) semaphore(%arg12 : memref<!tpu.dma_semaphore, #tpu.memory_space<semaphore_mem>>)
      } else {
      }
      %scan3A_113 = arith.constant 0 : i32
      scf.yield %scan3A_113 : i32
    }
    %scan3A_59 = arith.constant 20 : i32
    %barrier3A_60 = arith.constant 0 : index
    tpu.barrier barrier_id(%barrier3A_60)
    %add3A_61 = arith.constant 0 : i32
    %add3A_62 = arith.addi %mul3A_8, %add3A_61 : i32
    %add3A_63 = arith.constant 0 : i32
    %add3A_64 = arith.addi %mul3A_8, %add3A_63 : i32
    "tpu.region"() ({
      %run_scoped3A = tpu.sem_alloc : memref<!tpu.dma_semaphore, #tpu.memory_space<semaphore_mem>>
      %dma_start3A_81 = arith.constant 0 : i32
      %dma_start3A_82 = tpu.memref_slice %arg5[%arg0, %add3A_64, %dma_start3A_81] : memref<2x10240x128xf32, #tpu.memory_space<hbm>> -> memref<1x128x128xf32, #tpu.memory_space<hbm>>
      %dma_start3A_83 = tpu.memref_squeeze %dma_start3A_82 : memref<1x128x128xf32, #tpu.memory_space<hbm>> -> memref<128x128xf32, #tpu.memory_space<hbm>>
      %dma_start3A_84 = arith.constant 0 : i32
      %dma_start3A_85 = tpu.memref_slice %arg10[%add3A_62, %dma_start3A_84] : memref<10240x128xf32, #tpu.memory_space<vmem_shared>> -> memref<128x128xf32, #tpu.memory_space<vmem_shared>>
      tpu.enqueue_dma source(%dma_start3A_85 : memref<128x128xf32, #tpu.memory_space<vmem_shared>>) target(%dma_start3A_83 : memref<128x128xf32, #tpu.memory_space<hbm>>) target_semaphore(%run_scoped3A : memref<!tpu.dma_semaphore, #tpu.memory_space<semaphore_mem>>)
      %dma_wait3A = arith.constant 0 : i32
      %dma_wait3A_86 = tpu.memref_slice %arg5[%arg0, %add3A_64, %dma_wait3A] : memref<2x10240x128xf32, #tpu.memory_space<hbm>> -> memref<1x128x128xf32, #tpu.memory_space<hbm>>
      %dma_wait3A_87 = tpu.memref_squeeze %dma_wait3A_86 : memref<1x128x128xf32, #tpu.memory_space<hbm>> -> memref<128x128xf32, #tpu.memory_space<hbm>>
      %dma_wait3A_88 = arith.constant 0 : i32
      %dma_wait3A_89 = tpu.memref_slice %arg10[%add3A_62, %dma_wait3A_88] : memref<10240x128xf32, #tpu.memory_space<vmem_shared>> -> memref<128x128xf32, #tpu.memory_space<vmem_shared>>
      tpu.wait_dma2 semaphore(%run_scoped3A : memref<!tpu.dma_semaphore, #tpu.memory_space<semaphore_mem>>) src(%dma_wait3A_89 : memref<128x128xf32, #tpu.memory_space<vmem_shared>>) dst(%dma_wait3A_87 : memref<128x128xf32, #tpu.memory_space<hbm>>)
      tpu.yield
    }) : () -> ()
    %add3A_65 = arith.constant 128 : i32
    %add3A_66 = arith.addi %mul3A_8, %add3A_65 : i32
    %add3A_67 = arith.constant 128 : i32
    %add3A_68 = arith.addi %mul3A_8, %add3A_67 : i32
    "tpu.region"() ({
      %run_scoped3A = tpu.sem_alloc : memref<!tpu.dma_semaphore, #tpu.memory_space<semaphore_mem>>
      %dma_start3A_81 = arith.constant 0 : i32
      %dma_start3A_82 = tpu.memref_slice %arg5[%arg0, %add3A_68, %dma_start3A_81] : memref<2x10240x128xf32, #tpu.memory_space<hbm>> -> memref<1x128x128xf32, #tpu.memory_space<hbm>>
      %dma_start3A_83 = tpu.memref_squeeze %dma_start3A_82 : memref<1x128x128xf32, #tpu.memory_space<hbm>> -> memref<128x128xf32, #tpu.memory_space<hbm>>
      %dma_start3A_84 = arith.constant 0 : i32
      %dma_start3A_85 = tpu.memref_slice %arg10[%add3A_66, %dma_start3A_84] : memref<10240x128xf32, #tpu.memory_space<vmem_shared>> -> memref<128x128xf32, #tpu.memory_space<vmem_shared>>
      tpu.enqueue_dma source(%dma_start3A_85 : memref<128x128xf32, #tpu.memory_space<vmem_shared>>) target(%dma_start3A_83 : memref<128x128xf32, #tpu.memory_space<hbm>>) target_semaphore(%run_scoped3A : memref<!tpu.dma_semaphore, #tpu.memory_space<semaphore_mem>>)
      %dma_wait3A = arith.constant 0 : i32
      %dma_wait3A_86 = tpu.memref_slice %arg5[%arg0, %add3A_68, %dma_wait3A] : memref<2x10240x128xf32, #tpu.memory_space<hbm>> -> memref<1x128x128xf32, #tpu.memory_space<hbm>>
      %dma_wait3A_87 = tpu.memref_squeeze %dma_wait3A_86 : memref<1x128x128xf32, #tpu.memory_space<hbm>> -> memref<128x128xf32, #tpu.memory_space<hbm>>
      %dma_wait3A_88 = arith.constant 0 : i32
      %dma_wait3A_89 = tpu.memref_slice %arg10[%add3A_66, %dma_wait3A_88] : memref<10240x128xf32, #tpu.memory_space<vmem_shared>> -> memref<128x128xf32, #tpu.memory_space<vmem_shared>>
      tpu.wait_dma2 semaphore(%run_scoped3A : memref<!tpu.dma_semaphore, #tpu.memory_space<semaphore_mem>>) src(%dma_wait3A_89 : memref<128x128xf32, #tpu.memory_space<vmem_shared>>) dst(%dma_wait3A_87 : memref<128x128xf32, #tpu.memory_space<hbm>>)
      tpu.yield
    }) : () -> ()
    %add3A_69 = arith.constant 256 : i32
    %add3A_70 = arith.addi %mul3A_8, %add3A_69 : i32
    %add3A_71 = arith.constant 256 : i32
    %add3A_72 = arith.addi %mul3A_8, %add3A_71 : i32
    "tpu.region"() ({
      %run_scoped3A = tpu.sem_alloc : memref<!tpu.dma_semaphore, #tpu.memory_space<semaphore_mem>>
      %dma_start3A_81 = arith.constant 0 : i32
      %dma_start3A_82 = tpu.memref_slice %arg5[%arg0, %add3A_72, %dma_start3A_81] : memref<2x10240x128xf32, #tpu.memory_space<hbm>> -> memref<1x128x128xf32, #tpu.memory_space<hbm>>
      %dma_start3A_83 = tpu.memref_squeeze %dma_start3A_82 : memref<1x128x128xf32, #tpu.memory_space<hbm>> -> memref<128x128xf32, #tpu.memory_space<hbm>>
      %dma_start3A_84 = arith.constant 0 : i32
      %dma_start3A_85 = tpu.memref_slice %arg10[%add3A_70, %dma_start3A_84] : memref<10240x128xf32, #tpu.memory_space<vmem_shared>> -> memref<128x128xf32, #tpu.memory_space<vmem_shared>>
      tpu.enqueue_dma source(%dma_start3A_85 : memref<128x128xf32, #tpu.memory_space<vmem_shared>>) target(%dma_start3A_83 : memref<128x128xf32, #tpu.memory_space<hbm>>) target_semaphore(%run_scoped3A : memref<!tpu.dma_semaphore, #tpu.memory_space<semaphore_mem>>)
      %dma_wait3A = arith.constant 0 : i32
      %dma_wait3A_86 = tpu.memref_slice %arg5[%arg0, %add3A_72, %dma_wait3A] : memref<2x10240x128xf32, #tpu.memory_space<hbm>> -> memref<1x128x128xf32, #tpu.memory_space<hbm>>
      %dma_wait3A_87 = tpu.memref_squeeze %dma_wait3A_86 : memref<1x128x128xf32, #tpu.memory_space<hbm>> -> memref<128x128xf32, #tpu.memory_space<hbm>>
      %dma_wait3A_88 = arith.constant 0 : i32
      %dma_wait3A_89 = tpu.memref_slice %arg10[%add3A_70, %dma_wait3A_88] : memref<10240x128xf32, #tpu.memory_space<vmem_shared>> -> memref<128x128xf32, #tpu.memory_space<vmem_shared>>
      tpu.wait_dma2 semaphore(%run_scoped3A : memref<!tpu.dma_semaphore, #tpu.memory_space<semaphore_mem>>) src(%dma_wait3A_89 : memref<128x128xf32, #tpu.memory_space<vmem_shared>>) dst(%dma_wait3A_87 : memref<128x128xf32, #tpu.memory_space<hbm>>)
      tpu.yield
    }) : () -> ()
    %add3A_73 = arith.constant 384 : i32
    %add3A_74 = arith.addi %mul3A_8, %add3A_73 : i32
    %add3A_75 = arith.constant 384 : i32
    %add3A_76 = arith.addi %mul3A_8, %add3A_75 : i32
    "tpu.region"() ({
      %run_scoped3A = tpu.sem_alloc : memref<!tpu.dma_semaphore, #tpu.memory_space<semaphore_mem>>
      %dma_start3A_81 = arith.constant 0 : i32
      %dma_start3A_82 = tpu.memref_slice %arg5[%arg0, %add3A_76, %dma_start3A_81] : memref<2x10240x128xf32, #tpu.memory_space<hbm>> -> memref<1x128x128xf32, #tpu.memory_space<hbm>>
      %dma_start3A_83 = tpu.memref_squeeze %dma_start3A_82 : memref<1x128x128xf32, #tpu.memory_space<hbm>> -> memref<128x128xf32, #tpu.memory_space<hbm>>
      %dma_start3A_84 = arith.constant 0 : i32
      %dma_start3A_85 = tpu.memref_slice %arg10[%add3A_74, %dma_start3A_84] : memref<10240x128xf32, #tpu.memory_space<vmem_shared>> -> memref<128x128xf32, #tpu.memory_space<vmem_shared>>
      tpu.enqueue_dma source(%dma_start3A_85 : memref<128x128xf32, #tpu.memory_space<vmem_shared>>) target(%dma_start3A_83 : memref<128x128xf32, #tpu.memory_space<hbm>>) target_semaphore(%run_scoped3A : memref<!tpu.dma_semaphore, #tpu.memory_space<semaphore_mem>>)
      %dma_wait3A = arith.constant 0 : i32
      %dma_wait3A_86 = tpu.memref_slice %arg5[%arg0, %add3A_76, %dma_wait3A] : memref<2x10240x128xf32, #tpu.memory_space<hbm>> -> memref<1x128x128xf32, #tpu.memory_space<hbm>>
      %dma_wait3A_87 = tpu.memref_squeeze %dma_wait3A_86 : memref<1x128x128xf32, #tpu.memory_space<hbm>> -> memref<128x128xf32, #tpu.memory_space<hbm>>
      %dma_wait3A_88 = arith.constant 0 : i32
      %dma_wait3A_89 = tpu.memref_slice %arg10[%add3A_74, %dma_wait3A_88] : memref<10240x128xf32, #tpu.memory_space<vmem_shared>> -> memref<128x128xf32, #tpu.memory_space<vmem_shared>>
      tpu.wait_dma2 semaphore(%run_scoped3A : memref<!tpu.dma_semaphore, #tpu.memory_space<semaphore_mem>>) src(%dma_wait3A_89 : memref<128x128xf32, #tpu.memory_space<vmem_shared>>) dst(%dma_wait3A_87 : memref<128x128xf32, #tpu.memory_space<hbm>>)
      tpu.yield
    }) : () -> ()
    %add3A_77 = arith.constant 512 : i32
    %add3A_78 = arith.addi %mul3A_8, %add3A_77 : i32
    %add3A_79 = arith.constant 512 : i32
    %add3A_80 = arith.addi %mul3A_8, %add3A_79 : i32
    "tpu.region"() ({
      %run_scoped3A = tpu.sem_alloc : memref<!tpu.dma_semaphore, #tpu.memory_space<semaphore_mem>>
      %dma_start3A_81 = arith.constant 0 : i32
      %dma_start3A_82 = tpu.memref_slice %arg5[%arg0, %add3A_80, %dma_start3A_81] : memref<2x10240x128xf32, #tpu.memory_space<hbm>> -> memref<1x128x128xf32, #tpu.memory_space<hbm>>
      %dma_start3A_83 = tpu.memref_squeeze %dma_start3A_82 : memref<1x128x128xf32, #tpu.memory_space<hbm>> -> memref<128x128xf32, #tpu.memory_space<hbm>>
      %dma_start3A_84 = arith.constant 0 : i32
      %dma_start3A_85 = tpu.memref_slice %arg10[%add3A_78, %dma_start3A_84] : memref<10240x128xf32, #tpu.memory_space<vmem_shared>> -> memref<128x128xf32, #tpu.memory_space<vmem_shared>>
      tpu.enqueue_dma source(%dma_start3A_85 : memref<128x128xf32, #tpu.memory_space<vmem_shared>>) target(%dma_start3A_83 : memref<128x128xf32, #tpu.memory_space<hbm>>) target_semaphore(%run_scoped3A : memref<!tpu.dma_semaphore, #tpu.memory_space<semaphore_mem>>)
      %dma_wait3A = arith.constant 0 : i32
      %dma_wait3A_86 = tpu.memref_slice %arg5[%arg0, %add3A_80, %dma_wait3A] : memref<2x10240x128xf32, #tpu.memory_space<hbm>> -> memref<1x128x128xf32, #tpu.memory_space<hbm>>
      %dma_wait3A_87 = tpu.memref_squeeze %dma_wait3A_86 : memref<1x128x128xf32, #tpu.memory_space<hbm>> -> memref<128x128xf32, #tpu.memory_space<hbm>>
      %dma_wait3A_88 = arith.constant 0 : i32
      %dma_wait3A_89 = tpu.memref_slice %arg10[%add3A_78, %dma_wait3A_88] : memref<10240x128xf32, #tpu.memory_space<vmem_shared>> -> memref<128x128xf32, #tpu.memory_space<vmem_shared>>
      tpu.wait_dma2 semaphore(%run_scoped3A : memref<!tpu.dma_semaphore, #tpu.memory_space<semaphore_mem>>) src(%dma_wait3A_89 : memref<128x128xf32, #tpu.memory_space<vmem_shared>>) dst(%dma_wait3A_87 : memref<128x128xf32, #tpu.memory_space<hbm>>)
      tpu.yield
    }) : () -> ()
    return
  }
}

module attributes {stable_mosaic.version = 14 : i64} {
  func.func @_tc1_body(%arg0: i32, %arg1: memref<1024x16xf32, #tpu.memory_space<vmem>>, %arg2: memref<1024x16xf32, #tpu.memory_space<vmem>>, %arg3: memref<1024x128xf32, #tpu.memory_space<vmem>>, %arg4: memref<128x128xf32, #tpu.memory_space<vmem>>, %arg5: memref<1024x128xf32, #tpu.memory_space<vmem>>) attributes {dimension_semantics = [#tpu.dimension_semantics<arbitrary>], iteration_bounds = array<i64: 10>, scalar_prefetch = 0 : i64, scratch_operands = 0 : i64, tpu.core_type = #tpu.core_type<tc>, window_params = [{transform_indices = @transform_0, window_bounds = array<i64: 1024, 16>}, {transform_indices = @transform_1, window_bounds = array<i64: 1024, 16>}, {transform_indices = @transform_2, window_bounds = array<i64: 1024, 128>}, {pipeline_mode = #tpu.pipeline_mode<synchronous>, transform_indices = @transform_3, window_bounds = array<i64: 128, 128>}, {transform_indices = @transform_4, window_bounds = array<i64: 1024, 128>}]} {
    %get3A = arith.constant 0 : index
    %get3A_0 = arith.constant 0 : index
    %get3A_1 = vector.load %arg1[%get3A, %get3A_0] : memref<1024x16xf32, #tpu.memory_space<vmem>>, vector<1024x1xf32>
    %get3A_2 = arith.constant 0 : index
    %get3A_3 = arith.constant 0 : index
    %get3A_4 = vector.load %arg2[%get3A_2, %get3A_3] : memref<1024x16xf32, #tpu.memory_space<vmem>>, vector<1024x1xf32>
    %add3A = arith.addf %get3A_1, %get3A_4 : vector<1024x1xf32>
    %add3A_5 = arith.constant 1.000000e+00 : f32
    %add3A_6 = vector.broadcast %add3A_5 : f32 to vector<1024x1xf32>
    %add3A_7 = arith.addf %add3A, %add3A_6 : vector<1024x1xf32>
    %rsqrt3A = math.rsqrt %add3A_7 : vector<1024x1xf32>
    %get3A_8 = arith.constant 0 : index
    %get3A_9 = arith.constant 0 : index
    %get3A_10 = vector.load %arg3[%get3A_8, %get3A_9] : memref<1024x128xf32, #tpu.memory_space<vmem>>, vector<1024x128xf32>
    %get3A_11 = arith.constant 0 : index
    %get3A_12 = arith.constant 0 : index
    %get3A_13 = vector.load %arg4[%get3A_11, %get3A_12] : memref<128x128xf32, #tpu.memory_space<vmem>>, vector<128x128xf32>
    %dot_general3A = arith.constant dense<0.000000e+00> : vector<1024x128xf32>
    %dot_general3A_14 = tpu.matmul %get3A_10, %get3A_13, %dot_general3A {dimension_numbers = #tpu.dot_dimension_numbers<[1], [0], [0], [1], [0, 0, 1, 1], [], []>, transpose_lhs_hint = false} : vector<1024x128xf32>, vector<128x128xf32>, vector<1024x128xf32> -> vector<1024x128xf32>
    %mul3A = vector.broadcast %rsqrt3A : vector<1024x1xf32> to vector<1024x128xf32>
    %mul3A_15 = arith.mulf %dot_general3A_14, %mul3A : vector<1024x128xf32>
    %swap3A = arith.constant 0 : index
    %swap3A_16 = arith.constant 0 : index
    %swap3A_17 = vector.load %arg5[%swap3A, %swap3A_16] : memref<1024x128xf32, #tpu.memory_space<vmem>>, vector<1024x128xf32>
    tpu.vector_store %arg5[%swap3A, %swap3A_16], %mul3A_15 {strides = array<i32>} : memref<1024x128xf32, #tpu.memory_space<vmem>>, vector<1024x128xf32>,
    return
  }
  func.func @transform_0(%arg0: i32) -> (i32, i32) {
    %c0_i32 = arith.constant 0 : i32
    %c0_i32_0 = arith.constant 0 : i32
    return %arg0, %c0_i32 : i32, i32
  }
  func.func @transform_1(%arg0: i32) -> (i32, i32) {
    %c0_i32 = arith.constant 0 : i32
    %c0_i32_0 = arith.constant 0 : i32
    return %arg0, %c0_i32 : i32, i32
  }
  func.func @transform_2(%arg0: i32) -> (i32, i32) {
    %c0_i32 = arith.constant 0 : i32
    %c0_i32_0 = arith.constant 0 : i32
    return %arg0, %c0_i32 : i32, i32
  }
  func.func @transform_3(%arg0: i32) -> (i32, i32) {
    %c0_i32 = arith.constant 0 : i32
    %c0_i32_0 = arith.constant 0 : i32
    %c0_i32_1 = arith.constant 0 : i32
    return %c0_i32, %c0_i32_0 : i32, i32
  }
  func.func @transform_4(%arg0: i32) -> (i32, i32) {
    %c0_i32 = arith.constant 0 : i32
    %c0_i32_0 = arith.constant 0 : i32
    return %arg0, %c0_i32 : i32, i32
  }
}

module attributes {stable_mosaic.version = 14 : i64} {
  func.func @_tc2_body(%arg0: i32, %arg1: memref<1024x16xf32, #tpu.memory_space<vmem>>, %arg2: memref<1024x16xf32, #tpu.memory_space<vmem>>, %arg3: memref<1024x128xf32, #tpu.memory_space<vmem>>, %arg4: memref<1024x128xf32, #tpu.memory_space<vmem>>, %arg5: memref<1024x128xf32, #tpu.memory_space<vmem>>, %arg6: memref<128x128xf32, #tpu.memory_space<vmem>>, %arg7: memref<1x128xf32, #tpu.memory_space<vmem>>, %arg8: memref<1024x128xf32, #tpu.memory_space<vmem>>) attributes {dimension_semantics = [#tpu.dimension_semantics<arbitrary>], iteration_bounds = array<i64: 10>, scalar_prefetch = 0 : i64, scratch_operands = 0 : i64, tpu.core_type = #tpu.core_type<tc>, window_params = [{transform_indices = @transform_0, window_bounds = array<i64: 1024, 16>}, {transform_indices = @transform_1, window_bounds = array<i64: 1024, 16>}, {transform_indices = @transform_2, window_bounds = array<i64: 1024, 128>}, {transform_indices = @transform_3, window_bounds = array<i64: 1024, 128>}, {transform_indices = @transform_4, window_bounds = array<i64: 1024, 128>}, {pipeline_mode = #tpu.pipeline_mode<synchronous>, transform_indices = @transform_5, window_bounds = array<i64: 128, 128>}, {pipeline_mode = #tpu.pipeline_mode<synchronous>, transform_indices = @transform_6, window_bounds = array<i64: 1, 128>}, {transform_indices = @transform_7, window_bounds = array<i64: 1024, 128>}]} {
    %get3A = arith.constant 0 : index
    %get3A_0 = arith.constant 0 : index
    %get3A_1 = vector.load %arg1[%get3A, %get3A_0] : memref<1024x16xf32, #tpu.memory_space<vmem>>, vector<1024x1xf32>
    %get3A_2 = arith.constant 0 : index
    %get3A_3 = arith.constant 0 : index
    %get3A_4 = vector.load %arg2[%get3A_2, %get3A_3] : memref<1024x16xf32, #tpu.memory_space<vmem>>, vector<1024x1xf32>
    %add3A = arith.addf %get3A_1, %get3A_4 : vector<1024x1xf32>
    %add3A_5 = arith.constant 1.000000e+00 : f32
    %add3A_6 = vector.broadcast %add3A_5 : f32 to vector<1024x1xf32>
    %add3A_7 = arith.addf %add3A, %add3A_6 : vector<1024x1xf32>
    %rsqrt3A = math.rsqrt %add3A_7 : vector<1024x1xf32>
    %get3A_8 = arith.constant 0 : index
    %get3A_9 = arith.constant 0 : index
    %get3A_10 = vector.load %arg3[%get3A_8, %get3A_9] : memref<1024x128xf32, #tpu.memory_space<vmem>>, vector<1024x128xf32>
    %get3A_11 = arith.constant 0 : index
    %get3A_12 = arith.constant 0 : index
    %get3A_13 = vector.load %arg4[%get3A_11, %get3A_12] : memref<1024x128xf32, #tpu.memory_space<vmem>>, vector<1024x128xf32>
    %add3A_14 = arith.addf %get3A_10, %get3A_13 : vector<1024x128xf32>
    %get3A_15 = arith.constant 0 : index
    %get3A_16 = arith.constant 0 : index
    %get3A_17 = vector.load %arg5[%get3A_15, %get3A_16] : memref<1024x128xf32, #tpu.memory_space<vmem>>, vector<1024x128xf32>
    %add3A_18 = arith.addf %add3A_14, %get3A_17 : vector<1024x128xf32>
    %mul3A = vector.broadcast %rsqrt3A : vector<1024x1xf32> to vector<1024x128xf32>
    %mul3A_19 = arith.mulf %add3A_18, %mul3A : vector<1024x128xf32>
    %get3A_20 = arith.constant 0 : index
    %get3A_21 = arith.constant 0 : index
    %get3A_22 = vector.load %arg7[%get3A_20, %get3A_21] : memref<1x128xf32, #tpu.memory_space<vmem>>, vector<1x128xf32>
    %add3A_23 = vector.broadcast %get3A_22 : vector<1x128xf32> to vector<1024x128xf32>
    %add3A_24 = arith.addf %mul3A_19, %add3A_23 : vector<1024x128xf32>
    %max3A = arith.constant 0.000000e+00 : f32
    %max3A_25 = vector.broadcast %max3A : f32 to vector<1024x128xf32>
    %max3A_26 = arith.maximumf %add3A_24, %max3A_25 : vector<1024x128xf32>
    %get3A_27 = arith.constant 0 : index
    %get3A_28 = arith.constant 0 : index
    %get3A_29 = vector.load %arg6[%get3A_27, %get3A_28] : memref<128x128xf32, #tpu.memory_space<vmem>>, vector<128x128xf32>
    %dot_general3A = arith.constant dense<0.000000e+00> : vector<1024x128xf32>
    %dot_general3A_30 = tpu.matmul %max3A_26, %get3A_29, %dot_general3A {dimension_numbers = #tpu.dot_dimension_numbers<[1], [0], [0], [1], [0, 0, 1, 1], [], []>, transpose_lhs_hint = false} : vector<1024x128xf32>, vector<128x128xf32>, vector<1024x128xf32> -> vector<1024x128xf32>
    %mul3A_31 = vector.broadcast %rsqrt3A : vector<1024x1xf32> to vector<1024x128xf32>
    %mul3A_32 = arith.mulf %dot_general3A_30, %mul3A_31 : vector<1024x128xf32>
    %swap3A = arith.constant 0 : index
    %swap3A_33 = arith.constant 0 : index
    %swap3A_34 = vector.load %arg8[%swap3A, %swap3A_33] : memref<1024x128xf32, #tpu.memory_space<vmem>>, vector<1024x128xf32>
    tpu.vector_store %arg8[%swap3A, %swap3A_33], %mul3A_32 {strides = array<i32>} : memref<1024x128xf32, #tpu.memory_space<vmem>>, vector<1024x128xf32>,
    return
  }
  func.func @transform_0(%arg0: i32) -> (i32, i32) {
    %c0_i32 = arith.constant 0 : i32
    %c0_i32_0 = arith.constant 0 : i32
    return %arg0, %c0_i32 : i32, i32
  }
  func.func @transform_1(%arg0: i32) -> (i32, i32) {
    %c0_i32 = arith.constant 0 : i32
    %c0_i32_0 = arith.constant 0 : i32
    return %arg0, %c0_i32 : i32, i32
  }
  func.func @transform_2(%arg0: i32) -> (i32, i32) {
    %c0_i32 = arith.constant 0 : i32
    %c0_i32_0 = arith.constant 0 : i32
    return %arg0, %c0_i32 : i32, i32
  }
  func.func @transform_3(%arg0: i32) -> (i32, i32) {
    %c0_i32 = arith.constant 0 : i32
    %c0_i32_0 = arith.constant 0 : i32
    return %arg0, %c0_i32 : i32, i32
  }
  func.func @transform_4(%arg0: i32) -> (i32, i32) {
    %c0_i32 = arith.constant 0 : i32
    %c0_i32_0 = arith.constant 0 : i32
    return %arg0, %c0_i32 : i32, i32
  }
  func.func @transform_5(%arg0: i32) -> (i32, i32) {
    %c0_i32 = arith.constant 0 : i32
    %c0_i32_0 = arith.constant 0 : i32
    %c0_i32_1 = arith.constant 0 : i32
    return %c0_i32, %c0_i32_0 : i32, i32
  }
  func.func @transform_6(%arg0: i32) -> (i32, i32) {
    %c0_i32 = arith.constant 0 : i32
    %c0_i32_0 = arith.constant 0 : i32
    %c0_i32_1 = arith.constant 0 : i32
    return %c0_i32, %c0_i32_0 : i32, i32
  }
  func.func @transform_7(%arg0: i32) -> (i32, i32) {
    %c0_i32 = arith.constant 0 : i32
    %c0_i32_0 = arith.constant 0 : i32
    return %arg0, %c0_i32 : i32, i32
  }
}

module attributes {stable_mosaic.version = 14 : i64} {
  func.func @_tc3_body(%arg0: i32, %arg1: memref<1024x16xf32, #tpu.memory_space<vmem>>, %arg2: memref<1024x16xf32, #tpu.memory_space<vmem>>, %arg3: memref<1024x128xf32, #tpu.memory_space<vmem>>, %arg4: memref<1024x128xf32, #tpu.memory_space<vmem>>, %arg5: memref<1024x128xf32, #tpu.memory_space<vmem>>, %arg6: memref<1x128xf32, #tpu.memory_space<vmem>>, %arg7: memref<1024x128xf32, #tpu.memory_space<vmem>>) attributes {dimension_semantics = [#tpu.dimension_semantics<arbitrary>], iteration_bounds = array<i64: 10>, scalar_prefetch = 0 : i64, scratch_operands = 0 : i64, tpu.core_type = #tpu.core_type<tc>, window_params = [{transform_indices = @transform_0, window_bounds = array<i64: 1024, 16>}, {transform_indices = @transform_1, window_bounds = array<i64: 1024, 16>}, {transform_indices = @transform_2, window_bounds = array<i64: 1024, 128>}, {transform_indices = @transform_3, window_bounds = array<i64: 1024, 128>}, {transform_indices = @transform_4, window_bounds = array<i64: 1024, 128>}, {pipeline_mode = #tpu.pipeline_mode<synchronous>, transform_indices = @transform_5, window_bounds = array<i64: 1, 128>}, {transform_indices = @transform_6, window_bounds = array<i64: 1024, 128>}]} {
    %get3A = arith.constant 0 : index
    %get3A_0 = arith.constant 0 : index
    %get3A_1 = vector.load %arg1[%get3A, %get3A_0] : memref<1024x16xf32, #tpu.memory_space<vmem>>, vector<1024x1xf32>
    %get3A_2 = arith.constant 0 : index
    %get3A_3 = arith.constant 0 : index
    %get3A_4 = vector.load %arg2[%get3A_2, %get3A_3] : memref<1024x16xf32, #tpu.memory_space<vmem>>, vector<1024x1xf32>
    %add3A = arith.addf %get3A_1, %get3A_4 : vector<1024x1xf32>
    %add3A_5 = arith.constant 1.000000e+00 : f32
    %add3A_6 = vector.broadcast %add3A_5 : f32 to vector<1024x1xf32>
    %add3A_7 = arith.addf %add3A, %add3A_6 : vector<1024x1xf32>
    %rsqrt3A = math.rsqrt %add3A_7 : vector<1024x1xf32>
    %get3A_8 = arith.constant 0 : index
    %get3A_9 = arith.constant 0 : index
    %get3A_10 = vector.load %arg3[%get3A_8, %get3A_9] : memref<1024x128xf32, #tpu.memory_space<vmem>>, vector<1024x128xf32>
    %get3A_11 = arith.constant 0 : index
    %get3A_12 = arith.constant 0 : index
    %get3A_13 = vector.load %arg4[%get3A_11, %get3A_12] : memref<1024x128xf32, #tpu.memory_space<vmem>>, vector<1024x128xf32>
    %add3A_14 = arith.addf %get3A_10, %get3A_13 : vector<1024x128xf32>
    %get3A_15 = arith.constant 0 : index
    %get3A_16 = arith.constant 0 : index
    %get3A_17 = vector.load %arg5[%get3A_15, %get3A_16] : memref<1024x128xf32, #tpu.memory_space<vmem>>, vector<1024x128xf32>
    %add3A_18 = arith.addf %add3A_14, %get3A_17 : vector<1024x128xf32>
    %mul3A = vector.broadcast %rsqrt3A : vector<1024x1xf32> to vector<1024x128xf32>
    %mul3A_19 = arith.mulf %add3A_18, %mul3A : vector<1024x128xf32>
    %get3A_20 = arith.constant 0 : index
    %get3A_21 = arith.constant 0 : index
    %get3A_22 = vector.load %arg6[%get3A_20, %get3A_21] : memref<1x128xf32, #tpu.memory_space<vmem>>, vector<1x128xf32>
    %add3A_23 = vector.broadcast %get3A_22 : vector<1x128xf32> to vector<1024x128xf32>
    %add3A_24 = arith.addf %mul3A_19, %add3A_23 : vector<1024x128xf32>
    %swap3A = arith.constant 0 : index
    %swap3A_25 = arith.constant 0 : index
    %swap3A_26 = vector.load %arg7[%swap3A, %swap3A_25] : memref<1024x128xf32, #tpu.memory_space<vmem>>, vector<1024x128xf32>
    tpu.vector_store %arg7[%swap3A, %swap3A_25], %add3A_24 {strides = array<i32>} : memref<1024x128xf32, #tpu.memory_space<vmem>>, vector<1024x128xf32>,
    return
  }
  func.func @transform_0(%arg0: i32) -> (i32, i32) {
    %c0_i32 = arith.constant 0 : i32
    %c0_i32_0 = arith.constant 0 : i32
    return %arg0, %c0_i32 : i32, i32
  }
  func.func @transform_1(%arg0: i32) -> (i32, i32) {
    %c0_i32 = arith.constant 0 : i32
    %c0_i32_0 = arith.constant 0 : i32
    return %arg0, %c0_i32 : i32, i32
  }
  func.func @transform_2(%arg0: i32) -> (i32, i32) {
    %c0_i32 = arith.constant 0 : i32
    %c0_i32_0 = arith.constant 0 : i32
    return %arg0, %c0_i32 : i32, i32
  }
  func.func @transform_3(%arg0: i32) -> (i32, i32) {
    %c0_i32 = arith.constant 0 : i32
    %c0_i32_0 = arith.constant 0 : i32
    return %arg0, %c0_i32 : i32, i32
  }
  func.func @transform_4(%arg0: i32) -> (i32, i32) {
    %c0_i32 = arith.constant 0 : i32
    %c0_i32_0 = arith.constant 0 : i32
    return %arg0, %c0_i32 : i32, i32
  }
  func.func @transform_5(%arg0: i32) -> (i32, i32) {
    %c0_i32 = arith.constant 0 : i32
    %c0_i32_0 = arith.constant 0 : i32
    %c0_i32_1 = arith.constant 0 : i32
    return %c0_i32, %c0_i32_0 : i32, i32
  }
  func.func @transform_6(%arg0: i32) -> (i32, i32) {
    %c0_i32 = arith.constant 0 : i32
    %c0_i32_0 = arith.constant 0 : i32
    return %arg0, %c0_i32 : i32, i32
  }
}

</mosaic_0001>

<sc_bundles>
// kernel: kernel.11.cloned.1.call-start
scs
__scs_entry_jumppad:
0x0: {  	(pc) =	sbr.rel $0x88, $3  }
0x1: {  	(tag) =	ssettag $0x0;
	lr =	simm.s32 $0x1  }
0x2: {  	[smem:$0x3F9B] =	sst lr;
	_ =	strace $0xD0000000  }
0x3: {  	_ = 	snop  }
0x4: {  	_ = 	snop  }
0x5: {  	_ = 	snop  }
0x6: {  	_ = 	snop  }
0x7: {  	_ = 	snop  }
__scs_overlays_trampoline_lowered:
0x8: {  	[smem:$0x3FAA] =	sst s0  }
0x9: {  	[smem:$0x3FAB] =	sst s1  }
0xa: {  	[smem:$0x3FAC] =	sst s2  }
0xb: {  	[smem:$0x3FAD] =	sst s3  }
0xc: {  	[smem:$0x3FAE] =	sst s4  }
0xd: {  	[smem:$0x3FAF] =	sst s5  }
0xe: {  	[smem:$0x3FB0] =	sst s6  }
0xf: {  	[smem:$0x3FB1] =	sst s7  }
0x10: {  	[smem:$0x3FB2] =	sst s8  }
0x11: {  	[smem:$0x3FB3] =	sst s9;
	s0 =	simm.s32 @!p0 $0x0  }
0x12: {  	s1 =	sld [smem:$0x3F99];
	s0 =	simm.s32 @p0 $0x1  }
0x13: {  	[smem:$0x3FB4] =	sst s0;
	s0 =	simm.s32 @!p1 $0x0  }
0x14: {  	s2 =	sld [smem:$0x3F98];
	s0 =	simm.s32 @p1 $0x1  }
0x15: {  	[smem:$0x3FB5] =	sst s0;
	s0 =	simm.s32 @!p2 $0x0  }
0x16: {  	s3 =	sld [smem:$0x3FDB];
	s0 =	simm.s32 @p2 $0x1  }
0x17: {  	s4 =	simm.s32 $0x1BF5;
	[smem:$0x3FB7] =	sst s0  }
0x18: {  	s0 =	sld [smem:$0x3F9A];
	_ =	swait.ge [sflag:s4], $0x0  }
0x19: {  	s7 =	sld [smem:$0x3F9B]  }
0x1a: {  	s8 =	sadd.s32 $0xFFFFE003, lr  }
0x1b: {  	s9 =	sadd.s32 $0xFFFFFEF7, lr;
	s5 =	simm.s32 $0xFFFFFFFF;
	p2 =	slt.u32 s8, $0xFFFFF086  }
0x1c: {  	p1 =	slt.u32 s9, $0xF7A;
	s5 =	simm.s32 @!p2 $0x0  }
0x1d: {  	s5 =	simm.s32 @p1 $0x1;
	p0 =	seq.s32 s7, s2  }
0x1e: {  	s7 =	smul.u32 @!p0 $0xF7A, s2;
	p2 =	seq.s32 @!p0 s5, $0x0  }
0x1f: {  	s9 =	smul.u32 $0xF7A, s1;
	s8 =	simm.s32 @!p0 $0x1BF5;
	p2 =	por !p2, p0  }
0x20: {  	[sflag:s8] =	ssyncset.s32 @!p0 $0xFFFFF086;
	s6 =	sadd.s32 @!p0 s3, s7;
	s7 =	simm.s32 @!p0 $0x108  }
0x21: {  	s3 =	sadd.s32 s3, s9;
	s6 =	sadd.s32 @!p0 $0x88, s6;
	s7 =	simm.s32 @p2 $0x1082  }
0x22: {  	[simem:s7], [sflag:s8] =	dma.local @!p0 [hbm:s6], $0xF7A  }
0x23: {  	s9 =	sor.u32 $0xD0000000, s2;
	s6 =	simm.s32 $0x108;
	_ =	swait.ge @!p0 [sflag:s8], $0x0  }
0x24: {  	s3 =	sadd.s32 $0x88, s3;
	s6 =	simm.s32 @!p1 $0x1082;
	[sflag:s4] =	ssyncset.s32 $0xFFFFF086  }
0x25: {  	[simem:s6], [sflag:s4] =	dma.local [hbm:s3], $0xF7A  }
0x26: {  	[smem:$0x3F9B] =	sst s1;
	(tag) =	ssettag s2;
	_ =	strace s9  }
0x27: {  	s1 =	sld [smem:$0x3FAB]  }
0x28: {  	s2 =	sld [smem:$0x3FAC]  }
0x29: {  	s4 =	sld [smem:$0x3FAE]  }
0x2a: {  	p0 =	seq.s32 s5, $0x0;
	s5 =	sld [smem:$0x3FAF]  }
0x2b: {  	s6 =	sld [smem:$0x3FB0]  }
0x2c: {  	s7 =	sld [smem:$0x3FB1]  }
0x2d: {  	s3 =	simm.s32 $0x108;
	s8 =	sld [smem:$0x3FB2]  }
0x2e: {  	s3 =	simm.s32 @!p0 $0x1082;
	s9 =	sld [smem:$0x3FB3]  }
0x2f: {  	lr =	sadd.s32 s0, s3;
	s0 =	sld [smem:$0x3FAA]  }
0x30: {  	s3 =	sld [smem:$0x3FAD]  }
0x31: {  	[smem:$0x3FB6] =	sst s10  }
0x32: {  	s10 =	sld [smem:$0x3FB4];
	_ =	sdelay $0x3  }
0x33: {  	p0 =	seq.s32 s10, $0x1;
	s10 =	sld [smem:$0x3FB6];
	_ =	sdelay $0x3  }
0x34: {  	[smem:$0x3FB6] =	sst s10  }
0x35: {  	s10 =	sld [smem:$0x3FB5];
	_ =	sdelay $0x3  }
0x36: {  	p1 =	seq.s32 s10, $0x1;
	s10 =	sld [smem:$0x3FB6];
	_ =	sdelay $0x3  }
0x37: {  	[smem:$0x3FB6] =	sst s10  }
0x38: {  	s10 =	sld [smem:$0x3FB7]  }
0x39: {  	_ = 	snop;
	(pc) =	sbr.ind lr, $3  }
0x3a: {  	_ = 	snop  }
0x3b: {  	_ = 	snop  }
0x3c: {  	p2 =	seq.s32 s10, $0x1;
	s10 =	sld [smem:$0x3FB6]  }
0x3d: {  	_ =	shalt  }
0x3e: {  	_ =	shalt  }
0x3f: {  	_ =	shalt  }
0x40: {  	_ =	shalt  }
0x41: {  	_ =	shalt  }
0x42: {  	_ =	shalt  }
0x43: {  	_ =	shalt  }
0x44: {  	_ =	shalt  }
0x45: {  	_ =	shalt  }
0x46: {  	_ =	shalt  }
0x47: {  	_ =	shalt  }
0x48: {  	_ =	shalt  }
0x49: {  	_ =	shalt  }
0x4a: {  	_ =	shalt  }
0x4b: {  	_ =	shalt  }
0x4c: {  	_ =	shalt  }
0x4d: {  	_ =	shalt  }
0x4e: {  	_ =	shalt  }
0x4f: {  	_ =	shalt  }
0x50: {  	_ =	shalt  }
0x51: {  	_ =	shalt  }
0x52: {  	_ =	shalt  }
0x53: {  	_ =	shalt  }
0x54: {  	_ =	shalt  }
0x55: {  	_ =	shalt  }
0x56: {  	_ =	shalt  }
0x57: {  	_ =	shalt  }
0x58: {  	_ =	shalt  }
0x59: {  	_ =	shalt  }
0x5a: {  	_ =	shalt  }
0x5b: {  	_ =	shalt  }
0x5c: {  	_ =	shalt  }
0x5d: {  	_ =	shalt  }
0x5e: {  	_ =	shalt  }
0x5f: {  	_ =	shalt  }
0x60: {  	_ =	shalt  }
0x61: {  	_ =	shalt  }
0x62: {  	_ =	shalt  }
0x63: {  	_ =	shalt  }
0x64: {  	_ =	shalt  }
0x65: {  	_ =	shalt  }
0x66: {  	_ =	shalt  }
0x67: {  	_ =	shalt  }
0x68: {  	_ =	shalt  }
0x69: {  	_ =	shalt  }
0x6a: {  	_ =	shalt  }
0x6b: {  	_ =	shalt  }
0x6c: {  	_ =	shalt  }
0x6d: {  	_ =	shalt  }
0x6e: {  	_ =	shalt  }
0x6f: {  	_ =	shalt  }
0x70: {  	_ =	shalt  }
0x71: {  	_ =	shalt  }
0x72: {  	_ =	shalt  }
0x73: {  	_ =	shalt  }
0x74: {  	_ =	shalt  }
0x75: {  	_ =	shalt  }
0x76: {  	_ =	shalt  }
0x77: {  	_ =	shalt  }
0x78: {  	_ =	shalt  }
0x79: {  	_ =	shalt  }
0x7a: {  	_ =	shalt  }
0x7b: {  	_ =	shalt  }
0x7c: {  	_ =	shalt  }
0x7d: {  	_ =	shalt  }
0x7e: {  	_ =	shalt  }
0x7f: {  	_ =	shalt  }
0x80: {  	_ =	shalt  }
0x81: {  	_ =	shalt  }
0x82: {  	_ =	shalt  }
0x83: {  	_ =	shalt  }
0x84: {  	_ =	shalt  }
0x85: {  	_ =	shalt  }
0x86: {  	_ =	shalt  }
0x87: {  	_ =	shalt  }
.Lfunc_end0:
.L_simem_size_0:
called_computation.1_lowered:
.L_overlay_start_0:
0x88: {  	s2 =	sld [smem:$0x3FD9]  }
0x89: {  	s3 =	sld [smem:$0x3FFE];
	_ =	sdelay $0x1  }
0x8a: {  	s1 =	srdreg.scid  }
0x8b: {  	s0 =	sand.u32 $0x1, s1  }
0x8c: {  	s17 =	sshll.u32 s0, $0xA;
	s2 =	sadd.s32 s3, s2  }
0x8d: {  	s2 =	sadd.s32 s2, s17  }
0x8e: {  	[smem:$0x3FC2] =	sst s2  }
0x8f: {  	_ = 	snop  }
0x90: {  	s2 =	sld [smem:$0x3FD0];
	(tm) =	ssettm $0x1  }
0x91: {  	s18 =	sld [smem:$0x3FFB];
	_ =	sdelay $0x3  }
0x92: {  	_ =	strace s18  }
0x93: {  	s3 =	sld [smem:$0x3FFC];
	_ =	sdelay $0x3  }
0x94: {  	_ =	strace s3  }
0x95: {  	s3 =	sld [smem:$0x3FFD];
	_ =	sdelay $0x3  }
0x96: {  	_ =	strace s3  }
0x97: {  	_ =	strace $0x8FFFFFFF  }
0x98: {  	s19 =	sld [smem:$0x3FDB];
	_ =	sdelay $0x1  }
0x99: {  	s4 =	simm.s32 $_scs_section_size  }
0x9a: {  	s5 =	simm.s32 $_size__tile_overlayer_lowered;
	s6 =	simm.s32 $_tile_overlayer_lowered  }
0x9b: {  	s22 =	simm.s32 $0x1BFF;
	s21 =	sshll.u32 s6, $0x1;
	s3 =	sadd.s32 s4, s19  }
0x9c: {  	s7 =	simm.s32 $0x0;
	s20 =	sshll.u32 s5, $0x1;
	s5 =	sadd.s32 s21, s3  }
0x9d: {  	[timem:s7], [sflag:s22] =	dma.local [hbm:s5], s20  }
0x9e: {  	_ =	swait.ge [sflag:s22], s20  }
0x9f: {  	s4 =	ssub.s32 $0x0, s20;
	[sflag:s22] =	ssyncset.done $0x0  }
0xa0: {  	[sflag:s22] =	ssyncadd.s32 s4;
	_ =	sdelay $0x1  }
0xa1: {  	s23 =	simm.s32 $0x1B8B  }
0xa2: {  	_ =	swait.ge [sflag:s23], $0x1  }
0xa3: {  	[sflag:s23] =	ssyncset.done $0x0  }
0xa4: {  	s25 =	simm.s32 $0x1B8E;
	s24 =	sld [smem:$0x3FFE];
	[sflag:s23] =	ssyncadd.s32 $0xFFFFFFFF  }
0xa5: {  	s26 =	simm.s32 $execute0_lowered;
	[smem:$0x3FD2] =	sst s25  }
0xa6: {  	s5 =	sshll.u32 s26, $0x1;
	_ =	strace $0x80000049;
	[dreg:$0x1] =	wrdreg $0xFFFFFFFF  }
0xa7: {  	s28 =	simm.s32 $_size_execute0_lowered;
	s3 =	sadd.s32 s3, s5;
	[dreg:$0x0] =	wrdreg $0x0  }
0xa8: {  	s5 =	sshll.u32 s28, $0x1;
	[dreg:$0x2] =	wrdreg s3  }
0xa9: {  	[dreg:$0x3] =	wrdreg s5  }
0xaa: {  	[dreg:$0x4] =	wrdreg $0xC0  }
0xab: {  	_ =	task [dreg:s7], $0x5FFFF  }
0xac: {  	[dreg:$0x1] =	wrdreg $0xFFFFFFFF  }
0xad: {  	[dreg:$0x0] =	wrdreg $0x60  }
0xae: {  	[dreg:$0x2] =	wrdreg s24  }
0xaf: {  	[dreg:$0x3] =	wrdreg s2  }
0xb0: {  	[dreg:$0x4] =	wrdreg $0xA8000  }
0xb1: {  	[dreg:$0x5] =	wrdreg $0x9  }
0xb2: {  	_ =	task.clear_ibuf [dreg:s7], $0x6FFFF;
	_ =	strace $0x90000049  }
0xb3: {  	s29 =	simm.s32 $0x9;
	_ =	strace $0x8000004B  }
0xb4: {  	_ =	swait.ge [sflag:s29], $0x1  }
0xb5: {  	[sflag:s29] =	ssyncadd.s32 $0xFFFFFFFF  }
0xb6: {  	_ =	strace $0x9000004B  }
0xb7: {  	_ =	sfence  }
0xb8: {  	s30 =	sld [smem:$0x0];
	_ =	sdelay $0x2  }
0xb9: {  	s31 =	sshll.u32 s1, $0xD;
	s1 =	sshrl.u32 s1, $0x2  }
0xba: {  	s3 =	sand.u32 $0x4000, s31;
	s1 =	sadd.s32 s1, s30  }
0xbb: {  	s0 =	sor.u32 s3, s0;
	s1 =	sshll.u32 s1, $0x11  }
0xbc: {  	s0 =	sor.u32 s1, s0  }
0xbd: {  	s0 =	sadd.s32 $0x8F2B, s0  }
0xbe: {  	[sflag:s0] =	ssyncadd.remote.s32 $0x1  }
0xbf: {  	_ =	sfence.sel $0xFFFF  }
0xc0: {  	[dreg:$0x0] =	wrdreg $0xFFFFFFFF;
	(pc) =	sbr.abs _section_cstart, $3  }
0xc1: {  	[dreg:$0x1] =	wrdreg $0xFFFFFFFF  }
0xc2: {  	_ =	task.clear_ibuf [dreg:s7], $0x2FFFF;
	_ =	strace $0x9FFFFFFF  }
0xc3: {  	(tm) =	ssettm $0x7FFFFFFF  }
tec
execute0_lowered:
.L_overlay_start_1:
0x0: {  	(tag) =	ssettag $0x1  }
0x1: {  	s5 =	rddreg [dreg:$0x0]  }
0x2: {  	s13 =	rddreg [dreg:$0x1]  }
0x3: {  	s1 =	rddreg [dreg:$0x2];
	s3 =	simm.s32 $0x0;
	s4 =	srdreg.scid  }
0x4: {  	s2 =	stileid.u32;
	s23 =	simm.s32 $0x80;
	s24 =	simm.s32 $0x6800  }
0x5: {  	s25 =	simm.s32 $0x1;
	s28 =	simm.s32 $0x2700;
	s29 =	simm.s32 $0x2780  }
0x6: {  	[smem:$0x7FF] =	sst s3;
	s10 =	sand.u32 $0x1, s4;
	s7 =	smul.u32 $0x50000, s2  }
0x7: {  	s4 =	sadd.s32 $0x1E00, s5;
	s14 =	smul.u32 $0x14000, s2;
	s12 =	sadd.s32 $0x51E00, s5  }
0x8: {  	s18 =	sadd.s32 $0x5BE00, s5;
	_ =	strace $0x8000004A;
	s6 =	ssub.s32 $0x2, s10  }
0x9: {  	s26 =	sshll.u32 s10, $0x4;
	s22 =	smul.u32 $0x140000, s10;
	s8 =	sshrl.u32 s6, $0x1  }
0xa: {  	s30 =	sshrl.u32 s7, $0x2;
	s15 =	sadd.s32 $0x4000, s14;
	s31 =	sor.u32 s2, s26  }
0xb: {  	s16 =	sadd.s32 $0x8000, s14;
	s17 =	sadd.s32 $0xC000, s14;
	s20 =	sadd.s32 $0x10000, s14  }
0xc: {  	s26 =	simm.s32 $0x2;
	s19 =	ssub.s32 s6, s8;
	s5 =	sadd.s32 s30, s1  }
0xd: {  	s6 =	sadd.s32 s15, s1;
	s11 =	smul.u32 $0x2800, s31;
	s7 =	sadd.s32 s16, s1  }
0xe: {  	s8 =	sadd.s32 s17, s1;
	s9 =	sadd.s32 s20, s1;
	s14 =	sadd.s32 s14, s22  }
0xf: {  	s15 =	sadd.s32 s22, s15;
	s16 =	sadd.s32 s22, s16;
	s17 =	sadd.s32 s22, s17  }
0x10: {  	s20 =	sadd.s32 s22, s20;
	s22 =	simm.s32 $0x1400;
	s14 =	sshrl.u32 s14, $0x3  }
0x11: {  	s15 =	sshrl.u32 s15, $0x3;
	s16 =	sshrl.u32 s16, $0x3;
	s17 =	sshrl.u32 s17, $0x3  }
0x12: {  	s20 =	sshrl.u32 s20, $0x3;
	s19 =	smax.u32 s19, $0x1;
	s21 =	sshrl.u32 s11, $0x3  }
0x13: {  	s14 =	sadd.s32 s18, s14;
	s15 =	sadd.s32 s18, s15;
	s16 =	sadd.s32 s18, s16  }
0x14: {  	s17 =	sadd.s32 s18, s17;
	s18 =	sadd.s32 s18, s20;
	s20 =	simm.s32 $0x2800  }
0x15: {  	s10 =	sadd.s32 s12, s21;
	s11 =	sadd.s32 s13, s21;
	s21 =	sadd.s32 $0x280, s21  }
0x16: {  	v0 =	vimm.f32 $0.0e+00;
	s12 =	sadd.s32 s12, s21;
	s13 =	sadd.s32 s13, s21;
	s21 =	simm.s32 $0x3  }
.LBB2_1:
0x17: {  	s30 =	simm.s32 $0x0;
	s31 =	simm.s32 $0x200  }
.LBB2_2:
0x18: {  	p0 =	sne.s32 s31, $0xFE00;
	[tilespmem:s30+$0x2870] =	vst v0  }
0x19: {  	[tilespmem:s30+$0x2800] =	vst v0  }
0x1a: {  	[tilespmem:s30+$0x2810] =	vst v0  }
.Ltmp0:
0x1b: {  	[tilespmem:s30+$0x2820] =	vst v0;
	(pc) =	sbr.rel @p0 .LBB2_2-.Ltmp0, $4  }
0x1c: {  	[tilespmem:s30+$0x2830] =	vst v0  }
0x1d: {  	[tilespmem:s30+$0x2840] =	vst v0  }
0x1e: {  	[tilespmem:s30+$0x2850] =	vst v0  }
0x1f: {  	[tilespmem:s30+$0x2860] =	vst v0;
	s30 =	sshra.s32 s31, $0x2;
	s31 =	sadd.s32 $0x200, s31  }
0x20: {  	[tilespmem:s30+$0x2870] =	vst v0  }
0x21: {  	[tilespmem:s30+$0x2800] =	vst v0  }
0x22: {  	[tilespmem:s30+$0x2810] =	vst v0  }
0x23: {  	[tilespmem:s30+$0x2820] =	vst v0  }
0x24: {  	[tilespmem:s30+$0x2830] =	vst v0  }
0x25: {  	[tilespmem:s30+$0x2840] =	vst v0  }
0x26: {  	[tilespmem:s30+$0x2850] =	vst v0  }
0x27: {  	[tilespmem:s30+$0x2860] =	vst v0  }
0x28: {  	[spmem:s5] =	stream.linear.scatter [tilespmem:s20], [sflag:$0x3], $0x4000, $0x38;
	[tilespmem:$0x1E800] =	vst v63  }
0x29: {  	_ =	swait.ge [sflag:s21], $0x4000  }
0x2a: {  	[sflag:s21] =	ssyncset.done $0x0  }
0x2b: {  	[sflag:s21] =	ssyncadd.s32 $0xFFFFC000  }
0x2c: {  	[spmem:s6] =	stream.linear.scatter [tilespmem:s20], [sflag:$0x3], $0x4000, $0x38;
	[tilespmem:$0x1E800] =	vst v63  }
0x2d: {  	_ =	swait.ge [sflag:s21], $0x4000  }
0x2e: {  	[sflag:s21] =	ssyncset.done $0x0  }
0x2f: {  	[sflag:s21] =	ssyncadd.s32 $0xFFFFC000  }
0x30: {  	[spmem:s7] =	stream.linear.scatter [tilespmem:s20], [sflag:$0x3], $0x4000, $0x38;
	[tilespmem:$0x1E800] =	vst v63  }
0x31: {  	_ =	swait.ge [sflag:s21], $0x4000  }
0x32: {  	[sflag:s21] =	ssyncset.done $0x0  }
0x33: {  	[sflag:s21] =	ssyncadd.s32 $0xFFFFC000  }
0x34: {  	[spmem:s8] =	stream.linear.scatter [tilespmem:s20], [sflag:$0x3], $0x4000, $0x38;
	[tilespmem:$0x1E800] =	vst v63  }
0x35: {  	_ =	swait.ge [sflag:s21], $0x4000  }
0x36: {  	[sflag:s21] =	ssyncset.done $0x0  }
0x37: {  	[sflag:s21] =	ssyncadd.s32 $0xFFFFC000  }
0x38: {  	[spmem:s9] =	stream.linear.scatter [tilespmem:s20], [sflag:$0x3], $0x4000, $0x38;
	[tilespmem:$0x1E800] =	vst v63  }
0x39: {  	_ =	swait.ge [sflag:s21], $0x4000  }
0x3a: {  	[sflag:s21] =	ssyncset.done $0x0  }
0x3b: {  	[sflag:s21] =	ssyncadd.s32 $0xFFFFC000  }
0x3c: {  	s30 =	simm.s32 $0x0;
	[bflag:$0x0] =	sbarrier.arrive $0xFFFF  }
0x3d: {  	[tilespmem:s30], [sflag:$0x3] =	stream.linear.gather [hbm4b:s10+s30], $0x1400, $0x38;
	[tilespmem:$0x1E800] =	vst v63  }
0x3e: {  	_ =	swait.ge [sflag:s21], $0x1400  }
0x3f: {  	[sflag:s21] =	ssyncset.done $0x0  }
0x40: {  	[sflag:s21] =	ssyncadd.s32 $0xFFFFEC00  }
0x41: {  	[tilespmem:s22], [sflag:$0x3] =	stream.linear.gather [hbm4b:s11+s30], $0x1400, $0x38;
	[tilespmem:$0x1E800] =	vst v63  }
0x42: {  	_ =	swait.ge [sflag:s21], $0x1400  }
0x43: {  	[sflag:s21] =	ssyncset.done $0x0  }
0x44: {  	[sflag:s21] =	ssyncadd.s32 $0xFFFFEC00  }
0x45: {  	[tilespmem:s20], [sflag:$0x1] =	stream.indirect.gather [hbm4b:s4+s23], $0x80, s30, s23, $0xb8;
	[tilespmem:$0x1E800] =	vst v63  }
0x46: {  	_ = 	snop  }
0x47: {  	[tilespmem:s24], [sflag:$0x2] =	stream.indirect.gather [hbm4b:s4+s23], $0x80, s23, s23, $0xb8;
	[tilespmem:$0x1E800] =	vst v63  }
0x48: {  	_ =	swait.ge [sflag:s25], $0x4000  }
0x49: {  	[sflag:s25] =	ssyncset.done $0x0  }
0x4a: {  	s30 =	simm.s32 $0x1400;
	[sflag:s25] =	ssyncadd.s32 $0xFFFFC000  }
0x4b: {  	[spmem:s1] =	stream.indirect.scatter.add.f32 [tilespmem:s20], [sflag:$0x3], $0x80, s30, s23, $0xb8;
	[tilespmem:$0x1E800] =	vst v63  }
0x4c: {  	_ =	swait.ge [sflag:s21], $0x4000  }
0x4d: {  	[sflag:s21] =	ssyncset.done $0x0  }
0x4e: {  	s30 =	simm.s32 $0x100;
	[sflag:s21] =	ssyncadd.s32 $0xFFFFC000  }
0x4f: {  	[tilespmem:s20], [sflag:$0x1] =	stream.indirect.gather [hbm4b:s4+s23], $0x80, s30, s23, $0xb8;
	[tilespmem:$0x1E800] =	vst v63  }
0x50: {  	_ =	swait.ge [sflag:s26], $0x4000  }
0x51: {  	[sflag:s26] =	ssyncset.done $0x0  }
0x52: {  	s30 =	simm.s32 $0x1480;
	[sflag:s26] =	ssyncadd.s32 $0xFFFFC000  }
0x53: {  	[spmem:s1] =	stream.indirect.scatter.add.f32 [tilespmem:s24], [sflag:$0x3], $0x80, s30, s23, $0xb8;
	[tilespmem:$0x1E800] =	vst v63  }
0x54: {  	_ =	swait.ge [sflag:s21], $0x4000  }
0x55: {  	[sflag:s21] =	ssyncset.done $0x0  }
0x56: {  	s31 =	simm.s32 $0x180;
	s30 =	simm.s32 $0x400;
	[sflag:s21] =	ssyncadd.s32 $0xFFFFC000  }
.LBB2_4:
0x57: {  	[tilespmem:s24], [sflag:$0x2] =	stream.indirect.gather [hbm4b:s4+s23], $0x80, s31, s23, $0xb8;
	[tilespmem:$0x1E800] =	vst v63  }
0x58: {  	s31 =	smov.u32 s30  }
0x59: {  	p0 =	sne.s32 s30, $0x4800;
	s30 =	sadd.s32 $0x400, s30;
	_ =	swait.ge [sflag:s25], $0x4000  }
0x5a: {  	s31 =	sshra.s32 s31, $0x2;
	[sflag:s25] =	ssyncset.done $0x0  }
0x5b: {  	s0 =	sadd.s32 $0x1400, s31;
	[sflag:s25] =	ssyncadd.s32 $0xFFFFC000  }
0x5c: {  	[spmem:s1] =	stream.indirect.scatter.add.f32 [tilespmem:s20], [sflag:$0x3], $0x80, s0, s23, $0xb8;
	[tilespmem:$0x1E800] =	vst v63  }
0x5d: {  	_ =	swait.ge [sflag:s21], $0x4000  }
0x5e: {  	[sflag:s21] =	ssyncset.done $0x0  }
0x5f: {  	s0 =	sadd.s32 $0x100, s31;
	[sflag:s21] =	ssyncadd.s32 $0xFFFFC000  }
0x60: {  	[tilespmem:s20], [sflag:$0x1] =	stream.indirect.gather [hbm4b:s4+s23], $0x80, s0, s23, $0xb8;
	[tilespmem:$0x1E800] =	vst v63  }
0x61: {  	_ =	swait.ge [sflag:s26], $0x4000  }
0x62: {  	[sflag:s26] =	ssyncset.done $0x0  }
.Ltmp1:
0x63: {  	s0 =	sadd.s32 $0x1480, s31;
	[sflag:s26] =	ssyncadd.s32 $0xFFFFC000;
	(pc) =	sbr.rel @p0 .LBB2_4-.Ltmp1, $4  }
0x64: {  	[spmem:s1] =	stream.indirect.scatter.add.f32 [tilespmem:s24], [sflag:$0x3], $0x80, s0, s23, $0xb8;
	[tilespmem:$0x1E800] =	vst v63  }
0x65: {  	_ =	swait.ge [sflag:s21], $0x4000  }
0x66: {  	[sflag:s21] =	ssyncset.done $0x0  }
0x67: {  	s31 =	sadd.s32 $0x180, s31;
	[sflag:s21] =	ssyncadd.s32 $0xFFFFC000  }
0x68: {  	[tilespmem:s24], [sflag:$0x2] =	stream.indirect.gather [hbm4b:s4+s23], $0x80, s31, s23, $0xb8;
	[tilespmem:$0x1E800] =	vst v63  }
0x69: {  	_ =	swait.ge [sflag:s25], $0x4000  }
0x6a: {  	[sflag:s25] =	ssyncset.done $0x0  }
0x6b: {  	[sflag:s25] =	ssyncadd.s32 $0xFFFFC000  }
0x6c: {  	[spmem:s1] =	stream.indirect.scatter.add.f32 [tilespmem:s20], [sflag:$0x3], $0x80, s28, s23, $0xb8;
	[tilespmem:$0x1E800] =	vst v63  }
0x6d: {  	_ =	swait.ge [sflag:s21], $0x4000  }
0x6e: {  	[sflag:s21] =	ssyncset.done $0x0  }
0x6f: {  	[sflag:s21] =	ssyncadd.s32 $0xFFFFC000  }
0x70: {  	_ =	swait.ge [sflag:s26], $0x4000  }
0x71: {  	[sflag:s26] =	ssyncset.done $0x0  }
0x72: {  	[sflag:s26] =	ssyncadd.s32 $0xFFFFC000  }
0x73: {  	[spmem:s1] =	stream.indirect.scatter.add.f32 [tilespmem:s24], [sflag:$0x3], $0x80, s29, s23, $0xb8;
	[tilespmem:$0x1E800] =	vst v63  }
0x74: {  	_ =	swait.ge [sflag:s21], $0x4000  }
0x75: {  	[sflag:s21] =	ssyncset.done $0x0  }
0x76: {  	s0 =	simm.s32 $0x0;
	[sflag:s21] =	ssyncadd.s32 $0xFFFFC000  }
0x77: {  	[tilespmem:s0], [sflag:$0x3] =	stream.linear.gather [hbm4b:s12+s0], $0x1400, $0x38;
	[tilespmem:$0x1E800] =	vst v63  }
0x78: {  	_ =	swait.ge [sflag:s21], $0x1400  }
0x79: {  	[sflag:s21] =	ssyncset.done $0x0  }
0x7a: {  	[sflag:s21] =	ssyncadd.s32 $0xFFFFEC00  }
0x7b: {  	[tilespmem:s22], [sflag:$0x3] =	stream.linear.gather [hbm4b:s13+s0], $0x1400, $0x38;
	[tilespmem:$0x1E800] =	vst v63  }
0x7c: {  	_ =	swait.ge [sflag:s21], $0x1400  }
0x7d: {  	[sflag:s21] =	ssyncset.done $0x0  }
0x7e: {  	[sflag:s21] =	ssyncadd.s32 $0xFFFFEC00  }
0x7f: {  	[tilespmem:s20], [sflag:$0x1] =	stream.indirect.gather [hbm4b:s4+s23], $0x80, s0, s23, $0xb8;
	[tilespmem:$0x1E800] =	vst v63  }
0x80: {  	_ = 	snop  }
0x81: {  	[tilespmem:s24], [sflag:$0x2] =	stream.indirect.gather [hbm4b:s4+s23], $0x80, s23, s23, $0xb8;
	[tilespmem:$0x1E800] =	vst v63  }
0x82: {  	_ =	swait.ge [sflag:s25], $0x4000  }
0x83: {  	[sflag:s25] =	ssyncset.done $0x0  }
0x84: {  	s0 =	simm.s32 $0x1400;
	[sflag:s25] =	ssyncadd.s32 $0xFFFFC000  }
0x85: {  	[spmem:s1] =	stream.indirect.scatter.add.f32 [tilespmem:s20], [sflag:$0x3], $0x80, s0, s23, $0xb8;
	[tilespmem:$0x1E800] =	vst v63  }
0x86: {  	_ =	swait.ge [sflag:s21], $0x4000  }
0x87: {  	[sflag:s21] =	ssyncset.done $0x0  }
0x88: {  	s0 =	simm.s32 $0x100;
	[sflag:s21] =	ssyncadd.s32 $0xFFFFC000  }
0x89: {  	[tilespmem:s20], [sflag:$0x1] =	stream.indirect.gather [hbm4b:s4+s23], $0x80, s0, s23, $0xb8;
	[tilespmem:$0x1E800] =	vst v63  }
0x8a: {  	_ =	swait.ge [sflag:s26], $0x4000  }
0x8b: {  	[sflag:s26] =	ssyncset.done $0x0  }
0x8c: {  	s0 =	simm.s32 $0x1480;
	[sflag:s26] =	ssyncadd.s32 $0xFFFFC000  }
0x8d: {  	[spmem:s1] =	stream.indirect.scatter.add.f32 [tilespmem:s24], [sflag:$0x3], $0x80, s0, s23, $0xb8;
	[tilespmem:$0x1E800] =	vst v63  }
0x8e: {  	_ =	swait.ge [sflag:s21], $0x4000  }
0x8f: {  	[sflag:s21] =	ssyncset.done $0x0  }
0x90: {  	s30 =	simm.s32 $0x400;
	s31 =	simm.s32 $0x180;
	[sflag:s21] =	ssyncadd.s32 $0xFFFFC000  }
.LBB2_6:
0x91: {  	[tilespmem:s24], [sflag:$0x2] =	stream.indirect.gather [hbm4b:s4+s23], $0x80, s31, s23, $0xb8;
	[tilespmem:$0x1E800] =	vst v63  }
0x92: {  	s0 =	smov.u32 s30  }
0x93: {  	p0 =	sne.s32 s30, $0x4800;
	s30 =	sadd.s32 $0x400, s30;
	_ =	swait.ge [sflag:s25], $0x4000  }
0x94: {  	s0 =	sshra.s32 s0, $0x2;
	[sflag:s25] =	ssyncset.done $0x0  }
0x95: {  	s31 =	sadd.s32 $0x1400, s0;
	[sflag:s25] =	ssyncadd.s32 $0xFFFFC000  }
0x96: {  	[spmem:s1] =	stream.indirect.scatter.add.f32 [tilespmem:s20], [sflag:$0x3], $0x80, s31, s23, $0xb8;
	[tilespmem:$0x1E800] =	vst v63  }
0x97: {  	_ =	swait.ge [sflag:s21], $0x4000  }
0x98: {  	[sflag:s21] =	ssyncset.done $0x0  }
0x99: {  	s31 =	sadd.s32 $0x100, s0;
	[sflag:s21] =	ssyncadd.s32 $0xFFFFC000  }
0x9a: {  	[tilespmem:s20], [sflag:$0x1] =	stream.indirect.gather [hbm4b:s4+s23], $0x80, s31, s23, $0xb8;
	[tilespmem:$0x1E800] =	vst v63  }
0x9b: {  	_ =	swait.ge [sflag:s26], $0x4000  }
0x9c: {  	[sflag:s26] =	ssyncset.done $0x0  }
.Ltmp2:
0x9d: {  	s31 =	sadd.s32 $0x1480, s0;
	[sflag:s26] =	ssyncadd.s32 $0xFFFFC000;
	(pc) =	sbr.rel @p0 .LBB2_6-.Ltmp2, $4  }
0x9e: {  	[spmem:s1] =	stream.indirect.scatter.add.f32 [tilespmem:s24], [sflag:$0x3], $0x80, s31, s23, $0xb8;
	[tilespmem:$0x1E800] =	vst v63  }
0x9f: {  	_ =	swait.ge [sflag:s21], $0x4000  }
0xa0: {  	[sflag:s21] =	ssyncset.done $0x0  }
0xa1: {  	s31 =	sadd.s32 $0x180, s0;
	[sflag:s21] =	ssyncadd.s32 $0xFFFFC000  }
0xa2: {  	[tilespmem:s24], [sflag:$0x2] =	stream.indirect.gather [hbm4b:s4+s23], $0x80, s31, s23, $0xb8;
	[tilespmem:$0x1E800] =	vst v63  }
0xa3: {  	_ =	swait.ge [sflag:s25], $0x4000  }
0xa4: {  	[sflag:s25] =	ssyncset.done $0x0  }
0xa5: {  	[sflag:s25] =	ssyncadd.s32 $0xFFFFC000  }
0xa6: {  	[spmem:s1] =	stream.indirect.scatter.add.f32 [tilespmem:s20], [sflag:$0x3], $0x80, s28, s23, $0xb8;
	[tilespmem:$0x1E800] =	vst v63  }
0xa7: {  	_ =	swait.ge [sflag:s21], $0x4000  }
0xa8: {  	[sflag:s21] =	ssyncset.done $0x0  }
0xa9: {  	[sflag:s21] =	ssyncadd.s32 $0xFFFFC000  }
0xaa: {  	_ =	swait.ge [sflag:s26], $0x4000  }
0xab: {  	[sflag:s26] =	ssyncset.done $0x0  }
0xac: {  	[sflag:s26] =	ssyncadd.s32 $0xFFFFC000  }
0xad: {  	[spmem:s1] =	stream.indirect.scatter.add.f32 [tilespmem:s24], [sflag:$0x3], $0x80, s29, s23, $0xb8;
	[tilespmem:$0x1E800] =	vst v63  }
0xae: {  	_ =	swait.ge [sflag:s21], $0x4000  }
0xaf: {  	[sflag:s21] =	ssyncset.done $0x0  }
0xb0: {  	s0 =	sshll.u32 s2, $0x6;
	[sflag:s21] =	ssyncadd.s32 $0xFFFFC000  }
0xb1: {  	s30 =	sshrl.u32 s5, $0x3;
	s0 =	sor.u32 $0x1C03, s0;
	[bflag:$0x0] =	sbarrier.arrive $0xFFFF  }
0xb2: {  	[hbm:s14], [sflag:s0] =	dma.local [spmem:s30], $0x800  }
0xb3: {  	_ =	swait.ge [sflag:s21], $0x800  }
0xb4: {  	[sflag:s21] =	ssyncset.done $0x0  }
0xb5: {  	s31 =	sshrl.u32 s6, $0x3;
	[sflag:s21] =	ssyncadd.s32 $0xFFFFF800  }
0xb6: {  	[hbm:s15], [sflag:s0] =	dma.local [spmem:s31], $0x800  }
0xb7: {  	_ =	swait.ge [sflag:s21], $0x800  }
0xb8: {  	[sflag:s21] =	ssyncset.done $0x0  }
0xb9: {  	s31 =	sshrl.u32 s7, $0x3;
	[sflag:s21] =	ssyncadd.s32 $0xFFFFF800  }
0xba: {  	[hbm:s16], [sflag:s0] =	dma.local [spmem:s31], $0x800  }
0xbb: {  	_ =	swait.ge [sflag:s21], $0x800  }
0xbc: {  	[sflag:s21] =	ssyncset.done $0x0  }
0xbd: {  	s31 =	sshrl.u32 s8, $0x3;
	[sflag:s21] =	ssyncadd.s32 $0xFFFFF800  }
0xbe: {  	[hbm:s17], [sflag:s0] =	dma.local [spmem:s31], $0x800  }
0xbf: {  	s3 =	sadd.s32 $0x1, s3;
	_ =	swait.ge [sflag:s21], $0x800  }
0xc0: {  	p0 =	sne.s32 s3, s19;
	[sflag:s21] =	ssyncset.done $0x0  }
.Ltmp3:
0xc1: {  	s31 =	sshrl.u32 s9, $0x3;
	[sflag:s21] =	ssyncadd.s32 $0xFFFFF800;
	(pc) =	sbr.rel @p0 .LBB2_1-.Ltmp3, $4  }
0xc2: {  	[hbm:s18], [sflag:s0] =	dma.local [spmem:s31], $0x800  }
0xc3: {  	_ =	swait.ge [sflag:s21], $0x800  }
0xc4: {  	[sflag:s21] =	ssyncset.done $0x0  }
0xc5: {  	[sflag:s21] =	ssyncadd.s32 $0xFFFFF800  }
0xc6: {  	_ =	sfence.sel $0x180000  }
0xc7: {  	[bflag:$0x0] =	sbarrier.arrive $0xFFFF  }
0xc8: {  	_ =	strace $0x9000004A  }
0xc9: {  	[bflag:$0x2] =	sbarrier.arrive $0xFFFF  }
0xca: {  	p0 =	sne.s32 s2, $0x0;
	s0 =	rddreg [dreg:$0x3]  }
0xcb: {  	s0 =	sadd.s32 @!p0 $0x100000, s0  }
0xcc: {  	[sflag:s0] =	ssyncadd.tile.s32 @!p0 $0x1;
	_ =	shalt  }
.Lfunc_end2:
_tile_overlayer_lowered:
.L_overlay_start_2:
0xcd: {  	(tag) =	ssettag $0x2  }
0xce: {  	s0 =	rddreg [dreg:$0x0];
	s2 =	stileid.u32  }
0xcf: {  	s1 =	rddreg [dreg:$0x1];
	p0 =	sne.s32 s2, $0x0  }
0xd0: {  	s3 =	rddreg [dreg:$0x2];
	[bflag:$0x3] =	sbarrier.arrive $0xFFFF;
	s2 =	simm.s32 @!p0 $0x1C03  }
0xd1: {  	[timem:s3], [sflag:s2] =	dma.local @!p0 [hbm:s0], s1  }
0xd2: {  	s0 =	simm.s32 @!p0 $0x3  }
0xd3: {  	_ =	swait.ge @!p0 [sflag:s0], s1  }
0xd4: {  	s1 =	ssub.s32 @!p0 $0x0, s1;
	[sflag:s0] =	ssyncset.done @!p0 $0x0  }
0xd5: {  	[sflag:s0] =	ssyncadd.s32 @!p0 s1  }
0xd6: {  	[bflag:$0x3] =	sbarrier.arrive $0xFFFF  }
0xd7: {  	_ =	shalt  }

// kernel: kernel.14.cloned.1.call-start
scs
__scs_entry_jumppad:
0x0: {  	(pc) =	sbr.rel $0x88, $3  }
0x1: {  	(tag) =	ssettag $0x0;
	lr =	simm.s32 $0x1  }
0x2: {  	[smem:$0x3F9B] =	sst lr;
	_ =	strace $0xD0000000  }
0x3: {  	_ = 	snop  }
0x4: {  	_ = 	snop  }
0x5: {  	_ = 	snop  }
0x6: {  	_ = 	snop  }
0x7: {  	_ = 	snop  }
__scs_overlays_trampoline_lowered:
0x8: {  	[smem:$0x3FAA] =	sst s0  }
0x9: {  	[smem:$0x3FAB] =	sst s1  }
0xa: {  	[smem:$0x3FAC] =	sst s2  }
0xb: {  	[smem:$0x3FAD] =	sst s3  }
0xc: {  	[smem:$0x3FAE] =	sst s4  }
0xd: {  	[smem:$0x3FAF] =	sst s5  }
0xe: {  	[smem:$0x3FB0] =	sst s6  }
0xf: {  	[smem:$0x3FB1] =	sst s7  }
0x10: {  	[smem:$0x3FB2] =	sst s8  }
0x11: {  	[smem:$0x3FB3] =	sst s9;
	s0 =	simm.s32 @!p0 $0x0  }
0x12: {  	s1 =	sld [smem:$0x3F99];
	s0 =	simm.s32 @p0 $0x1  }
0x13: {  	[smem:$0x3FB4] =	sst s0;
	s0 =	simm.s32 @!p1 $0x0  }
0x14: {  	s2 =	sld [smem:$0x3F98];
	s0 =	simm.s32 @p1 $0x1  }
0x15: {  	[smem:$0x3FB5] =	sst s0;
	s0 =	simm.s32 @!p2 $0x0  }
0x16: {  	s3 =	sld [smem:$0x3FDB];
	s0 =	simm.s32 @p2 $0x1  }
0x17: {  	s4 =	simm.s32 $0x1BF5;
	[smem:$0x3FB7] =	sst s0  }
0x18: {  	s0 =	sld [smem:$0x3F9A];
	_ =	swait.ge [sflag:s4], $0x0  }
0x19: {  	s7 =	sld [smem:$0x3F9B]  }
0x1a: {  	s8 =	sadd.s32 $0xFFFFE003, lr  }
0x1b: {  	s9 =	sadd.s32 $0xFFFFFEF7, lr;
	s5 =	simm.s32 $0xFFFFFFFF;
	p2 =	slt.u32 s8, $0xFFFFF086  }
0x1c: {  	p1 =	slt.u32 s9, $0xF7A;
	s5 =	simm.s32 @!p2 $0x0  }
0x1d: {  	s5 =	simm.s32 @p1 $0x1;
	p0 =	seq.s32 s7, s2  }
0x1e: {  	s7 =	smul.u32 @!p0 $0xF7A, s2;
	p2 =	seq.s32 @!p0 s5, $0x0  }
0x1f: {  	s9 =	smul.u32 $0xF7A, s1;
	s8 =	simm.s32 @!p0 $0x1BF5;
	p2 =	por !p2, p0  }
0x20: {  	[sflag:s8] =	ssyncset.s32 @!p0 $0xFFFFF086;
	s6 =	sadd.s32 @!p0 s3, s7;
	s7 =	simm.s32 @!p0 $0x108  }
0x21: {  	s3 =	sadd.s32 s3, s9;
	s6 =	sadd.s32 @!p0 $0x88, s6;
	s7 =	simm.s32 @p2 $0x1082  }
0x22: {  	[simem:s7], [sflag:s8] =	dma.local @!p0 [hbm:s6], $0xF7A  }
0x23: {  	s9 =	sor.u32 $0xD0000000, s2;
	s6 =	simm.s32 $0x108;
	_ =	swait.ge @!p0 [sflag:s8], $0x0  }
0x24: {  	s3 =	sadd.s32 $0x88, s3;
	s6 =	simm.s32 @!p1 $0x1082;
	[sflag:s4] =	ssyncset.s32 $0xFFFFF086  }
0x25: {  	[simem:s6], [sflag:s4] =	dma.local [hbm:s3], $0xF7A  }
0x26: {  	[smem:$0x3F9B] =	sst s1;
	(tag) =	ssettag s2;
	_ =	strace s9  }
0x27: {  	s1 =	sld [smem:$0x3FAB]  }
0x28: {  	s2 =	sld [smem:$0x3FAC]  }
0x29: {  	s4 =	sld [smem:$0x3FAE]  }
0x2a: {  	p0 =	seq.s32 s5, $0x0;
	s5 =	sld [smem:$0x3FAF]  }
0x2b: {  	s6 =	sld [smem:$0x3FB0]  }
0x2c: {  	s7 =	sld [smem:$0x3FB1]  }
0x2d: {  	s3 =	simm.s32 $0x108;
	s8 =	sld [smem:$0x3FB2]  }
0x2e: {  	s3 =	simm.s32 @!p0 $0x1082;
	s9 =	sld [smem:$0x3FB3]  }
0x2f: {  	lr =	sadd.s32 s0, s3;
	s0 =	sld [smem:$0x3FAA]  }
0x30: {  	s3 =	sld [smem:$0x3FAD]  }
0x31: {  	[smem:$0x3FB6] =	sst s10  }
0x32: {  	s10 =	sld [smem:$0x3FB4];
	_ =	sdelay $0x3  }
0x33: {  	p0 =	seq.s32 s10, $0x1;
	s10 =	sld [smem:$0x3FB6];
	_ =	sdelay $0x3  }
0x34: {  	[smem:$0x3FB6] =	sst s10  }
0x35: {  	s10 =	sld [smem:$0x3FB5];
	_ =	sdelay $0x3  }
0x36: {  	p1 =	seq.s32 s10, $0x1;
	s10 =	sld [smem:$0x3FB6];
	_ =	sdelay $0x3  }
0x37: {  	[smem:$0x3FB6] =	sst s10  }
0x38: {  	s10 =	sld [smem:$0x3FB7]  }
0x39: {  	_ = 	snop;
	(pc) =	sbr.ind lr, $3  }
0x3a: {  	_ = 	snop  }
0x3b: {  	_ = 	snop  }
0x3c: {  	p2 =	seq.s32 s10, $0x1;
	s10 =	sld [smem:$0x3FB6]  }
0x3d: {  	_ =	shalt  }
0x3e: {  	_ =	shalt  }
0x3f: {  	_ =	shalt  }
0x40: {  	_ =	shalt  }
0x41: {  	_ =	shalt  }
0x42: {  	_ =	shalt  }
0x43: {  	_ =	shalt  }
0x44: {  	_ =	shalt  }
0x45: {  	_ =	shalt  }
0x46: {  	_ =	shalt  }
0x47: {  	_ =	shalt  }
0x48: {  	_ =	shalt  }
0x49: {  	_ =	shalt  }
0x4a: {  	_ =	shalt  }
0x4b: {  	_ =	shalt  }
0x4c: {  	_ =	shalt  }
0x4d: {  	_ =	shalt  }
0x4e: {  	_ =	shalt  }
0x4f: {  	_ =	shalt  }
0x50: {  	_ =	shalt  }
0x51: {  	_ =	shalt  }
0x52: {  	_ =	shalt  }
0x53: {  	_ =	shalt  }
0x54: {  	_ =	shalt  }
0x55: {  	_ =	shalt  }
0x56: {  	_ =	shalt  }
0x57: {  	_ =	shalt  }
0x58: {  	_ =	shalt  }
0x59: {  	_ =	shalt  }
0x5a: {  	_ =	shalt  }
0x5b: {  	_ =	shalt  }
0x5c: {  	_ =	shalt  }
0x5d: {  	_ =	shalt  }
0x5e: {  	_ =	shalt  }
0x5f: {  	_ =	shalt  }
0x60: {  	_ =	shalt  }
0x61: {  	_ =	shalt  }
0x62: {  	_ =	shalt  }
0x63: {  	_ =	shalt  }
0x64: {  	_ =	shalt  }
0x65: {  	_ =	shalt  }
0x66: {  	_ =	shalt  }
0x67: {  	_ =	shalt  }
0x68: {  	_ =	shalt  }
0x69: {  	_ =	shalt  }
0x6a: {  	_ =	shalt  }
0x6b: {  	_ =	shalt  }
0x6c: {  	_ =	shalt  }
0x6d: {  	_ =	shalt  }
0x6e: {  	_ =	shalt  }
0x6f: {  	_ =	shalt  }
0x70: {  	_ =	shalt  }
0x71: {  	_ =	shalt  }
0x72: {  	_ =	shalt  }
0x73: {  	_ =	shalt  }
0x74: {  	_ =	shalt  }
0x75: {  	_ =	shalt  }
0x76: {  	_ =	shalt  }
0x77: {  	_ =	shalt  }
0x78: {  	_ =	shalt  }
0x79: {  	_ =	shalt  }
0x7a: {  	_ =	shalt  }
0x7b: {  	_ =	shalt  }
0x7c: {  	_ =	shalt  }
0x7d: {  	_ =	shalt  }
0x7e: {  	_ =	shalt  }
0x7f: {  	_ =	shalt  }
0x80: {  	_ =	shalt  }
0x81: {  	_ =	shalt  }
0x82: {  	_ =	shalt  }
0x83: {  	_ =	shalt  }
0x84: {  	_ =	shalt  }
0x85: {  	_ =	shalt  }
0x86: {  	_ =	shalt  }
0x87: {  	_ =	shalt  }
.Lfunc_end0:
.L_simem_size_0:
called_computation.2_lowered:
.L_overlay_start_0:
0x88: {  	s2 =	sld [smem:$0x3FD9]  }
0x89: {  	s3 =	sld [smem:$0x3FFE];
	_ =	sdelay $0x1  }
0x8a: {  	s1 =	srdreg.scid  }
0x8b: {  	s0 =	sand.u32 $0x1, s1  }
0x8c: {  	s17 =	sshll.u32 s0, $0xA;
	s2 =	sadd.s32 s3, s2  }
0x8d: {  	s2 =	sadd.s32 s2, s17  }
0x8e: {  	[smem:$0x3FC2] =	sst s2  }
0x8f: {  	_ = 	snop  }
0x90: {  	s2 =	sld [smem:$0x3FD0];
	(tm) =	ssettm $0x1  }
0x91: {  	s18 =	sld [smem:$0x3FFB];
	_ =	sdelay $0x3  }
0x92: {  	_ =	strace s18  }
0x93: {  	s3 =	sld [smem:$0x3FFC];
	_ =	sdelay $0x3  }
0x94: {  	_ =	strace s3  }
0x95: {  	s3 =	sld [smem:$0x3FFD];
	_ =	sdelay $0x3  }
0x96: {  	_ =	strace s3  }
0x97: {  	_ =	strace $0x8FFFFFFF  }
0x98: {  	s19 =	sld [smem:$0x3FDB];
	_ =	sdelay $0x1  }
0x99: {  	s4 =	simm.s32 $_scs_section_size  }
0x9a: {  	s5 =	simm.s32 $_size__tile_overlayer_lowered;
	s6 =	simm.s32 $_tile_overlayer_lowered  }
0x9b: {  	s22 =	simm.s32 $0x1BFF;
	s21 =	sshll.u32 s6, $0x1;
	s3 =	sadd.s32 s4, s19  }
0x9c: {  	s7 =	simm.s32 $0x0;
	s20 =	sshll.u32 s5, $0x1;
	s5 =	sadd.s32 s21, s3  }
0x9d: {  	[timem:s7], [sflag:s22] =	dma.local [hbm:s5], s20  }
0x9e: {  	_ =	swait.ge [sflag:s22], s20  }
0x9f: {  	s4 =	ssub.s32 $0x0, s20;
	[sflag:s22] =	ssyncset.done $0x0  }
0xa0: {  	[sflag:s22] =	ssyncadd.s32 s4;
	_ =	sdelay $0x1  }
0xa1: {  	s23 =	simm.s32 $0x1B8B  }
0xa2: {  	_ =	swait.ge [sflag:s23], $0x1  }
0xa3: {  	[sflag:s23] =	ssyncset.done $0x0  }
0xa4: {  	s25 =	simm.s32 $0x1B8E;
	s24 =	sld [smem:$0x3FFE];
	[sflag:s23] =	ssyncadd.s32 $0xFFFFFFFF  }
0xa5: {  	s26 =	simm.s32 $execute0_lowered;
	[smem:$0x3FD2] =	sst s25  }
0xa6: {  	s5 =	sshll.u32 s26, $0x1;
	_ =	strace $0x8000004C;
	[dreg:$0x1] =	wrdreg $0xFFFFFFFF  }
0xa7: {  	s28 =	simm.s32 $_size_execute0_lowered;
	s3 =	sadd.s32 s3, s5;
	[dreg:$0x0] =	wrdreg $0x0  }
0xa8: {  	s5 =	sshll.u32 s28, $0x1;
	[dreg:$0x2] =	wrdreg s3  }
0xa9: {  	[dreg:$0x3] =	wrdreg s5  }
0xaa: {  	[dreg:$0x4] =	wrdreg $0xC0  }
0xab: {  	_ =	task [dreg:s7], $0x5FFFF  }
0xac: {  	[dreg:$0x1] =	wrdreg $0xFFFFFFFF  }
0xad: {  	[dreg:$0x0] =	wrdreg $0x60  }
0xae: {  	[dreg:$0x2] =	wrdreg s24  }
0xaf: {  	[dreg:$0x3] =	wrdreg s2  }
0xb0: {  	[dreg:$0x4] =	wrdreg $0xA8000  }
0xb1: {  	[dreg:$0x5] =	wrdreg $0x9  }
0xb2: {  	_ =	task.clear_ibuf [dreg:s7], $0x6FFFF;
	_ =	strace $0x9000004C  }
0xb3: {  	s29 =	simm.s32 $0x9;
	_ =	strace $0x8000004E  }
0xb4: {  	_ =	swait.ge [sflag:s29], $0x1  }
0xb5: {  	[sflag:s29] =	ssyncadd.s32 $0xFFFFFFFF  }
0xb6: {  	_ =	strace $0x9000004E  }
0xb7: {  	_ =	sfence  }
0xb8: {  	s30 =	sld [smem:$0x0];
	_ =	sdelay $0x2  }
0xb9: {  	s31 =	sshll.u32 s1, $0xD;
	s1 =	sshrl.u32 s1, $0x2  }
0xba: {  	s3 =	sand.u32 $0x4000, s31;
	s1 =	sadd.s32 s1, s30  }
0xbb: {  	s0 =	sor.u32 s3, s0;
	s1 =	sshll.u32 s1, $0x11  }
0xbc: {  	s0 =	sor.u32 s1, s0  }
0xbd: {  	s0 =	sadd.s32 $0x8F2B, s0  }
0xbe: {  	[sflag:s0] =	ssyncadd.remote.s32 $0x1  }
0xbf: {  	_ =	sfence.sel $0xFFFF  }
0xc0: {  	[dreg:$0x0] =	wrdreg $0xFFFFFFFF;
	(pc) =	sbr.abs _section_cstart, $3  }
0xc1: {  	[dreg:$0x1] =	wrdreg $0xFFFFFFFF  }
0xc2: {  	_ =	task.clear_ibuf [dreg:s7], $0x2FFFF;
	_ =	strace $0x9FFFFFFF  }
0xc3: {  	(tm) =	ssettm $0x7FFFFFFF  }
tec
execute0_lowered:
.L_overlay_start_1:
0x0: {  	(tag) =	ssettag $0x1  }
0x1: {  	s5 =	rddreg [dreg:$0x0]  }
0x2: {  	s13 =	rddreg [dreg:$0x1]  }
0x3: {  	s1 =	rddreg [dreg:$0x2];
	s3 =	simm.s32 $0x0;
	s4 =	srdreg.scid  }
0x4: {  	s2 =	stileid.u32;
	s23 =	simm.s32 $0x80;
	s24 =	simm.s32 $0x6800  }
0x5: {  	s25 =	simm.s32 $0x1;
	s28 =	simm.s32 $0x2700;
	s29 =	simm.s32 $0x2780  }
0x6: {  	[smem:$0x7FF] =	sst s3;
	s10 =	sand.u32 $0x1, s4;
	s7 =	smul.u32 $0x50000, s2  }
0x7: {  	s4 =	sadd.s32 $0x1E00, s5;
	s14 =	smul.u32 $0x14000, s2;
	s12 =	sadd.s32 $0x51E00, s5  }
0x8: {  	s18 =	sadd.s32 $0x5BE00, s5;
	_ =	strace $0x8000004D;
	s6 =	ssub.s32 $0x2, s10  }
0x9: {  	s26 =	sshll.u32 s10, $0x4;
	s22 =	smul.u32 $0x140000, s10;
	s8 =	sshrl.u32 s6, $0x1  }
0xa: {  	s30 =	sshrl.u32 s7, $0x2;
	s15 =	sadd.s32 $0x4000, s14;
	s31 =	sor.u32 s2, s26  }
0xb: {  	s16 =	sadd.s32 $0x8000, s14;
	s17 =	sadd.s32 $0xC000, s14;
	s20 =	sadd.s32 $0x10000, s14  }
0xc: {  	s26 =	simm.s32 $0x2;
	s19 =	ssub.s32 s6, s8;
	s5 =	sadd.s32 s30, s1  }
0xd: {  	s6 =	sadd.s32 s15, s1;
	s11 =	smul.u32 $0x2800, s31;
	s7 =	sadd.s32 s16, s1  }
0xe: {  	s8 =	sadd.s32 s17, s1;
	s9 =	sadd.s32 s20, s1;
	s14 =	sadd.s32 s14, s22  }
0xf: {  	s15 =	sadd.s32 s22, s15;
	s16 =	sadd.s32 s22, s16;
	s17 =	sadd.s32 s22, s17  }
0x10: {  	s20 =	sadd.s32 s22, s20;
	s22 =	simm.s32 $0x1400;
	s14 =	sshrl.u32 s14, $0x3  }
0x11: {  	s15 =	sshrl.u32 s15, $0x3;
	s16 =	sshrl.u32 s16, $0x3;
	s17 =	sshrl.u32 s17, $0x3  }
0x12: {  	s20 =	sshrl.u32 s20, $0x3;
	s19 =	smax.u32 s19, $0x1;
	s21 =	sshrl.u32 s11, $0x3  }
0x13: {  	s14 =	sadd.s32 s18, s14;
	s15 =	sadd.s32 s18, s15;
	s16 =	sadd.s32 s18, s16  }
0x14: {  	s17 =	sadd.s32 s18, s17;
	s18 =	sadd.s32 s18, s20;
	s20 =	simm.s32 $0x2800  }
0x15: {  	s10 =	sadd.s32 s12, s21;
	s11 =	sadd.s32 s13, s21;
	s21 =	sadd.s32 $0x280, s21  }
0x16: {  	v0 =	vimm.f32 $0.0e+00;
	s12 =	sadd.s32 s12, s21;
	s13 =	sadd.s32 s13, s21;
	s21 =	simm.s32 $0x3  }
.LBB2_1:
0x17: {  	s30 =	simm.s32 $0x0;
	s31 =	simm.s32 $0x200  }
.LBB2_2:
0x18: {  	p0 =	sne.s32 s31, $0xFE00;
	[tilespmem:s30+$0x2870] =	vst v0  }
0x19: {  	[tilespmem:s30+$0x2800] =	vst v0  }
0x1a: {  	[tilespmem:s30+$0x2810] =	vst v0  }
.Ltmp0:
0x1b: {  	[tilespmem:s30+$0x2820] =	vst v0;
	(pc) =	sbr.rel @p0 .LBB2_2-.Ltmp0, $4  }
0x1c: {  	[tilespmem:s30+$0x2830] =	vst v0  }
0x1d: {  	[tilespmem:s30+$0x2840] =	vst v0  }
0x1e: {  	[tilespmem:s30+$0x2850] =	vst v0  }
0x1f: {  	[tilespmem:s30+$0x2860] =	vst v0;
	s30 =	sshra.s32 s31, $0x2;
	s31 =	sadd.s32 $0x200, s31  }
0x20: {  	[tilespmem:s30+$0x2870] =	vst v0  }
0x21: {  	[tilespmem:s30+$0x2800] =	vst v0  }
0x22: {  	[tilespmem:s30+$0x2810] =	vst v0  }
0x23: {  	[tilespmem:s30+$0x2820] =	vst v0  }
0x24: {  	[tilespmem:s30+$0x2830] =	vst v0  }
0x25: {  	[tilespmem:s30+$0x2840] =	vst v0  }
0x26: {  	[tilespmem:s30+$0x2850] =	vst v0  }
0x27: {  	[tilespmem:s30+$0x2860] =	vst v0  }
0x28: {  	[spmem:s5] =	stream.linear.scatter [tilespmem:s20], [sflag:$0x3], $0x4000, $0x38;
	[tilespmem:$0x1E800] =	vst v63  }
0x29: {  	_ =	swait.ge [sflag:s21], $0x4000  }
0x2a: {  	[sflag:s21] =	ssyncset.done $0x0  }
0x2b: {  	[sflag:s21] =	ssyncadd.s32 $0xFFFFC000  }
0x2c: {  	[spmem:s6] =	stream.linear.scatter [tilespmem:s20], [sflag:$0x3], $0x4000, $0x38;
	[tilespmem:$0x1E800] =	vst v63  }
0x2d: {  	_ =	swait.ge [sflag:s21], $0x4000  }
0x2e: {  	[sflag:s21] =	ssyncset.done $0x0  }
0x2f: {  	[sflag:s21] =	ssyncadd.s32 $0xFFFFC000  }
0x30: {  	[spmem:s7] =	stream.linear.scatter [tilespmem:s20], [sflag:$0x3], $0x4000, $0x38;
	[tilespmem:$0x1E800] =	vst v63  }
0x31: {  	_ =	swait.ge [sflag:s21], $0x4000  }
0x32: {  	[sflag:s21] =	ssyncset.done $0x0  }
0x33: {  	[sflag:s21] =	ssyncadd.s32 $0xFFFFC000  }
0x34: {  	[spmem:s8] =	stream.linear.scatter [tilespmem:s20], [sflag:$0x3], $0x4000, $0x38;
	[tilespmem:$0x1E800] =	vst v63  }
0x35: {  	_ =	swait.ge [sflag:s21], $0x4000  }
0x36: {  	[sflag:s21] =	ssyncset.done $0x0  }
0x37: {  	[sflag:s21] =	ssyncadd.s32 $0xFFFFC000  }
0x38: {  	[spmem:s9] =	stream.linear.scatter [tilespmem:s20], [sflag:$0x3], $0x4000, $0x38;
	[tilespmem:$0x1E800] =	vst v63  }
0x39: {  	_ =	swait.ge [sflag:s21], $0x4000  }
0x3a: {  	[sflag:s21] =	ssyncset.done $0x0  }
0x3b: {  	[sflag:s21] =	ssyncadd.s32 $0xFFFFC000  }
0x3c: {  	s30 =	simm.s32 $0x0;
	[bflag:$0x0] =	sbarrier.arrive $0xFFFF  }
0x3d: {  	[tilespmem:s30], [sflag:$0x3] =	stream.linear.gather [hbm4b:s10+s30], $0x1400, $0x38;
	[tilespmem:$0x1E800] =	vst v63  }
0x3e: {  	_ =	swait.ge [sflag:s21], $0x1400  }
0x3f: {  	[sflag:s21] =	ssyncset.done $0x0  }
0x40: {  	[sflag:s21] =	ssyncadd.s32 $0xFFFFEC00  }
0x41: {  	[tilespmem:s22], [sflag:$0x3] =	stream.linear.gather [hbm4b:s11+s30], $0x1400, $0x38;
	[tilespmem:$0x1E800] =	vst v63  }
0x42: {  	_ =	swait.ge [sflag:s21], $0x1400  }
0x43: {  	[sflag:s21] =	ssyncset.done $0x0  }
0x44: {  	[sflag:s21] =	ssyncadd.s32 $0xFFFFEC00  }
0x45: {  	[tilespmem:s20], [sflag:$0x1] =	stream.indirect.gather [hbm4b:s4+s23], $0x80, s30, s23, $0xb8;
	[tilespmem:$0x1E800] =	vst v63  }
0x46: {  	_ = 	snop  }
0x47: {  	[tilespmem:s24], [sflag:$0x2] =	stream.indirect.gather [hbm4b:s4+s23], $0x80, s23, s23, $0xb8;
	[tilespmem:$0x1E800] =	vst v63  }
0x48: {  	_ =	swait.ge [sflag:s25], $0x4000  }
0x49: {  	[sflag:s25] =	ssyncset.done $0x0  }
0x4a: {  	s30 =	simm.s32 $0x1400;
	[sflag:s25] =	ssyncadd.s32 $0xFFFFC000  }
0x4b: {  	[spmem:s1] =	stream.indirect.scatter.add.f32 [tilespmem:s20], [sflag:$0x3], $0x80, s30, s23, $0xb8;
	[tilespmem:$0x1E800] =	vst v63  }
0x4c: {  	_ =	swait.ge [sflag:s21], $0x4000  }
0x4d: {  	[sflag:s21] =	ssyncset.done $0x0  }
0x4e: {  	s30 =	simm.s32 $0x100;
	[sflag:s21] =	ssyncadd.s32 $0xFFFFC000  }
0x4f: {  	[tilespmem:s20], [sflag:$0x1] =	stream.indirect.gather [hbm4b:s4+s23], $0x80, s30, s23, $0xb8;
	[tilespmem:$0x1E800] =	vst v63  }
0x50: {  	_ =	swait.ge [sflag:s26], $0x4000  }
0x51: {  	[sflag:s26] =	ssyncset.done $0x0  }
0x52: {  	s30 =	simm.s32 $0x1480;
	[sflag:s26] =	ssyncadd.s32 $0xFFFFC000  }
0x53: {  	[spmem:s1] =	stream.indirect.scatter.add.f32 [tilespmem:s24], [sflag:$0x3], $0x80, s30, s23, $0xb8;
	[tilespmem:$0x1E800] =	vst v63  }
0x54: {  	_ =	swait.ge [sflag:s21], $0x4000  }
0x55: {  	[sflag:s21] =	ssyncset.done $0x0  }
0x56: {  	s31 =	simm.s32 $0x180;
	s30 =	simm.s32 $0x400;
	[sflag:s21] =	ssyncadd.s32 $0xFFFFC000  }
.LBB2_4:
0x57: {  	[tilespmem:s24], [sflag:$0x2] =	stream.indirect.gather [hbm4b:s4+s23], $0x80, s31, s23, $0xb8;
	[tilespmem:$0x1E800] =	vst v63  }
0x58: {  	s31 =	smov.u32 s30  }
0x59: {  	p0 =	sne.s32 s30, $0x4800;
	s30 =	sadd.s32 $0x400, s30;
	_ =	swait.ge [sflag:s25], $0x4000  }
0x5a: {  	s31 =	sshra.s32 s31, $0x2;
	[sflag:s25] =	ssyncset.done $0x0  }
0x5b: {  	s0 =	sadd.s32 $0x1400, s31;
	[sflag:s25] =	ssyncadd.s32 $0xFFFFC000  }
0x5c: {  	[spmem:s1] =	stream.indirect.scatter.add.f32 [tilespmem:s20], [sflag:$0x3], $0x80, s0, s23, $0xb8;
	[tilespmem:$0x1E800] =	vst v63  }
0x5d: {  	_ =	swait.ge [sflag:s21], $0x4000  }
0x5e: {  	[sflag:s21] =	ssyncset.done $0x0  }
0x5f: {  	s0 =	sadd.s32 $0x100, s31;
	[sflag:s21] =	ssyncadd.s32 $0xFFFFC000  }
0x60: {  	[tilespmem:s20], [sflag:$0x1] =	stream.indirect.gather [hbm4b:s4+s23], $0x80, s0, s23, $0xb8;
	[tilespmem:$0x1E800] =	vst v63  }
0x61: {  	_ =	swait.ge [sflag:s26], $0x4000  }
0x62: {  	[sflag:s26] =	ssyncset.done $0x0  }
.Ltmp1:
0x63: {  	s0 =	sadd.s32 $0x1480, s31;
	[sflag:s26] =	ssyncadd.s32 $0xFFFFC000;
	(pc) =	sbr.rel @p0 .LBB2_4-.Ltmp1, $4  }
0x64: {  	[spmem:s1] =	stream.indirect.scatter.add.f32 [tilespmem:s24], [sflag:$0x3], $0x80, s0, s23, $0xb8;
	[tilespmem:$0x1E800] =	vst v63  }
0x65: {  	_ =	swait.ge [sflag:s21], $0x4000  }
0x66: {  	[sflag:s21] =	ssyncset.done $0x0  }
0x67: {  	s31 =	sadd.s32 $0x180, s31;
	[sflag:s21] =	ssyncadd.s32 $0xFFFFC000  }
0x68: {  	[tilespmem:s24], [sflag:$0x2] =	stream.indirect.gather [hbm4b:s4+s23], $0x80, s31, s23, $0xb8;
	[tilespmem:$0x1E800] =	vst v63  }
0x69: {  	_ =	swait.ge [sflag:s25], $0x4000  }
0x6a: {  	[sflag:s25] =	ssyncset.done $0x0  }
0x6b: {  	[sflag:s25] =	ssyncadd.s32 $0xFFFFC000  }
0x6c: {  	[spmem:s1] =	stream.indirect.scatter.add.f32 [tilespmem:s20], [sflag:$0x3], $0x80, s28, s23, $0xb8;
	[tilespmem:$0x1E800] =	vst v63  }
0x6d: {  	_ =	swait.ge [sflag:s21], $0x4000  }
0x6e: {  	[sflag:s21] =	ssyncset.done $0x0  }
0x6f: {  	[sflag:s21] =	ssyncadd.s32 $0xFFFFC000  }
0x70: {  	_ =	swait.ge [sflag:s26], $0x4000  }
0x71: {  	[sflag:s26] =	ssyncset.done $0x0  }
0x72: {  	[sflag:s26] =	ssyncadd.s32 $0xFFFFC000  }
0x73: {  	[spmem:s1] =	stream.indirect.scatter.add.f32 [tilespmem:s24], [sflag:$0x3], $0x80, s29, s23, $0xb8;
	[tilespmem:$0x1E800] =	vst v63  }
0x74: {  	_ =	swait.ge [sflag:s21], $0x4000  }
0x75: {  	[sflag:s21] =	ssyncset.done $0x0  }
0x76: {  	s0 =	simm.s32 $0x0;
	[sflag:s21] =	ssyncadd.s32 $0xFFFFC000  }
0x77: {  	[tilespmem:s0], [sflag:$0x3] =	stream.linear.gather [hbm4b:s12+s0], $0x1400, $0x38;
	[tilespmem:$0x1E800] =	vst v63  }
0x78: {  	_ =	swait.ge [sflag:s21], $0x1400  }
0x79: {  	[sflag:s21] =	ssyncset.done $0x0  }
0x7a: {  	[sflag:s21] =	ssyncadd.s32 $0xFFFFEC00  }
0x7b: {  	[tilespmem:s22], [sflag:$0x3] =	stream.linear.gather [hbm4b:s13+s0], $0x1400, $0x38;
	[tilespmem:$0x1E800] =	vst v63  }
0x7c: {  	_ =	swait.ge [sflag:s21], $0x1400  }
0x7d: {  	[sflag:s21] =	ssyncset.done $0x0  }
0x7e: {  	[sflag:s21] =	ssyncadd.s32 $0xFFFFEC00  }
0x7f: {  	[tilespmem:s20], [sflag:$0x1] =	stream.indirect.gather [hbm4b:s4+s23], $0x80, s0, s23, $0xb8;
	[tilespmem:$0x1E800] =	vst v63  }
0x80: {  	_ = 	snop  }
0x81: {  	[tilespmem:s24], [sflag:$0x2] =	stream.indirect.gather [hbm4b:s4+s23], $0x80, s23, s23, $0xb8;
	[tilespmem:$0x1E800] =	vst v63  }
0x82: {  	_ =	swait.ge [sflag:s25], $0x4000  }
0x83: {  	[sflag:s25] =	ssyncset.done $0x0  }
0x84: {  	s0 =	simm.s32 $0x1400;
	[sflag:s25] =	ssyncadd.s32 $0xFFFFC000  }
0x85: {  	[spmem:s1] =	stream.indirect.scatter.add.f32 [tilespmem:s20], [sflag:$0x3], $0x80, s0, s23, $0xb8;
	[tilespmem:$0x1E800] =	vst v63  }
0x86: {  	_ =	swait.ge [sflag:s21], $0x4000  }
0x87: {  	[sflag:s21] =	ssyncset.done $0x0  }
0x88: {  	s0 =	simm.s32 $0x100;
	[sflag:s21] =	ssyncadd.s32 $0xFFFFC000  }
0x89: {  	[tilespmem:s20], [sflag:$0x1] =	stream.indirect.gather [hbm4b:s4+s23], $0x80, s0, s23, $0xb8;
	[tilespmem:$0x1E800] =	vst v63  }
0x8a: {  	_ =	swait.ge [sflag:s26], $0x4000  }
0x8b: {  	[sflag:s26] =	ssyncset.done $0x0  }
0x8c: {  	s0 =	simm.s32 $0x1480;
	[sflag:s26] =	ssyncadd.s32 $0xFFFFC000  }
0x8d: {  	[spmem:s1] =	stream.indirect.scatter.add.f32 [tilespmem:s24], [sflag:$0x3], $0x80, s0, s23, $0xb8;
	[tilespmem:$0x1E800] =	vst v63  }
0x8e: {  	_ =	swait.ge [sflag:s21], $0x4000  }
0x8f: {  	[sflag:s21] =	ssyncset.done $0x0  }
0x90: {  	s30 =	simm.s32 $0x400;
	s31 =	simm.s32 $0x180;
	[sflag:s21] =	ssyncadd.s32 $0xFFFFC000  }
.LBB2_6:
0x91: {  	[tilespmem:s24], [sflag:$0x2] =	stream.indirect.gather [hbm4b:s4+s23], $0x80, s31, s23, $0xb8;
	[tilespmem:$0x1E800] =	vst v63  }
0x92: {  	s0 =	smov.u32 s30  }
0x93: {  	p0 =	sne.s32 s30, $0x4800;
	s30 =	sadd.s32 $0x400, s30;
	_ =	swait.ge [sflag:s25], $0x4000  }
0x94: {  	s0 =	sshra.s32 s0, $0x2;
	[sflag:s25] =	ssyncset.done $0x0  }
0x95: {  	s31 =	sadd.s32 $0x1400, s0;
	[sflag:s25] =	ssyncadd.s32 $0xFFFFC000  }
0x96: {  	[spmem:s1] =	stream.indirect.scatter.add.f32 [tilespmem:s20], [sflag:$0x3], $0x80, s31, s23, $0xb8;
	[tilespmem:$0x1E800] =	vst v63  }
0x97: {  	_ =	swait.ge [sflag:s21], $0x4000  }
0x98: {  	[sflag:s21] =	ssyncset.done $0x0  }
0x99: {  	s31 =	sadd.s32 $0x100, s0;
	[sflag:s21] =	ssyncadd.s32 $0xFFFFC000  }
0x9a: {  	[tilespmem:s20], [sflag:$0x1] =	stream.indirect.gather [hbm4b:s4+s23], $0x80, s31, s23, $0xb8;
	[tilespmem:$0x1E800] =	vst v63  }
0x9b: {  	_ =	swait.ge [sflag:s26], $0x4000  }
0x9c: {  	[sflag:s26] =	ssyncset.done $0x0  }
.Ltmp2:
0x9d: {  	s31 =	sadd.s32 $0x1480, s0;
	[sflag:s26] =	ssyncadd.s32 $0xFFFFC000;
	(pc) =	sbr.rel @p0 .LBB2_6-.Ltmp2, $4  }
0x9e: {  	[spmem:s1] =	stream.indirect.scatter.add.f32 [tilespmem:s24], [sflag:$0x3], $0x80, s31, s23, $0xb8;
	[tilespmem:$0x1E800] =	vst v63  }
0x9f: {  	_ =	swait.ge [sflag:s21], $0x4000  }
0xa0: {  	[sflag:s21] =	ssyncset.done $0x0  }
0xa1: {  	s31 =	sadd.s32 $0x180, s0;
	[sflag:s21] =	ssyncadd.s32 $0xFFFFC000  }
0xa2: {  	[tilespmem:s24], [sflag:$0x2] =	stream.indirect.gather [hbm4b:s4+s23], $0x80, s31, s23, $0xb8;
	[tilespmem:$0x1E800] =	vst v63  }
0xa3: {  	_ =	swait.ge [sflag:s25], $0x4000  }
0xa4: {  	[sflag:s25] =	ssyncset.done $0x0  }
0xa5: {  	[sflag:s25] =	ssyncadd.s32 $0xFFFFC000  }
0xa6: {  	[spmem:s1] =	stream.indirect.scatter.add.f32 [tilespmem:s20], [sflag:$0x3], $0x80, s28, s23, $0xb8;
	[tilespmem:$0x1E800] =	vst v63  }
0xa7: {  	_ =	swait.ge [sflag:s21], $0x4000  }
0xa8: {  	[sflag:s21] =	ssyncset.done $0x0  }
0xa9: {  	[sflag:s21] =	ssyncadd.s32 $0xFFFFC000  }
0xaa: {  	_ =	swait.ge [sflag:s26], $0x4000  }
0xab: {  	[sflag:s26] =	ssyncset.done $0x0  }
0xac: {  	[sflag:s26] =	ssyncadd.s32 $0xFFFFC000  }
0xad: {  	[spmem:s1] =	stream.indirect.scatter.add.f32 [tilespmem:s24], [sflag:$0x3], $0x80, s29, s23, $0xb8;
	[tilespmem:$0x1E800] =	vst v63  }
0xae: {  	_ =	swait.ge [sflag:s21], $0x4000  }
0xaf: {  	[sflag:s21] =	ssyncset.done $0x0  }
0xb0: {  	s0 =	sshll.u32 s2, $0x6;
	[sflag:s21] =	ssyncadd.s32 $0xFFFFC000  }
0xb1: {  	s30 =	sshrl.u32 s5, $0x3;
	s0 =	sor.u32 $0x1C03, s0;
	[bflag:$0x0] =	sbarrier.arrive $0xFFFF  }
0xb2: {  	[hbm:s14], [sflag:s0] =	dma.local [spmem:s30], $0x800  }
0xb3: {  	_ =	swait.ge [sflag:s21], $0x800  }
0xb4: {  	[sflag:s21] =	ssyncset.done $0x0  }
0xb5: {  	s31 =	sshrl.u32 s6, $0x3;
	[sflag:s21] =	ssyncadd.s32 $0xFFFFF800  }
0xb6: {  	[hbm:s15], [sflag:s0] =	dma.local [spmem:s31], $0x800  }
0xb7: {  	_ =	swait.ge [sflag:s21], $0x800  }
0xb8: {  	[sflag:s21] =	ssyncset.done $0x0  }
0xb9: {  	s31 =	sshrl.u32 s7, $0x3;
	[sflag:s21] =	ssyncadd.s32 $0xFFFFF800  }
0xba: {  	[hbm:s16], [sflag:s0] =	dma.local [spmem:s31], $0x800  }
0xbb: {  	_ =	swait.ge [sflag:s21], $0x800  }
0xbc: {  	[sflag:s21] =	ssyncset.done $0x0  }
0xbd: {  	s31 =	sshrl.u32 s8, $0x3;
	[sflag:s21] =	ssyncadd.s32 $0xFFFFF800  }
0xbe: {  	[hbm:s17], [sflag:s0] =	dma.local [spmem:s31], $0x800  }
0xbf: {  	s3 =	sadd.s32 $0x1, s3;
	_ =	swait.ge [sflag:s21], $0x800  }
0xc0: {  	p0 =	sne.s32 s3, s19;
	[sflag:s21] =	ssyncset.done $0x0  }
.Ltmp3:
0xc1: {  	s31 =	sshrl.u32 s9, $0x3;
	[sflag:s21] =	ssyncadd.s32 $0xFFFFF800;
	(pc) =	sbr.rel @p0 .LBB2_1-.Ltmp3, $4  }
0xc2: {  	[hbm:s18], [sflag:s0] =	dma.local [spmem:s31], $0x800  }
0xc3: {  	_ =	swait.ge [sflag:s21], $0x800  }
0xc4: {  	[sflag:s21] =	ssyncset.done $0x0  }
0xc5: {  	[sflag:s21] =	ssyncadd.s32 $0xFFFFF800  }
0xc6: {  	_ =	sfence.sel $0x180000  }
0xc7: {  	[bflag:$0x0] =	sbarrier.arrive $0xFFFF  }
0xc8: {  	_ =	strace $0x9000004D  }
0xc9: {  	[bflag:$0x2] =	sbarrier.arrive $0xFFFF  }
0xca: {  	p0 =	sne.s32 s2, $0x0;
	s0 =	rddreg [dreg:$0x3]  }
0xcb: {  	s0 =	sadd.s32 @!p0 $0x100000, s0  }
0xcc: {  	[sflag:s0] =	ssyncadd.tile.s32 @!p0 $0x1;
	_ =	shalt  }
.Lfunc_end2:
_tile_overlayer_lowered:
.L_overlay_start_2:
0xcd: {  	(tag) =	ssettag $0x2  }
0xce: {  	s0 =	rddreg [dreg:$0x0];
	s2 =	stileid.u32  }
0xcf: {  	s1 =	rddreg [dreg:$0x1];
	p0 =	sne.s32 s2, $0x0  }
0xd0: {  	s3 =	rddreg [dreg:$0x2];
	[bflag:$0x3] =	sbarrier.arrive $0xFFFF;
	s2 =	simm.s32 @!p0 $0x1C03  }
0xd1: {  	[timem:s3], [sflag:s2] =	dma.local @!p0 [hbm:s0], s1  }
0xd2: {  	s0 =	simm.s32 @!p0 $0x3  }
0xd3: {  	_ =	swait.ge @!p0 [sflag:s0], s1  }
0xd4: {  	s1 =	ssub.s32 @!p0 $0x0, s1;
	[sflag:s0] =	ssyncset.done @!p0 $0x0  }
0xd5: {  	[sflag:s0] =	ssyncadd.s32 @!p0 s1  }
0xd6: {  	[bflag:$0x3] =	sbarrier.arrive $0xFFFF  }
0xd7: {  	_ =	shalt  }

// kernel: kernel.8.cloned.1.call-start
scs
__scs_entry_jumppad:
0x0: {  	(pc) =	sbr.rel $0x88, $3  }
0x1: {  	(tag) =	ssettag $0x0;
	lr =	simm.s32 $0x1  }
0x2: {  	[smem:$0x3F9B] =	sst lr;
	_ =	strace $0xD0000000  }
0x3: {  	_ = 	snop  }
0x4: {  	_ = 	snop  }
0x5: {  	_ = 	snop  }
0x6: {  	_ = 	snop  }
0x7: {  	_ = 	snop  }
__scs_overlays_trampoline_lowered:
0x8: {  	[smem:$0x3FAA] =	sst s0  }
0x9: {  	[smem:$0x3FAB] =	sst s1  }
0xa: {  	[smem:$0x3FAC] =	sst s2  }
0xb: {  	[smem:$0x3FAD] =	sst s3  }
0xc: {  	[smem:$0x3FAE] =	sst s4  }
0xd: {  	[smem:$0x3FAF] =	sst s5  }
0xe: {  	[smem:$0x3FB0] =	sst s6  }
0xf: {  	[smem:$0x3FB1] =	sst s7  }
0x10: {  	[smem:$0x3FB2] =	sst s8  }
0x11: {  	[smem:$0x3FB3] =	sst s9;
	s0 =	simm.s32 @!p0 $0x0  }
0x12: {  	s1 =	sld [smem:$0x3F99];
	s0 =	simm.s32 @p0 $0x1  }
0x13: {  	[smem:$0x3FB4] =	sst s0;
	s0 =	simm.s32 @!p1 $0x0  }
0x14: {  	s2 =	sld [smem:$0x3F98];
	s0 =	simm.s32 @p1 $0x1  }
0x15: {  	[smem:$0x3FB5] =	sst s0;
	s0 =	simm.s32 @!p2 $0x0  }
0x16: {  	s3 =	sld [smem:$0x3FDB];
	s0 =	simm.s32 @p2 $0x1  }
0x17: {  	s4 =	simm.s32 $0x1BF5;
	[smem:$0x3FB7] =	sst s0  }
0x18: {  	s0 =	sld [smem:$0x3F9A];
	_ =	swait.ge [sflag:s4], $0x0  }
0x19: {  	s7 =	sld [smem:$0x3F9B]  }
0x1a: {  	s8 =	sadd.s32 $0xFFFFE003, lr  }
0x1b: {  	s9 =	sadd.s32 $0xFFFFFEF7, lr;
	s5 =	simm.s32 $0xFFFFFFFF;
	p2 =	slt.u32 s8, $0xFFFFF086  }
0x1c: {  	p1 =	slt.u32 s9, $0xF7A;
	s5 =	simm.s32 @!p2 $0x0  }
0x1d: {  	s5 =	simm.s32 @p1 $0x1;
	p0 =	seq.s32 s7, s2  }
0x1e: {  	s7 =	smul.u32 @!p0 $0xF7A, s2;
	p2 =	seq.s32 @!p0 s5, $0x0  }
0x1f: {  	s9 =	smul.u32 $0xF7A, s1;
	s8 =	simm.s32 @!p0 $0x1BF5;
	p2 =	por !p2, p0  }
0x20: {  	[sflag:s8] =	ssyncset.s32 @!p0 $0xFFFFF086;
	s6 =	sadd.s32 @!p0 s3, s7;
	s7 =	simm.s32 @!p0 $0x108  }
0x21: {  	s3 =	sadd.s32 s3, s9;
	s6 =	sadd.s32 @!p0 $0x88, s6;
	s7 =	simm.s32 @p2 $0x1082  }
0x22: {  	[simem:s7], [sflag:s8] =	dma.local @!p0 [hbm:s6], $0xF7A  }
0x23: {  	s9 =	sor.u32 $0xD0000000, s2;
	s6 =	simm.s32 $0x108;
	_ =	swait.ge @!p0 [sflag:s8], $0x0  }
0x24: {  	s3 =	sadd.s32 $0x88, s3;
	s6 =	simm.s32 @!p1 $0x1082;
	[sflag:s4] =	ssyncset.s32 $0xFFFFF086  }
0x25: {  	[simem:s6], [sflag:s4] =	dma.local [hbm:s3], $0xF7A  }
0x26: {  	[smem:$0x3F9B] =	sst s1;
	(tag) =	ssettag s2;
	_ =	strace s9  }
0x27: {  	s1 =	sld [smem:$0x3FAB]  }
0x28: {  	s2 =	sld [smem:$0x3FAC]  }
0x29: {  	s4 =	sld [smem:$0x3FAE]  }
0x2a: {  	p0 =	seq.s32 s5, $0x0;
	s5 =	sld [smem:$0x3FAF]  }
0x2b: {  	s6 =	sld [smem:$0x3FB0]  }
0x2c: {  	s7 =	sld [smem:$0x3FB1]  }
0x2d: {  	s3 =	simm.s32 $0x108;
	s8 =	sld [smem:$0x3FB2]  }
0x2e: {  	s3 =	simm.s32 @!p0 $0x1082;
	s9 =	sld [smem:$0x3FB3]  }
0x2f: {  	lr =	sadd.s32 s0, s3;
	s0 =	sld [smem:$0x3FAA]  }
0x30: {  	s3 =	sld [smem:$0x3FAD]  }
0x31: {  	[smem:$0x3FB6] =	sst s10  }
0x32: {  	s10 =	sld [smem:$0x3FB4];
	_ =	sdelay $0x3  }
0x33: {  	p0 =	seq.s32 s10, $0x1;
	s10 =	sld [smem:$0x3FB6];
	_ =	sdelay $0x3  }
0x34: {  	[smem:$0x3FB6] =	sst s10  }
0x35: {  	s10 =	sld [smem:$0x3FB5];
	_ =	sdelay $0x3  }
0x36: {  	p1 =	seq.s32 s10, $0x1;
	s10 =	sld [smem:$0x3FB6];
	_ =	sdelay $0x3  }
0x37: {  	[smem:$0x3FB6] =	sst s10  }
0x38: {  	s10 =	sld [smem:$0x3FB7]  }
0x39: {  	_ = 	snop;
	(pc) =	sbr.ind lr, $3  }
0x3a: {  	_ = 	snop  }
0x3b: {  	_ = 	snop  }
0x3c: {  	p2 =	seq.s32 s10, $0x1;
	s10 =	sld [smem:$0x3FB6]  }
0x3d: {  	_ =	shalt  }
0x3e: {  	_ =	shalt  }
0x3f: {  	_ =	shalt  }
0x40: {  	_ =	shalt  }
0x41: {  	_ =	shalt  }
0x42: {  	_ =	shalt  }
0x43: {  	_ =	shalt  }
0x44: {  	_ =	shalt  }
0x45: {  	_ =	shalt  }
0x46: {  	_ =	shalt  }
0x47: {  	_ =	shalt  }
0x48: {  	_ =	shalt  }
0x49: {  	_ =	shalt  }
0x4a: {  	_ =	shalt  }
0x4b: {  	_ =	shalt  }
0x4c: {  	_ =	shalt  }
0x4d: {  	_ =	shalt  }
0x4e: {  	_ =	shalt  }
0x4f: {  	_ =	shalt  }
0x50: {  	_ =	shalt  }
0x51: {  	_ =	shalt  }
0x52: {  	_ =	shalt  }
0x53: {  	_ =	shalt  }
0x54: {  	_ =	shalt  }
0x55: {  	_ =	shalt  }
0x56: {  	_ =	shalt  }
0x57: {  	_ =	shalt  }
0x58: {  	_ =	shalt  }
0x59: {  	_ =	shalt  }
0x5a: {  	_ =	shalt  }
0x5b: {  	_ =	shalt  }
0x5c: {  	_ =	shalt  }
0x5d: {  	_ =	shalt  }
0x5e: {  	_ =	shalt  }
0x5f: {  	_ =	shalt  }
0x60: {  	_ =	shalt  }
0x61: {  	_ =	shalt  }
0x62: {  	_ =	shalt  }
0x63: {  	_ =	shalt  }
0x64: {  	_ =	shalt  }
0x65: {  	_ =	shalt  }
0x66: {  	_ =	shalt  }
0x67: {  	_ =	shalt  }
0x68: {  	_ =	shalt  }
0x69: {  	_ =	shalt  }
0x6a: {  	_ =	shalt  }
0x6b: {  	_ =	shalt  }
0x6c: {  	_ =	shalt  }
0x6d: {  	_ =	shalt  }
0x6e: {  	_ =	shalt  }
0x6f: {  	_ =	shalt  }
0x70: {  	_ =	shalt  }
0x71: {  	_ =	shalt  }
0x72: {  	_ =	shalt  }
0x73: {  	_ =	shalt  }
0x74: {  	_ =	shalt  }
0x75: {  	_ =	shalt  }
0x76: {  	_ =	shalt  }
0x77: {  	_ =	shalt  }
0x78: {  	_ =	shalt  }
0x79: {  	_ =	shalt  }
0x7a: {  	_ =	shalt  }
0x7b: {  	_ =	shalt  }
0x7c: {  	_ =	shalt  }
0x7d: {  	_ =	shalt  }
0x7e: {  	_ =	shalt  }
0x7f: {  	_ =	shalt  }
0x80: {  	_ =	shalt  }
0x81: {  	_ =	shalt  }
0x82: {  	_ =	shalt  }
0x83: {  	_ =	shalt  }
0x84: {  	_ =	shalt  }
0x85: {  	_ =	shalt  }
0x86: {  	_ =	shalt  }
0x87: {  	_ =	shalt  }
.Lfunc_end0:
.L_simem_size_0:
called_computation_lowered:
.L_overlay_start_0:
0x88: {  	s2 =	sld [smem:$0x3FD9]  }
0x89: {  	s3 =	sld [smem:$0x3FFE];
	_ =	sdelay $0x1  }
0x8a: {  	s1 =	srdreg.scid  }
0x8b: {  	s0 =	sand.u32 $0x1, s1  }
0x8c: {  	s17 =	sshll.u32 s0, $0xA;
	s2 =	sadd.s32 s3, s2  }
0x8d: {  	s2 =	sadd.s32 s2, s17  }
0x8e: {  	[smem:$0x3FC2] =	sst s2  }
0x8f: {  	_ = 	snop  }
0x90: {  	s2 =	sld [smem:$0x3FD0];
	(tm) =	ssettm $0x1  }
0x91: {  	s18 =	sld [smem:$0x3FFB];
	_ =	sdelay $0x3  }
0x92: {  	_ =	strace s18  }
0x93: {  	s3 =	sld [smem:$0x3FFC];
	_ =	sdelay $0x3  }
0x94: {  	_ =	strace s3  }
0x95: {  	s3 =	sld [smem:$0x3FFD];
	_ =	sdelay $0x3  }
0x96: {  	_ =	strace s3  }
0x97: {  	_ =	strace $0x8FFFFFFF  }
0x98: {  	s19 =	sld [smem:$0x3FDB];
	_ =	sdelay $0x1  }
0x99: {  	s4 =	simm.s32 $_scs_section_size  }
0x9a: {  	s5 =	simm.s32 $_size__tile_overlayer_lowered;
	s6 =	simm.s32 $_tile_overlayer_lowered  }
0x9b: {  	s22 =	simm.s32 $0x1BFF;
	s21 =	sshll.u32 s6, $0x1;
	s3 =	sadd.s32 s4, s19  }
0x9c: {  	s7 =	simm.s32 $0x0;
	s20 =	sshll.u32 s5, $0x1;
	s5 =	sadd.s32 s21, s3  }
0x9d: {  	[timem:s7], [sflag:s22] =	dma.local [hbm:s5], s20  }
0x9e: {  	_ =	swait.ge [sflag:s22], s20  }
0x9f: {  	s4 =	ssub.s32 $0x0, s20;
	[sflag:s22] =	ssyncset.done $0x0  }
0xa0: {  	[sflag:s22] =	ssyncadd.s32 s4;
	_ =	sdelay $0x1  }
0xa1: {  	s23 =	simm.s32 $0x1B8B  }
0xa2: {  	_ =	swait.ge [sflag:s23], $0x1  }
0xa3: {  	[sflag:s23] =	ssyncset.done $0x0  }
0xa4: {  	s25 =	simm.s32 $0x1B8E;
	s24 =	sld [smem:$0x3FFE];
	[sflag:s23] =	ssyncadd.s32 $0xFFFFFFFF  }
0xa5: {  	s26 =	simm.s32 $execute0_lowered;
	[smem:$0x3FD2] =	sst s25  }
0xa6: {  	s5 =	sshll.u32 s26, $0x1;
	_ =	strace $0x80000046;
	[dreg:$0x1] =	wrdreg $0xFFFFFFFF  }
0xa7: {  	s28 =	simm.s32 $_size_execute0_lowered;
	s3 =	sadd.s32 s3, s5;
	[dreg:$0x0] =	wrdreg $0x0  }
0xa8: {  	s5 =	sshll.u32 s28, $0x1;
	[dreg:$0x2] =	wrdreg s3  }
0xa9: {  	[dreg:$0x3] =	wrdreg s5  }
0xaa: {  	[dreg:$0x4] =	wrdreg $0xC0  }
0xab: {  	_ =	task [dreg:s7], $0x5FFFF  }
0xac: {  	[dreg:$0x1] =	wrdreg $0xFFFFFFFF  }
0xad: {  	[dreg:$0x0] =	wrdreg $0x60  }
0xae: {  	[dreg:$0x2] =	wrdreg s2  }
0xaf: {  	[dreg:$0x3] =	wrdreg s24  }
0xb0: {  	[dreg:$0x4] =	wrdreg $0xA8000  }
0xb1: {  	[dreg:$0x5] =	wrdreg $0x9  }
0xb2: {  	_ =	task.clear_ibuf [dreg:s7], $0x6FFFF;
	_ =	strace $0x90000046  }
0xb3: {  	s29 =	simm.s32 $0x9;
	_ =	strace $0x80000048  }
0xb4: {  	_ =	swait.ge [sflag:s29], $0x1  }
0xb5: {  	[sflag:s29] =	ssyncadd.s32 $0xFFFFFFFF  }
0xb6: {  	_ =	strace $0x90000048  }
0xb7: {  	_ =	sfence  }
0xb8: {  	s30 =	sld [smem:$0x0];
	_ =	sdelay $0x2  }
0xb9: {  	s31 =	sshll.u32 s1, $0xD;
	s1 =	sshrl.u32 s1, $0x2  }
0xba: {  	s3 =	sand.u32 $0x4000, s31;
	s1 =	sadd.s32 s1, s30  }
0xbb: {  	s0 =	sor.u32 s3, s0;
	s1 =	sshll.u32 s1, $0x11  }
0xbc: {  	s0 =	sor.u32 s1, s0  }
0xbd: {  	s0 =	sadd.s32 $0x8F2B, s0  }
0xbe: {  	[sflag:s0] =	ssyncadd.remote.s32 $0x1  }
0xbf: {  	_ =	sfence.sel $0xFFFF  }
0xc0: {  	[dreg:$0x0] =	wrdreg $0xFFFFFFFF;
	(pc) =	sbr.abs _section_cstart, $3  }
0xc1: {  	[dreg:$0x1] =	wrdreg $0xFFFFFFFF  }
0xc2: {  	_ =	task.clear_ibuf [dreg:s7], $0x2FFFF;
	_ =	strace $0x9FFFFFFF  }
0xc3: {  	(tm) =	ssettm $0x7FFFFFFF  }
tec
execute0_lowered:
.L_overlay_start_1:
0x0: {  	(tag) =	ssettag $0x1  }
0x1: {  	s9 =	rddreg [dreg:$0x0]  }
0x2: {  	s4 =	rddreg [dreg:$0x1]  }
0x3: {  	s1 =	rddreg [dreg:$0x2]  }
0x4: {  	s0 =	rddreg [dreg:$0x3];
	s3 =	simm.s32 $0x0;
	s5 =	srdreg.scid  }
0x5: {  	s2 =	stileid.u32;
	s19 =	simm.s32 $0x2800;
	[smem:$0x7FF] =	sst s3  }
0x6: {  	s5 =	sand.u32 $0x1, s5;
	s7 =	smul.u32 $0x50000, s2;
	s14 =	sadd.s32 $0x1E00, s4  }
0x7: {  	s8 =	smul.u32 $0x14000, s2;
	_ =	strace $0x80000047;
	s6 =	ssub.s32 $0x2, s5  }
0x8: {  	s30 =	sshll.u32 s5, $0x4;
	s16 =	smul.u32 $0x140000, s5;
	s29 =	sshrl.u32 s6, $0x1  }
0x9: {  	s31 =	sshrl.u32 s7, $0x2;
	s10 =	sor.u32 s2, s30;
	s11 =	sadd.s32 $0x4000, s8  }
0xa: {  	s12 =	sadd.s32 $0x8000, s8;
	s13 =	sadd.s32 $0xC000, s8;
	s17 =	sadd.s32 $0x10000, s8  }
0xb: {  	s15 =	ssub.s32 s6, s29;
	s4 =	sadd.s32 s31, s1;
	s5 =	sadd.s32 s11, s1  }
0xc: {  	s6 =	sadd.s32 s12, s1;
	s7 =	sadd.s32 s13, s1;
	s10 =	smul.u32 $0x500, s10  }
0xd: {  	s18 =	sadd.s32 s8, s16;
	s8 =	sadd.s32 s17, s1;
	s11 =	sadd.s32 s16, s11  }
0xe: {  	s12 =	sadd.s32 s16, s12;
	s13 =	sadd.s32 s16, s13;
	s16 =	sadd.s32 s16, s17  }
0xf: {  	s17 =	simm.s32 $0x1;
	s18 =	sshrl.u32 s18, $0x3;
	s11 =	sshrl.u32 s11, $0x3  }
0x10: {  	s12 =	sshrl.u32 s12, $0x3;
	s13 =	sshrl.u32 s13, $0x3;
	s16 =	sshrl.u32 s16, $0x3  }
0x11: {  	s15 =	smax.u32 s15, $0x1;
	s9 =	sadd.s32 s9, s10;
	s10 =	sadd.s32 s14, s18  }
0x12: {  	s11 =	sadd.s32 s14, s11;
	s12 =	sadd.s32 s14, s12;
	s13 =	sadd.s32 s14, s13  }
0x13: {  	v0 =	vimm.f32 $1.000000000e+00;
	v1 =	vimm.f32 $0.0e+00;
	s14 =	sadd.s32 s14, s16;
	s16 =	simm.s32 $0x6800;
	s18 =	simm.s32 $0x80  }
.LBB2_1:
0x14: {  	s20 =	simm.s32 $0x200;
	s21 =	simm.s32 $0x0  }
.LBB2_2:
0x15: {  	p0 =	sne.s32 s20, $0xFE00;
	[tilespmem:s21+$0x2800] =	vst v0;
	s22 =	smov.u32 s20;
	s20 =	sadd.s32 $0x200, s20  }
.Ltmp0:
0x16: {  	[tilespmem:s21+$0x6800] =	vst v1;
	(pc) =	sbr.rel @p0 .LBB2_2-.Ltmp0, $2  }
0x17: {  	_ =	sdelay $0x2  }
0x18: {  	s21 =	sshra.s32 s22, $0x2  }
0x19: {  	[tilespmem:s21+$0x2800] =	vst v0  }
0x1a: {  	[tilespmem:s21+$0x6800] =	vst v1  }
0x1b: {  	[spmem:s4] =	stream.linear.scatter [tilespmem:s16], [sflag:$0x1], $0x4000, $0x38;
	[tilespmem:$0xD000] =	vst v63  }
0x1c: {  	_ =	swait.ge [sflag:s17], $0x4000  }
0x1d: {  	[sflag:s17] =	ssyncset.done $0x0  }
0x1e: {  	[sflag:s17] =	ssyncadd.s32 $0xFFFFC000  }
0x1f: {  	[spmem:s5] =	stream.linear.scatter [tilespmem:s16], [sflag:$0x1], $0x4000, $0x38;
	[tilespmem:$0xD000] =	vst v63  }
0x20: {  	_ =	swait.ge [sflag:s17], $0x4000  }
0x21: {  	[sflag:s17] =	ssyncset.done $0x0  }
0x22: {  	[sflag:s17] =	ssyncadd.s32 $0xFFFFC000  }
0x23: {  	[spmem:s6] =	stream.linear.scatter [tilespmem:s16], [sflag:$0x1], $0x4000, $0x38;
	[tilespmem:$0xD000] =	vst v63  }
0x24: {  	_ =	swait.ge [sflag:s17], $0x4000  }
0x25: {  	[sflag:s17] =	ssyncset.done $0x0  }
0x26: {  	[sflag:s17] =	ssyncadd.s32 $0xFFFFC000  }
0x27: {  	[spmem:s7] =	stream.linear.scatter [tilespmem:s16], [sflag:$0x1], $0x4000, $0x38;
	[tilespmem:$0xD000] =	vst v63  }
0x28: {  	_ =	swait.ge [sflag:s17], $0x4000  }
0x29: {  	[sflag:s17] =	ssyncset.done $0x0  }
0x2a: {  	[sflag:s17] =	ssyncadd.s32 $0xFFFFC000  }
0x2b: {  	[spmem:s8] =	stream.linear.scatter [tilespmem:s16], [sflag:$0x1], $0x4000, $0x38;
	[tilespmem:$0xD000] =	vst v63  }
0x2c: {  	_ =	swait.ge [sflag:s17], $0x4000  }
0x2d: {  	[sflag:s17] =	ssyncset.done $0x0  }
0x2e: {  	s20 =	simm.s32 $0x0;
	[sflag:s17] =	ssyncadd.s32 $0xFFFFC000  }
0x2f: {  	[tilespmem:s20], [sflag:$0x1] =	stream.linear.gather [hbm4b:s9+s20], $0x2800, $0x38;
	[tilespmem:$0xD000] =	vst v63  }
0x30: {  	_ =	swait.ge [sflag:s17], $0x2800  }
0x31: {  	[sflag:s17] =	ssyncset.done $0x0  }
0x32: {  	[sflag:s17] =	ssyncadd.s32 $0xFFFFD800  }
0x33: {  	s31 =	simm.s32 $0x0;
	[bflag:$0x0] =	sbarrier.arrive $0xFFFF  }
0x34: {  	[spmem:s1] =	stream.indirect.scatter.add.f32 [tilespmem:s19], [sflag:$0x1], $0x10, s31, s18, $0xb8;
	[tilespmem:$0xD000] =	vst v63  }
0x35: {  	_ =	swait.ge [sflag:s17], $0x800  }
0x36: {  	s20 =	simm.s32 $0x200;
	[sflag:s17] =	ssyncset.done $0x0  }
.LBB2_4:
0x37: {  	s21 =	sshra.s32 s20, $0x2;
	[sflag:s17] =	ssyncadd.s32 $0xFFFFF800;
	p0 =	sne.s32 s20, $0x9E00  }
0x38: {  	[spmem:s1] =	stream.indirect.scatter.add.f32 [tilespmem:s19], [sflag:$0x1], $0x10, s21, s18, $0xb8;
	[tilespmem:$0xD000] =	vst v63  }
.Ltmp1:
0x39: {  	_ = 	snop;
	(pc) =	sbr.rel @p0 .LBB2_4-.Ltmp1, $4  }
0x3a: {  	_ = 	snop  }
0x3b: {  	s20 =	sadd.s32 $0x200, s20  }
0x3c: {  	_ =	swait.ge [sflag:s17], $0x800  }
0x3d: {  	[sflag:s17] =	ssyncset.done $0x0  }
0x3e: {  	[sflag:s17] =	ssyncadd.s32 $0xFFFFF800;
	s20 =	sshll.u32 s2, $0x6  }
0x3f: {  	s21 =	sshrl.u32 s4, $0x3;
	[bflag:$0x0] =	sbarrier.arrive $0xFFFF;
	s20 =	sor.u32 $0x1C01, s20  }
0x40: {  	[hbm:s10], [sflag:s20] =	dma.local [spmem:s21], $0x800  }
0x41: {  	_ =	swait.ge [sflag:s17], $0x800  }
0x42: {  	[sflag:s17] =	ssyncset.done $0x0  }
0x43: {  	s28 =	sshrl.u32 s5, $0x3;
	[sflag:s17] =	ssyncadd.s32 $0xFFFFF800  }
0x44: {  	[hbm:s11], [sflag:s20] =	dma.local [spmem:s28], $0x800  }
0x45: {  	_ =	swait.ge [sflag:s17], $0x800  }
0x46: {  	[sflag:s17] =	ssyncset.done $0x0  }
0x47: {  	s29 =	sshrl.u32 s6, $0x3;
	[sflag:s17] =	ssyncadd.s32 $0xFFFFF800  }
0x48: {  	[hbm:s12], [sflag:s20] =	dma.local [spmem:s29], $0x800  }
0x49: {  	_ =	swait.ge [sflag:s17], $0x800  }
0x4a: {  	[sflag:s17] =	ssyncset.done $0x0  }
0x4b: {  	s30 =	sshrl.u32 s7, $0x3;
	[sflag:s17] =	ssyncadd.s32 $0xFFFFF800  }
0x4c: {  	[hbm:s13], [sflag:s20] =	dma.local [spmem:s30], $0x800  }
0x4d: {  	s3 =	sadd.s32 $0x1, s3;
	_ =	swait.ge [sflag:s17], $0x800  }
0x4e: {  	p0 =	sne.s32 s3, s15;
	[sflag:s17] =	ssyncset.done $0x0  }
.Ltmp2:
0x4f: {  	s31 =	sshrl.u32 s8, $0x3;
	[sflag:s17] =	ssyncadd.s32 $0xFFFFF800;
	(pc) =	sbr.rel @p0 .LBB2_1-.Ltmp2, $4  }
0x50: {  	[hbm:s14], [sflag:s20] =	dma.local [spmem:s31], $0x800  }
0x51: {  	_ =	swait.ge [sflag:s17], $0x800  }
0x52: {  	[sflag:s17] =	ssyncset.done $0x0  }
0x53: {  	[sflag:s17] =	ssyncadd.s32 $0xFFFFF800  }
0x54: {  	_ =	sfence.sel $0x180000  }
0x55: {  	[bflag:$0x0] =	sbarrier.arrive $0xFFFF  }
0x56: {  	p0 =	sne.s32 s2, $0x0;
	_ =	strace $0x90000047  }
0x57: {  	s0 =	sadd.s32 @!p0 $0x100000, s0;
	[bflag:$0x2] =	sbarrier.arrive $0xFFFF  }
0x58: {  	[sflag:s0] =	ssyncadd.tile.s32 @!p0 $0x1;
	_ =	shalt  }
.Lfunc_end2:
_tile_overlayer_lowered:
.L_overlay_start_2:
0x59: {  	(tag) =	ssettag $0x2  }
0x5a: {  	s0 =	rddreg [dreg:$0x0];
	s2 =	stileid.u32  }
0x5b: {  	s1 =	rddreg [dreg:$0x1];
	p0 =	sne.s32 s2, $0x0  }
0x5c: {  	s3 =	rddreg [dreg:$0x2];
	[bflag:$0x3] =	sbarrier.arrive $0xFFFF;
	s2 =	simm.s32 @!p0 $0x1C01  }
0x5d: {  	[timem:s3], [sflag:s2] =	dma.local @!p0 [hbm:s0], s1  }
0x5e: {  	s0 =	simm.s32 @!p0 $0x1  }
0x5f: {  	_ =	swait.ge @!p0 [sflag:s0], s1  }
0x60: {  	s1 =	ssub.s32 @!p0 $0x0, s1;
	[sflag:s0] =	ssyncset.done @!p0 $0x0  }
0x61: {  	[sflag:s0] =	ssyncadd.s32 @!p0 s1  }
0x62: {  	[bflag:$0x3] =	sbarrier.arrive $0xFFFF  }
0x63: {  	_ =	shalt  }

</sc_bundles>
